<compile_context>
chip_gen: v7x
topology: tpu7x:2x2x1
jax: 0.10.2.dev20260603
libtpu: 0.0.44.dev20260713+nightly
codegen_flags: <defaults>
</compile_context>

<pallas_src>
import functools

import jax
import jax.numpy as jnp
from jax import lax
from jax.experimental import pallas as pl
from jax.experimental.pallas import tpu as pltpu
from jax.experimental.pallas import tpu_sc as plsc

N = 10000
E = 160000
D = 256
HALF = 128
NC = 2
NS = 16
EPT = E // NS
CB = 80
NCHUNK = EPT // CB
SUP = 25
NSUP = NCHUNK // SUP
RING = 3
ZROWS = N // 10
ZCH = 200
NZ = ZROWS // ZCH

_mesh = plsc.VectorSubcoreMesh(
    core_axis_name="c", subcore_axis_name="s", num_cores=NC, num_subcores=NS
)


@functools.partial(
    pl.kernel,
    out_type=jax.ShapeDtypeStruct((NC, N, HALF), jnp.float32),
    mesh=_mesh,
    scratch_types=[
        pltpu.VMEM((2, SUP, CB), jnp.int32),
        pltpu.VMEM((2, SUP, CB), jnp.int32),
        pltpu.VMEM((RING, CB, HALF), jnp.float32),
        pltpu.VMEM_SHARED((N, HALF), jnp.float32),
        pltpu.SemaphoreType.DMA((RING,)),
        pltpu.SemaphoreType.DMA((RING,)),
        pltpu.SemaphoreType.DMA((2,)),
        pltpu.SemaphoreType.DMA,
    ],
)
def _sc_agg(h2_hbm, srcb_hbm, dst_hbm, zeros_hbm, out_hbm,
            src_v, dst_v, rows_v, acc_sh, semg, sems, semi, semz):
    c = lax.axis_index("c")
    s = lax.axis_index("s")

    @pl.when(s < 10)
    def _():
        def zbody(k, carry):
            pltpu.async_copy(zeros_hbm,
                             acc_sh.at[pl.ds(s * ZROWS + k * ZCH, ZCH)], semz)
            return carry
        lax.fori_loop(0, NZ, zbody, 0)

    def fire_idx(g, gslot):
        pltpu.async_copy(srcb_hbm.at[c, s, g], src_v.at[gslot], semi.at[gslot])
        pltpu.async_copy(dst_hbm.at[s, g], dst_v.at[gslot], semi.at[gslot])

    def wait_idx(g, gslot):
        pltpu.make_async_copy(srcb_hbm.at[c, s, g], src_v.at[gslot],
                              semi.at[gslot]).wait()
        pltpu.make_async_copy(dst_hbm.at[s, g], dst_v.at[gslot],
                              semi.at[gslot]).wait()

    fire_idx(0, 0)

    @pl.when(s < 10)
    def _():
        def zwait(k, carry):
            pltpu.make_async_copy(
                zeros_hbm, acc_sh.at[pl.ds(s * ZROWS + k * ZCH, ZCH)],
                semz).wait()
            return carry
        lax.fori_loop(0, NZ, zwait, 0)

    plsc.subcore_barrier()

    def body(q, carry):
        g = lax.div(q, SUP)
        off = lax.rem(q, SUP)

        @pl.when(jnp.logical_and(off == 0, q < NCHUNK))
        def _():
            wait_idx(g, lax.rem(g, 2))

        @pl.when(q >= 2)
        def _():
            x = q - 2
            slot = lax.rem(x, RING)
            gs = lax.rem(lax.div(x, SUP), 2)
            xo = lax.rem(x, SUP)
            pltpu.make_async_copy(h2_hbm.at[src_v.at[gs, xo]],
                                  rows_v.at[slot], semg.at[slot]).wait()
            pltpu.async_copy(rows_v.at[slot], acc_sh.at[dst_v.at[gs, xo]],
                             sems.at[slot], add=True)

        @pl.when(q < NCHUNK)
        def _():
            slot = lax.rem(q, RING)

            @pl.when(q >= RING)
            def _():
                x = q - RING
                gs = lax.rem(lax.div(x, SUP), 2)
                xo = lax.rem(x, SUP)
                pltpu.make_async_copy(rows_v.at[slot],
                                      acc_sh.at[dst_v.at[gs, xo]],
                                      sems.at[slot]).wait()

            pltpu.async_copy(h2_hbm.at[src_v.at[lax.rem(g, 2), off]],
                             rows_v.at[slot], semg.at[slot])

        @pl.when(jnp.logical_and(off == 3, g + 1 < NSUP))
        def _():
            fire_idx(g + 1, lax.rem(g + 1, 2))

        return carry

    lax.fori_loop(0, NCHUNK + 2, body, 0)

    def sdrain(k, carry):
        x = NCHUNK - RING + k
        slot = lax.rem(x, RING)
        gs = lax.rem(lax.div(x, SUP), 2)
        xo = lax.rem(x, SUP)
        pltpu.make_async_copy(rows_v.at[slot], acc_sh.at[dst_v.at[gs, xo]],
                              sems.at[slot]).wait()
        return carry

    lax.fori_loop(0, RING, sdrain, 0)

    plsc.subcore_barrier()

    @pl.when(s < 10)
    def _():
        def dbody(k, carry):
            pltpu.async_copy(acc_sh.at[pl.ds(s * ZROWS + k * ZCH, ZCH)],
                             out_hbm.at[c, pl.ds(s * ZROWS + k * ZCH, ZCH)],
                             semz)
            return carry
        lax.fori_loop(0, NZ, dbody, 0)

        def dwait(k, carry):
            pltpu.make_async_copy(
                acc_sh.at[pl.ds(s * ZROWS + k * ZCH, ZCH)],
                out_hbm.at[c, pl.ds(s * ZROWS + k * ZCH, ZCH)], semz).wait()
            return carry
        lax.fori_loop(0, NZ, dwait, 0)


def _tc_layer_body(eps_ref, h_ref, a_ref, w1_ref, b1_ref, w2_ref, b2_ref,
                   g_ref, be_ref, out_ref, *, split_out):
    h = jnp.concatenate([h_ref[0], h_ref[1]], axis=1)
    a = jnp.concatenate([a_ref[0], a_ref[1]], axis=1)
    z = (1.0 + eps_ref[0, 0]) * h + a
    z = jnp.maximum(jnp.dot(z.astype(jnp.bfloat16), w1_ref[...],
                            preferred_element_type=jnp.float32) + b1_ref[...], 0.0)
    z = jnp.dot(z.astype(jnp.bfloat16), w2_ref[...],
                preferred_element_type=jnp.float32) + b2_ref[...]
    r = z + h
    mu = jnp.mean(r, axis=1, keepdims=True)
    var = jnp.mean((r - mu) ** 2, axis=1, keepdims=True)
    o = (r - mu) * lax.rsqrt(var + 1e-5) * g_ref[...] + be_ref[...]
    o = jnp.maximum(o, 0.0)
    if split_out:
        out_ref[0] = o[:, :HALF]
        out_ref[1] = o[:, HALF:]
    else:
        out_ref[...] = o


def _tc_layer(eps, h2, agg, w1, b1, w2, b2, gamma, beta, *, split_out):
    R = 2000
    grid = (N // R,)
    full = lambda shape: pl.BlockSpec(shape, lambda i: (0,) * len(shape))
    in_specs = [
        pl.BlockSpec(memory_space=pltpu.SMEM),
        pl.BlockSpec((NC, R, HALF), lambda i: (0, i, 0)),
        pl.BlockSpec((NC, R, HALF), lambda i: (0, i, 0)),
        full((D, D)), full((1, D)), full((D, D)), full((1, D)),
        full((1, D)), full((1, D)),
    ]
    if split_out:
        out_spec = pl.BlockSpec((NC, R, HALF), lambda i: (0, i, 0))
        out_shape = jax.ShapeDtypeStruct((NC, N, HALF), jnp.float32)
    else:
        out_spec = pl.BlockSpec((R, D), lambda i: (i, 0))
        out_shape = jax.ShapeDtypeStruct((N, D), jnp.float32)
    return pl.pallas_call(
        functools.partial(_tc_layer_body, split_out=split_out),
        grid=grid,
        in_specs=in_specs,
        out_specs=out_spec,
        out_shape=out_shape,
    )(eps.reshape(1, 1), h2, agg, w1.astype(jnp.bfloat16), b1.reshape(1, D),
      w2.astype(jnp.bfloat16), b2.reshape(1, D),
      gamma.reshape(1, D), beta.reshape(1, D))


def kernel(h, params, edge_index):
    src = edge_index[0].astype(jnp.int32)
    dst = edge_index[1].astype(jnp.int32)
    srcb = jnp.stack([src, src + N]).reshape(NC, NS, NSUP, SUP, CB)
    dstr = dst.reshape(NS, NSUP, SUP, CB)
    zeros = jnp.zeros((ZCH, HALF), jnp.float32)

    h2 = jnp.stack([h[:, :HALF], h[:, HALF:]])
    n_layers = len(params)
    for li, (eps, w1, b1, w2, b2, gamma, beta) in enumerate(params):
        agg = _sc_agg(h2.reshape(NC * N, HALF), srcb, dstr, zeros)
        last = li == n_layers - 1
        h2 = _tc_layer(eps, h2, agg, w1, b1, w2, b2, gamma, beta,
                       split_out=not last)
    return h2

# --- scband reference (transcript-rebuilt; emitter-appended) ---
"""Pipeline reference for scband-gin-backbone-78194174591254 (READ-ONLY COPY).

The authoritative reference and input builder live on the scoring server;
editing this copy changes nothing except your own understanding.
"""

import jax, jax.numpy as jnp
import numpy as np

N_NODES = 10000
N_EDGES = 160000
D = 256
N_LAYERS = 3


def _make_layer_params(key):
    k1, k2, k3, k4 = jax.random.split(key, 4)
    s = 1.0 / np.sqrt(D)
    W1 = jax.random.normal(k1, (D, D), dtype=jnp.float32) * s
    b1 = jnp.zeros((D,), dtype=jnp.float32)
    W2 = jax.random.normal(k2, (D, D), dtype=jnp.float32) * s
    b2 = jnp.zeros((D,), dtype=jnp.float32)
    eps = jnp.zeros((), dtype=jnp.float32)  # train_eps=True, init 0.0
    gamma = jnp.ones((D,), dtype=jnp.float32)
    beta = jnp.zeros((D,), dtype=jnp.float32)
    return (eps, W1, b1, W2, b2, gamma, beta)


def setup_inputs(seed: int = 0) -> dict:
    key = jax.random.key(seed)
    kh, ke, kp = jax.random.split(key, 3)
    h = jax.random.normal(kh, (N_NODES, D), dtype=jnp.float32)
    edge_index = jax.random.randint(ke, (2, N_EDGES), 0, N_NODES, dtype=jnp.int64)
    pkeys = jax.random.split(kp, N_LAYERS)
    params = tuple(_make_layer_params(pkeys[i]) for i in range(N_LAYERS))
    return {"h": h, "params": params, "edge_index": edge_index}


def _gin_layer(h, edge_index, layer_params):
    eps, W1, b1, W2, b2, gamma, beta = layer_params
    src = edge_index[0]
    dst = edge_index[1]
    # GINConv sum aggregation: messages x_j from src scattered-add into dst
    agg = jnp.zeros_like(h).at[dst].add(h[src])
    z = (1.0 + eps) * h + agg
    # MLP: Linear -> ReLU -> Linear
    z = jnp.maximum(z @ W1 + b1, 0.0)
    z = z @ W2 + b2
    # residual
    r = z + h
    # LayerNorm
    mu = jnp.mean(r, axis=-1, keepdims=True)
    var = jnp.var(r, axis=-1, keepdims=True)
    out = (r - mu) / jnp.sqrt(var + 1e-5) * gamma + beta
    # ReLU; dropout is identity in eval mode
    return jnp.maximum(out, 0.0)


def reference(h, params, edge_index):
    for lp in params:
        h = _gin_layer(h, edge_index, lp)
    return h

if __name__ == "__main__":
    import jax
    _d = setup_inputs()
    print(jax.jit(kernel)(*tuple(_d.values())))

</pallas_src>

<mosaic_0001>
#map = affine_map<(d0, d1) -> (0, 0)>
#map1 = affine_map<(d0, d1) -> (0, 0, 0, 0, 0)>
#map2 = affine_map<(d0, d1) -> (0, 0, 0, 0)>
#map3 = affine_map<(d0, d1) -> (0, 0, 0)>
module attributes {stable_mosaic.version = 14 : i64} {
  func.func @_sc_agg(%arg0: i32, %arg1: i32, %arg2: memref<20000x128xf32, #tpu.memory_space<hbm>>, %arg3: memref<2x16x5x25x80xi32, #tpu.memory_space<hbm>>, %arg4: memref<16x5x25x80xi32, #tpu.memory_space<hbm>>, %arg5: memref<200x128xf32, #tpu.memory_space<hbm>>, %arg6: memref<2x10000x128xf32, #tpu.memory_space<hbm>>, %arg7: memref<2x25x80xi32, #tpu.memory_space<vmem>>, %arg8: memref<2x25x80xi32, #tpu.memory_space<vmem>>, %arg9: memref<3x80x128xf32, #tpu.memory_space<vmem>>, %arg10: memref<10000x128xf32, #tpu.memory_space<vmem_shared>>, %arg11: memref<3x!tpu.dma_semaphore, #tpu.memory_space<semaphore_mem>>, %arg12: memref<3x!tpu.dma_semaphore, #tpu.memory_space<semaphore_mem>>, %arg13: memref<2x!tpu.dma_semaphore, #tpu.memory_space<semaphore_mem>>, %arg14: memref<!tpu.dma_semaphore, #tpu.memory_space<semaphore_mem>>) attributes {dimension_semantics = [#tpu.dimension_semantics<core_parallel>, #tpu.dimension_semantics<subcore_parallel>], iteration_bounds = array<i64: 2, 16>, scalar_prefetch = 0 : i64, scratch_operands = 8 : i64, tpu.core_type = #tpu.core_type<sc_vector_subcore>, window_params = [{transform_indices = #map}, {transform_indices = #map1}, {transform_indices = #map2}, {transform_indices = #map}, {transform_indices = #map3}]} {
    %lt3A = arith.constant 10 : i32
    %lt3A_0 = arith.cmpi slt, %arg1, %lt3A : i32
    %convert_element_type3A = arith.extui %lt3A_0 : i1 to i32
    %cond3A = arith.constant 0 : i32
    %cond3A_1 = arith.cmpi ne, %convert_element_type3A, %cond3A : i32
    scf.if %cond3A_1 {
      %scan3A_65 = arith.constant 0 : i32
      %scan3A_66 = arith.constant 0 : i32
      %scan3A_67 = arith.constant 5 : i32
      %scan3A_68 = arith.addi %scan3A_66, %scan3A_67 : i32
      %scan3A_69 = arith.constant 1 : i32
      scf.for %scan3A_71 = %scan3A_66 to %scan3A_68 step %scan3A_69  : i32 {
        %mul3A = arith.constant 1000 : i32
        %mul3A_72 = arith.muli %arg1, %mul3A : i32
        %mul3A_73 = arith.constant 200 : i32
        %mul3A_74 = arith.muli %scan3A_71, %mul3A_73 : i32
        %add3A = arith.addi %mul3A_72, %mul3A_74 : i32
        %dma_start3A_75 = arith.constant 0 : i32
        %dma_start3A_76 = tpu.memref_slice %arg10[%add3A, %dma_start3A_75] : memref<10000x128xf32, #tpu.memory_space<vmem_shared>> -> memref<200x128xf32, #tpu.memory_space<vmem_shared>>
        tpu.enqueue_dma source(%arg5 : memref<200x128xf32, #tpu.memory_space<hbm>>) target(%dma_start3A_76 : memref<200x128xf32, #tpu.memory_space<vmem_shared>>) target_semaphore(%arg14 : memref<!tpu.dma_semaphore, #tpu.memory_space<semaphore_mem>>)
      }
      %scan3A_70 = arith.constant 5 : i32
    } else {
    }
    %dma_start3A = arith.constant 0 : i32
    %dma_start3A_2 = arith.constant 0 : i32
    %dma_start3A_3 = arith.constant 0 : i32
    %dma_start3A_4 = arith.constant 0 : i32
    %dma_start3A_5 = arith.constant 0 : i32
    %dma_start3A_6 = tpu.memref_slice %arg7[%dma_start3A_2, %dma_start3A_4, %dma_start3A_5] : memref<2x25x80xi32, #tpu.memory_space<vmem>> -> memref<1x25x80xi32, #tpu.memory_space<vmem>>
    %dma_start3A_7 = tpu.memref_squeeze %dma_start3A_6 : memref<1x25x80xi32, #tpu.memory_space<vmem>> -> memref<25x80xi32, #tpu.memory_space<vmem>>
    %dma_start3A_8 = arith.constant 0 : i32
    %dma_start3A_9 = arith.constant 0 : i32
    %dma_start3A_10 = tpu.memref_slice %arg3[%arg0, %arg1, %dma_start3A, %dma_start3A_8, %dma_start3A_9] : memref<2x16x5x25x80xi32, #tpu.memory_space<hbm>> -> memref<1x1x1x25x80xi32, #tpu.memory_space<hbm>>
    %dma_start3A_11 = tpu.memref_squeeze %dma_start3A_10 : memref<1x1x1x25x80xi32, #tpu.memory_space<hbm>> -> memref<25x80xi32, #tpu.memory_space<hbm>>
    %dma_start3A_12 = tpu.memref_slice %arg13[%dma_start3A_3] : memref<2x!tpu.dma_semaphore, #tpu.memory_space<semaphore_mem>> -> memref<1x!tpu.dma_semaphore, #tpu.memory_space<semaphore_mem>>
    %dma_start3A_13 = tpu.memref_squeeze %dma_start3A_12 : memref<1x!tpu.dma_semaphore, #tpu.memory_space<semaphore_mem>> -> memref<!tpu.dma_semaphore, #tpu.memory_space<semaphore_mem>>
    %dma_start3A_14 = arith.constant 0 : i32
    %dma_start3A_15 = arith.constant 0 : i32
    %dma_start3A_16 = tpu.memref_slice %arg7[%dma_start3A_2, %dma_start3A_14, %dma_start3A_15] : memref<2x25x80xi32, #tpu.memory_space<vmem>> -> memref<1x25x80xi32, #tpu.memory_space<vmem>>
    %dma_start3A_17 = tpu.memref_squeeze %dma_start3A_16 : memref<1x25x80xi32, #tpu.memory_space<vmem>> -> memref<25x80xi32, #tpu.memory_space<vmem>>
    %dma_start3A_18 = arith.constant 0 : i32
    %dma_start3A_19 = arith.constant 0 : i32
    %dma_start3A_20 = tpu.memref_slice %arg3[%arg0, %arg1, %dma_start3A, %dma_start3A_18, %dma_start3A_19] : memref<2x16x5x25x80xi32, #tpu.memory_space<hbm>> -> memref<1x1x1x25x80xi32, #tpu.memory_space<hbm>>
    %dma_start3A_21 = tpu.memref_squeeze %dma_start3A_20 : memref<1x1x1x25x80xi32, #tpu.memory_space<hbm>> -> memref<25x80xi32, #tpu.memory_space<hbm>>
    tpu.enqueue_dma source(%dma_start3A_21 : memref<25x80xi32, #tpu.memory_space<hbm>>) target(%dma_start3A_17 : memref<25x80xi32, #tpu.memory_space<vmem>>) target_semaphore(%dma_start3A_13 : memref<!tpu.dma_semaphore, #tpu.memory_space<semaphore_mem>>)
    %dma_start3A_22 = arith.constant 0 : i32
    %dma_start3A_23 = arith.constant 0 : i32
    %dma_start3A_24 = arith.constant 0 : i32
    %dma_start3A_25 = arith.constant 0 : i32
    %dma_start3A_26 = arith.constant 0 : i32
    %dma_start3A_27 = tpu.memref_slice %arg8[%dma_start3A_23, %dma_start3A_25, %dma_start3A_26] : memref<2x25x80xi32, #tpu.memory_space<vmem>> -> memref<1x25x80xi32, #tpu.memory_space<vmem>>
    %dma_start3A_28 = tpu.memref_squeeze %dma_start3A_27 : memref<1x25x80xi32, #tpu.memory_space<vmem>> -> memref<25x80xi32, #tpu.memory_space<vmem>>
    %dma_start3A_29 = arith.constant 0 : i32
    %dma_start3A_30 = arith.constant 0 : i32
    %dma_start3A_31 = tpu.memref_slice %arg4[%arg1, %dma_start3A_22, %dma_start3A_29, %dma_start3A_30] : memref<16x5x25x80xi32, #tpu.memory_space<hbm>> -> memref<1x1x25x80xi32, #tpu.memory_space<hbm>>
    %dma_start3A_32 = tpu.memref_squeeze %dma_start3A_31 : memref<1x1x25x80xi32, #tpu.memory_space<hbm>> -> memref<25x80xi32, #tpu.memory_space<hbm>>
    %dma_start3A_33 = tpu.memref_slice %arg13[%dma_start3A_24] : memref<2x!tpu.dma_semaphore, #tpu.memory_space<semaphore_mem>> -> memref<1x!tpu.dma_semaphore, #tpu.memory_space<semaphore_mem>>
    %dma_start3A_34 = tpu.memref_squeeze %dma_start3A_33 : memref<1x!tpu.dma_semaphore, #tpu.memory_space<semaphore_mem>> -> memref<!tpu.dma_semaphore, #tpu.memory_space<semaphore_mem>>
    %dma_start3A_35 = arith.constant 0 : i32
    %dma_start3A_36 = arith.constant 0 : i32
    %dma_start3A_37 = tpu.memref_slice %arg8[%dma_start3A_23, %dma_start3A_35, %dma_start3A_36] : memref<2x25x80xi32, #tpu.memory_space<vmem>> -> memref<1x25x80xi32, #tpu.memory_space<vmem>>
    %dma_start3A_38 = tpu.memref_squeeze %dma_start3A_37 : memref<1x25x80xi32, #tpu.memory_space<vmem>> -> memref<25x80xi32, #tpu.memory_space<vmem>>
    %dma_start3A_39 = arith.constant 0 : i32
    %dma_start3A_40 = arith.constant 0 : i32
    %dma_start3A_41 = tpu.memref_slice %arg4[%arg1, %dma_start3A_22, %dma_start3A_39, %dma_start3A_40] : memref<16x5x25x80xi32, #tpu.memory_space<hbm>> -> memref<1x1x25x80xi32, #tpu.memory_space<hbm>>
    %dma_start3A_42 = tpu.memref_squeeze %dma_start3A_41 : memref<1x1x25x80xi32, #tpu.memory_space<hbm>> -> memref<25x80xi32, #tpu.memory_space<hbm>>
    tpu.enqueue_dma source(%dma_start3A_42 : memref<25x80xi32, #tpu.memory_space<hbm>>) target(%dma_start3A_38 : memref<25x80xi32, #tpu.memory_space<vmem>>) target_semaphore(%dma_start3A_34 : memref<!tpu.dma_semaphore, #tpu.memory_space<semaphore_mem>>)
    %lt3A_43 = arith.constant 10 : i32
    %lt3A_44 = arith.cmpi slt, %arg1, %lt3A_43 : i32
    %convert_element_type3A_45 = arith.extui %lt3A_44 : i1 to i32
    %cond3A_46 = arith.constant 0 : i32
    %cond3A_47 = arith.cmpi ne, %convert_element_type3A_45, %cond3A_46 : i32
    scf.if %cond3A_47 {
      %scan3A_65 = arith.constant 0 : i32
      %scan3A_66 = arith.constant 0 : i32
      %scan3A_67 = arith.constant 5 : i32
      %scan3A_68 = arith.addi %scan3A_66, %scan3A_67 : i32
      %scan3A_69 = arith.constant 1 : i32
      scf.for %scan3A_71 = %scan3A_66 to %scan3A_68 step %scan3A_69  : i32 {
        %mul3A = arith.constant 1000 : i32
        %mul3A_72 = arith.muli %arg1, %mul3A : i32
        %mul3A_73 = arith.constant 200 : i32
        %mul3A_74 = arith.muli %scan3A_71, %mul3A_73 : i32
        %add3A = arith.addi %mul3A_72, %mul3A_74 : i32
        %dma_wait3A = arith.constant 0 : i32
        %dma_wait3A_75 = tpu.memref_slice %arg10[%add3A, %dma_wait3A] : memref<10000x128xf32, #tpu.memory_space<vmem_shared>> -> memref<200x128xf32, #tpu.memory_space<vmem_shared>>
        tpu.wait_dma2 semaphore(%arg14 : memref<!tpu.dma_semaphore, #tpu.memory_space<semaphore_mem>>) src(%arg5 : memref<200x128xf32, #tpu.memory_space<hbm>>) dst(%dma_wait3A_75 : memref<200x128xf32, #tpu.memory_space<vmem_shared>>)
      }
      %scan3A_70 = arith.constant 5 : i32
    } else {
    }
    %barrier3A = arith.constant 0 : index
    tpu.barrier barrier_id(%barrier3A)
    %scan3A = arith.constant 0 : i32
    %scan3A_48 = arith.constant 0 : i32
    %scan3A_49 = arith.constant 127 : i32
    %scan3A_50 = arith.addi %scan3A_48, %scan3A_49 : i32
    %scan3A_51 = arith.constant 1 : i32
    scf.for %scan3A_65 = %scan3A_48 to %scan3A_50 step %scan3A_51  : i32 {
      %div3A = arith.constant 25 : i32
      %div3A_66 = arith.divsi %scan3A_65, %div3A : i32
      %rem3A = arith.constant 25 : i32
      %rem3A_67 = arith.remsi %scan3A_65, %rem3A : i32
      %eq3A = arith.constant 0 : i32
      %eq3A_68 = arith.cmpi eq, %rem3A_67, %eq3A : i32
      %lt3A_69 = arith.constant 125 : i32
      %lt3A_70 = arith.cmpi slt, %scan3A_65, %lt3A_69 : i32
      %and3A = arith.andi %eq3A_68, %lt3A_70 : i1
      %convert_element_type3A_71 = arith.extui %and3A : i1 to i32
      %cond3A_72 = arith.constant 0 : i32
      %cond3A_73 = arith.cmpi ne, %convert_element_type3A_71, %cond3A_72 : i32
      scf.if %cond3A_73 {
        %rem3A_92 = arith.constant 2 : i32
        %rem3A_93 = arith.remsi %div3A_66, %rem3A_92 : i32
        %dma_wait3A = arith.constant 0 : i32
        %dma_wait3A_94 = arith.constant 0 : i32
        %dma_wait3A_95 = tpu.memref_slice %arg7[%rem3A_93, %dma_wait3A, %dma_wait3A_94] : memref<2x25x80xi32, #tpu.memory_space<vmem>> -> memref<1x25x80xi32, #tpu.memory_space<vmem>>
        %dma_wait3A_96 = tpu.memref_squeeze %dma_wait3A_95 : memref<1x25x80xi32, #tpu.memory_space<vmem>> -> memref<25x80xi32, #tpu.memory_space<vmem>>
        %dma_wait3A_97 = arith.constant 0 : i32
        %dma_wait3A_98 = arith.constant 0 : i32
        %dma_wait3A_99 = tpu.memref_slice %arg3[%arg0, %arg1, %div3A_66, %dma_wait3A_97, %dma_wait3A_98] : memref<2x16x5x25x80xi32, #tpu.memory_space<hbm>> -> memref<1x1x1x25x80xi32, #tpu.memory_space<hbm>>
        %dma_wait3A_100 = tpu.memref_squeeze %dma_wait3A_99 : memref<1x1x1x25x80xi32, #tpu.memory_space<hbm>> -> memref<25x80xi32, #tpu.memory_space<hbm>>
        %dma_wait3A_101 = tpu.memref_slice %arg13[%rem3A_93] : memref<2x!tpu.dma_semaphore, #tpu.memory_space<semaphore_mem>> -> memref<1x!tpu.dma_semaphore, #tpu.memory_space<semaphore_mem>>
        %dma_wait3A_102 = tpu.memref_squeeze %dma_wait3A_101 : memref<1x!tpu.dma_semaphore, #tpu.memory_space<semaphore_mem>> -> memref<!tpu.dma_semaphore, #tpu.memory_space<semaphore_mem>>
        %dma_wait3A_103 = arith.constant 0 : i32
        %dma_wait3A_104 = arith.constant 0 : i32
        %dma_wait3A_105 = tpu.memref_slice %arg7[%rem3A_93, %dma_wait3A_103, %dma_wait3A_104] : memref<2x25x80xi32, #tpu.memory_space<vmem>> -> memref<1x25x80xi32, #tpu.memory_space<vmem>>
        %dma_wait3A_106 = tpu.memref_squeeze %dma_wait3A_105 : memref<1x25x80xi32, #tpu.memory_space<vmem>> -> memref<25x80xi32, #tpu.memory_space<vmem>>
        %dma_wait3A_107 = arith.constant 0 : i32
        %dma_wait3A_108 = arith.constant 0 : i32
        %dma_wait3A_109 = tpu.memref_slice %arg3[%arg0, %arg1, %div3A_66, %dma_wait3A_107, %dma_wait3A_108] : memref<2x16x5x25x80xi32, #tpu.memory_space<hbm>> -> memref<1x1x1x25x80xi32, #tpu.memory_space<hbm>>
        %dma_wait3A_110 = tpu.memref_squeeze %dma_wait3A_109 : memref<1x1x1x25x80xi32, #tpu.memory_space<hbm>> -> memref<25x80xi32, #tpu.memory_space<hbm>>
        tpu.wait_dma2 semaphore(%dma_wait3A_102 : memref<!tpu.dma_semaphore, #tpu.memory_space<semaphore_mem>>) src(%dma_wait3A_110 : memref<25x80xi32, #tpu.memory_space<hbm>>) dst(%dma_wait3A_106 : memref<25x80xi32, #tpu.memory_space<vmem>>)
        %dma_wait3A_111 = arith.constant 0 : i32
        %dma_wait3A_112 = arith.constant 0 : i32
        %dma_wait3A_113 = tpu.memref_slice %arg8[%rem3A_93, %dma_wait3A_111, %dma_wait3A_112] : memref<2x25x80xi32, #tpu.memory_space<vmem>> -> memref<1x25x80xi32, #tpu.memory_space<vmem>>
        %dma_wait3A_114 = tpu.memref_squeeze %dma_wait3A_113 : memref<1x25x80xi32, #tpu.memory_space<vmem>> -> memref<25x80xi32, #tpu.memory_space<vmem>>
        %dma_wait3A_115 = arith.constant 0 : i32
        %dma_wait3A_116 = arith.constant 0 : i32
        %dma_wait3A_117 = tpu.memref_slice %arg4[%arg1, %div3A_66, %dma_wait3A_115, %dma_wait3A_116] : memref<16x5x25x80xi32, #tpu.memory_space<hbm>> -> memref<1x1x25x80xi32, #tpu.memory_space<hbm>>
        %dma_wait3A_118 = tpu.memref_squeeze %dma_wait3A_117 : memref<1x1x25x80xi32, #tpu.memory_space<hbm>> -> memref<25x80xi32, #tpu.memory_space<hbm>>
        %dma_wait3A_119 = tpu.memref_slice %arg13[%rem3A_93] : memref<2x!tpu.dma_semaphore, #tpu.memory_space<semaphore_mem>> -> memref<1x!tpu.dma_semaphore, #tpu.memory_space<semaphore_mem>>
        %dma_wait3A_120 = tpu.memref_squeeze %dma_wait3A_119 : memref<1x!tpu.dma_semaphore, #tpu.memory_space<semaphore_mem>> -> memref<!tpu.dma_semaphore, #tpu.memory_space<semaphore_mem>>
        %dma_wait3A_121 = arith.constant 0 : i32
        %dma_wait3A_122 = arith.constant 0 : i32
        %dma_wait3A_123 = tpu.memref_slice %arg8[%rem3A_93, %dma_wait3A_121, %dma_wait3A_122] : memref<2x25x80xi32, #tpu.memory_space<vmem>> -> memref<1x25x80xi32, #tpu.memory_space<vmem>>
        %dma_wait3A_124 = tpu.memref_squeeze %dma_wait3A_123 : memref<1x25x80xi32, #tpu.memory_space<vmem>> -> memref<25x80xi32, #tpu.memory_space<vmem>>
        %dma_wait3A_125 = arith.constant 0 : i32
        %dma_wait3A_126 = arith.constant 0 : i32
        %dma_wait3A_127 = tpu.memref_slice %arg4[%arg1, %div3A_66, %dma_wait3A_125, %dma_wait3A_126] : memref<16x5x25x80xi32, #tpu.memory_space<hbm>> -> memref<1x1x25x80xi32, #tpu.memory_space<hbm>>
        %dma_wait3A_128 = tpu.memref_squeeze %dma_wait3A_127 : memref<1x1x25x80xi32, #tpu.memory_space<hbm>> -> memref<25x80xi32, #tpu.memory_space<hbm>>
        tpu.wait_dma2 semaphore(%dma_wait3A_120 : memref<!tpu.dma_semaphore, #tpu.memory_space<semaphore_mem>>) src(%dma_wait3A_128 : memref<25x80xi32, #tpu.memory_space<hbm>>) dst(%dma_wait3A_124 : memref<25x80xi32, #tpu.memory_space<vmem>>)
      } else {
      }
      %ge3A = arith.constant 2 : i32
      %ge3A_74 = arith.cmpi sge, %scan3A_65, %ge3A : i32
      %convert_element_type3A_75 = arith.extui %ge3A_74 : i1 to i32
      %cond3A_76 = arith.constant 0 : i32
      %cond3A_77 = arith.cmpi ne, %convert_element_type3A_75, %cond3A_76 : i32
      scf.if %cond3A_77 {
        %sub3A = arith.constant 2 : i32
        %sub3A_92 = arith.subi %scan3A_65, %sub3A : i32
        %rem3A_93 = arith.constant 3 : i32
        %rem3A_94 = arith.remsi %sub3A_92, %rem3A_93 : i32
        %div3A_95 = arith.constant 25 : i32
        %div3A_96 = arith.divsi %sub3A_92, %div3A_95 : i32
        %rem3A_97 = arith.constant 2 : i32
        %rem3A_98 = arith.remsi %div3A_96, %rem3A_97 : i32
        %rem3A_99 = arith.constant 25 : i32
        %rem3A_100 = arith.remsi %sub3A_92, %rem3A_99 : i32
        %dma_wait3A = arith.constant 0 : i32
        %dma_wait3A_101 = arith.constant 0 : i32
        %dma_wait3A_102 = tpu.memref_slice %arg9[%rem3A_94, %dma_wait3A, %dma_wait3A_101] : memref<3x80x128xf32, #tpu.memory_space<vmem>> -> memref<1x80x128xf32, #tpu.memory_space<vmem>>
        %dma_wait3A_103 = tpu.memref_squeeze %dma_wait3A_102 : memref<1x80x128xf32, #tpu.memory_space<vmem>> -> memref<80x128xf32, #tpu.memory_space<vmem>>
        %dma_wait3A_104 = arith.constant 0 : i32
        %dma_wait3A_105 = tpu.memref_slice %arg7[%rem3A_98, %rem3A_100, %dma_wait3A_104] : memref<2x25x80xi32, #tpu.memory_space<vmem>> -> memref<1x1x80xi32, #tpu.memory_space<vmem>>
        %dma_wait3A_106 = tpu.memref_squeeze %dma_wait3A_105 : memref<1x1x80xi32, #tpu.memory_space<vmem>> -> memref<80xi32, #tpu.memory_space<vmem>>
        %dma_wait3A_107 = arith.constant 0 : i32
        %dma_wait3A_108 = arith.constant 0 : i32
        %dma_wait3A_109 = tpu.memref_slice %arg2[%dma_wait3A_107, %dma_wait3A_108] : memref<20000x128xf32, #tpu.memory_space<hbm>> -> memref<20000x128xf32, #tpu.memory_space<hbm>>
        %dma_wait3A_110 = tpu.memref_slice %arg11[%rem3A_94] : memref<3x!tpu.dma_semaphore, #tpu.memory_space<semaphore_mem>> -> memref<1x!tpu.dma_semaphore, #tpu.memory_space<semaphore_mem>>
        %dma_wait3A_111 = tpu.memref_squeeze %dma_wait3A_110 : memref<1x!tpu.dma_semaphore, #tpu.memory_space<semaphore_mem>> -> memref<!tpu.dma_semaphore, #tpu.memory_space<semaphore_mem>>
        tpu.wait_indirect_dma semaphore(%dma_wait3A_111 : memref<!tpu.dma_semaphore, #tpu.memory_space<semaphore_mem>>) src(%dma_wait3A_109 : memref<20000x128xf32, #tpu.memory_space<hbm>>) dst(%dma_wait3A_103 : memref<80x128xf32, #tpu.memory_space<vmem>>)
        %dma_start3A_112 = arith.constant 0 : i32
        %dma_start3A_113 = arith.constant 0 : i32
        %dma_start3A_114 = tpu.memref_slice %arg9[%rem3A_94, %dma_start3A_112, %dma_start3A_113] : memref<3x80x128xf32, #tpu.memory_space<vmem>> -> memref<1x80x128xf32, #tpu.memory_space<vmem>>
        %dma_start3A_115 = tpu.memref_squeeze %dma_start3A_114 : memref<1x80x128xf32, #tpu.memory_space<vmem>> -> memref<80x128xf32, #tpu.memory_space<vmem>>
        %dma_start3A_116 = arith.constant 0 : i32
        %dma_start3A_117 = tpu.memref_slice %arg8[%rem3A_98, %rem3A_100, %dma_start3A_116] : memref<2x25x80xi32, #tpu.memory_space<vmem>> -> memref<1x1x80xi32, #tpu.memory_space<vmem>>
        %dma_start3A_118 = tpu.memref_squeeze %dma_start3A_117 : memref<1x1x80xi32, #tpu.memory_space<vmem>> -> memref<80xi32, #tpu.memory_space<vmem>>
        %dma_start3A_119 = arith.constant 0 : i32
        %dma_start3A_120 = arith.constant 0 : i32
        %dma_start3A_121 = tpu.memref_slice %arg10[%dma_start3A_119, %dma_start3A_120] : memref<10000x128xf32, #tpu.memory_space<vmem_shared>> -> memref<10000x128xf32, #tpu.memory_space<vmem_shared>>
        %dma_start3A_122 = tpu.memref_slice %arg12[%rem3A_94] : memref<3x!tpu.dma_semaphore, #tpu.memory_space<semaphore_mem>> -> memref<1x!tpu.dma_semaphore, #tpu.memory_space<semaphore_mem>>
        %dma_start3A_123 = tpu.memref_squeeze %dma_start3A_122 : memref<1x!tpu.dma_semaphore, #tpu.memory_space<semaphore_mem>> -> memref<!tpu.dma_semaphore, #tpu.memory_space<semaphore_mem>>
        tpu.enqueue_indirect_dma source(%dma_start3A_115 : memref<80x128xf32, #tpu.memory_space<vmem>>) target(%dma_start3A_121 : memref<10000x128xf32, #tpu.memory_space<vmem_shared>>) offsets(%dma_start3A_118 : memref<80xi32, #tpu.memory_space<vmem>>) semaphore(%dma_start3A_123 : memref<!tpu.dma_semaphore, #tpu.memory_space<semaphore_mem>>) {add = true}
      } else {
      }
      %lt3A_78 = arith.constant 125 : i32
      %lt3A_79 = arith.cmpi slt, %scan3A_65, %lt3A_78 : i32
      %convert_element_type3A_80 = arith.extui %lt3A_79 : i1 to i32
      %cond3A_81 = arith.constant 0 : i32
      %cond3A_82 = arith.cmpi ne, %convert_element_type3A_80, %cond3A_81 : i32
      scf.if %cond3A_82 {
        %rem3A_92 = arith.constant 3 : i32
        %rem3A_93 = arith.remsi %scan3A_65, %rem3A_92 : i32
        %ge3A_94 = arith.constant 3 : i32
        %ge3A_95 = arith.cmpi sge, %scan3A_65, %ge3A_94 : i32
        %convert_element_type3A_96 = arith.extui %ge3A_95 : i1 to i32
        %cond3A_97 = arith.constant 0 : i32
        %cond3A_98 = arith.cmpi ne, %convert_element_type3A_96, %cond3A_97 : i32
        scf.if %cond3A_98 {
          %sub3A = arith.constant 3 : i32
          %sub3A_113 = arith.subi %scan3A_65, %sub3A : i32
          %div3A_114 = arith.constant 25 : i32
          %div3A_115 = arith.divsi %sub3A_113, %div3A_114 : i32
          %rem3A_116 = arith.constant 2 : i32
          %rem3A_117 = arith.remsi %div3A_115, %rem3A_116 : i32
          %rem3A_118 = arith.constant 25 : i32
          %rem3A_119 = arith.remsi %sub3A_113, %rem3A_118 : i32
          %dma_wait3A = arith.constant 0 : i32
          %dma_wait3A_120 = arith.constant 0 : i32
          %dma_wait3A_121 = tpu.memref_slice %arg9[%rem3A_93, %dma_wait3A, %dma_wait3A_120] : memref<3x80x128xf32, #tpu.memory_space<vmem>> -> memref<1x80x128xf32, #tpu.memory_space<vmem>>
          %dma_wait3A_122 = tpu.memref_squeeze %dma_wait3A_121 : memref<1x80x128xf32, #tpu.memory_space<vmem>> -> memref<80x128xf32, #tpu.memory_space<vmem>>
          %dma_wait3A_123 = arith.constant 0 : i32
          %dma_wait3A_124 = tpu.memref_slice %arg8[%rem3A_117, %rem3A_119, %dma_wait3A_123] : memref<2x25x80xi32, #tpu.memory_space<vmem>> -> memref<1x1x80xi32, #tpu.memory_space<vmem>>
          %dma_wait3A_125 = tpu.memref_squeeze %dma_wait3A_124 : memref<1x1x80xi32, #tpu.memory_space<vmem>> -> memref<80xi32, #tpu.memory_space<vmem>>
          %dma_wait3A_126 = arith.constant 0 : i32
          %dma_wait3A_127 = arith.constant 0 : i32
          %dma_wait3A_128 = tpu.memref_slice %arg10[%dma_wait3A_126, %dma_wait3A_127] : memref<10000x128xf32, #tpu.memory_space<vmem_shared>> -> memref<10000x128xf32, #tpu.memory_space<vmem_shared>>
          %dma_wait3A_129 = tpu.memref_slice %arg12[%rem3A_93] : memref<3x!tpu.dma_semaphore, #tpu.memory_space<semaphore_mem>> -> memref<1x!tpu.dma_semaphore, #tpu.memory_space<semaphore_mem>>
          %dma_wait3A_130 = tpu.memref_squeeze %dma_wait3A_129 : memref<1x!tpu.dma_semaphore, #tpu.memory_space<semaphore_mem>> -> memref<!tpu.dma_semaphore, #tpu.memory_space<semaphore_mem>>
          tpu.wait_indirect_dma semaphore(%dma_wait3A_130 : memref<!tpu.dma_semaphore, #tpu.memory_space<semaphore_mem>>) src(%dma_wait3A_122 : memref<80x128xf32, #tpu.memory_space<vmem>>) dst(%dma_wait3A_128 : memref<10000x128xf32, #tpu.memory_space<vmem_shared>>)
        } else {
        }
        %rem3A_99 = arith.constant 2 : i32
        %rem3A_100 = arith.remsi %div3A_66, %rem3A_99 : i32
        %dma_start3A_101 = arith.constant 0 : i32
        %dma_start3A_102 = arith.constant 0 : i32
        %dma_start3A_103 = tpu.memref_slice %arg9[%rem3A_93, %dma_start3A_101, %dma_start3A_102] : memref<3x80x128xf32, #tpu.memory_space<vmem>> -> memref<1x80x128xf32, #tpu.memory_space<vmem>>
        %dma_start3A_104 = tpu.memref_squeeze %dma_start3A_103 : memref<1x80x128xf32, #tpu.memory_space<vmem>> -> memref<80x128xf32, #tpu.memory_space<vmem>>
        %dma_start3A_105 = arith.constant 0 : i32
        %dma_start3A_106 = tpu.memref_slice %arg7[%rem3A_100, %rem3A_67, %dma_start3A_105] : memref<2x25x80xi32, #tpu.memory_space<vmem>> -> memref<1x1x80xi32, #tpu.memory_space<vmem>>
        %dma_start3A_107 = tpu.memref_squeeze %dma_start3A_106 : memref<1x1x80xi32, #tpu.memory_space<vmem>> -> memref<80xi32, #tpu.memory_space<vmem>>
        %dma_start3A_108 = arith.constant 0 : i32
        %dma_start3A_109 = arith.constant 0 : i32
        %dma_start3A_110 = tpu.memref_slice %arg2[%dma_start3A_108, %dma_start3A_109] : memref<20000x128xf32, #tpu.memory_space<hbm>> -> memref<20000x128xf32, #tpu.memory_space<hbm>>
        %dma_start3A_111 = tpu.memref_slice %arg11[%rem3A_93] : memref<3x!tpu.dma_semaphore, #tpu.memory_space<semaphore_mem>> -> memref<1x!tpu.dma_semaphore, #tpu.memory_space<semaphore_mem>>
        %dma_start3A_112 = tpu.memref_squeeze %dma_start3A_111 : memref<1x!tpu.dma_semaphore, #tpu.memory_space<semaphore_mem>> -> memref<!tpu.dma_semaphore, #tpu.memory_space<semaphore_mem>>
        tpu.enqueue_indirect_dma source(%dma_start3A_110 : memref<20000x128xf32, #tpu.memory_space<hbm>>) target(%dma_start3A_104 : memref<80x128xf32, #tpu.memory_space<vmem>>) offsets(%dma_start3A_107 : memref<80xi32, #tpu.memory_space<vmem>>) semaphore(%dma_start3A_112 : memref<!tpu.dma_semaphore, #tpu.memory_space<semaphore_mem>>)
      } else {
      }
      %eq3A_83 = arith.constant 3 : i32
      %eq3A_84 = arith.cmpi eq, %rem3A_67, %eq3A_83 : i32
      %add3A = arith.constant 1 : i32
      %add3A_85 = arith.addi %div3A_66, %add3A : i32
      %lt3A_86 = arith.constant 5 : i32
      %lt3A_87 = arith.cmpi slt, %add3A_85, %lt3A_86 : i32
      %and3A_88 = arith.andi %eq3A_84, %lt3A_87 : i1
      %convert_element_type3A_89 = arith.extui %and3A_88 : i1 to i32
      %cond3A_90 = arith.constant 0 : i32
      %cond3A_91 = arith.cmpi ne, %convert_element_type3A_89, %cond3A_90 : i32
      scf.if %cond3A_91 {
        %add3A_92 = arith.constant 1 : i32
        %add3A_93 = arith.addi %div3A_66, %add3A_92 : i32
        %add3A_94 = arith.constant 1 : i32
        %add3A_95 = arith.addi %div3A_66, %add3A_94 : i32
        %rem3A_96 = arith.constant 2 : i32
        %rem3A_97 = arith.remsi %add3A_95, %rem3A_96 : i32
        %dma_start3A_98 = arith.constant 0 : i32
        %dma_start3A_99 = arith.constant 0 : i32
        %dma_start3A_100 = tpu.memref_slice %arg7[%rem3A_97, %dma_start3A_98, %dma_start3A_99] : memref<2x25x80xi32, #tpu.memory_space<vmem>> -> memref<1x25x80xi32, #tpu.memory_space<vmem>>
        %dma_start3A_101 = tpu.memref_squeeze %dma_start3A_100 : memref<1x25x80xi32, #tpu.memory_space<vmem>> -> memref<25x80xi32, #tpu.memory_space<vmem>>
        %dma_start3A_102 = arith.constant 0 : i32
        %dma_start3A_103 = arith.constant 0 : i32
        %dma_start3A_104 = tpu.memref_slice %arg3[%arg0, %arg1, %add3A_93, %dma_start3A_102, %dma_start3A_103] : memref<2x16x5x25x80xi32, #tpu.memory_space<hbm>> -> memref<1x1x1x25x80xi32, #tpu.memory_space<hbm>>
        %dma_start3A_105 = tpu.memref_squeeze %dma_start3A_104 : memref<1x1x1x25x80xi32, #tpu.memory_space<hbm>> -> memref<25x80xi32, #tpu.memory_space<hbm>>
        %dma_start3A_106 = tpu.memref_slice %arg13[%rem3A_97] : memref<2x!tpu.dma_semaphore, #tpu.memory_space<semaphore_mem>> -> memref<1x!tpu.dma_semaphore, #tpu.memory_space<semaphore_mem>>
        %dma_start3A_107 = tpu.memref_squeeze %dma_start3A_106 : memref<1x!tpu.dma_semaphore, #tpu.memory_space<semaphore_mem>> -> memref<!tpu.dma_semaphore, #tpu.memory_space<semaphore_mem>>
        %dma_start3A_108 = arith.constant 0 : i32
        %dma_start3A_109 = arith.constant 0 : i32
        %dma_start3A_110 = tpu.memref_slice %arg7[%rem3A_97, %dma_start3A_108, %dma_start3A_109] : memref<2x25x80xi32, #tpu.memory_space<vmem>> -> memref<1x25x80xi32, #tpu.memory_space<vmem>>
        %dma_start3A_111 = tpu.memref_squeeze %dma_start3A_110 : memref<1x25x80xi32, #tpu.memory_space<vmem>> -> memref<25x80xi32, #tpu.memory_space<vmem>>
        %dma_start3A_112 = arith.constant 0 : i32
        %dma_start3A_113 = arith.constant 0 : i32
        %dma_start3A_114 = tpu.memref_slice %arg3[%arg0, %arg1, %add3A_93, %dma_start3A_112, %dma_start3A_113] : memref<2x16x5x25x80xi32, #tpu.memory_space<hbm>> -> memref<1x1x1x25x80xi32, #tpu.memory_space<hbm>>
        %dma_start3A_115 = tpu.memref_squeeze %dma_start3A_114 : memref<1x1x1x25x80xi32, #tpu.memory_space<hbm>> -> memref<25x80xi32, #tpu.memory_space<hbm>>
        tpu.enqueue_dma source(%dma_start3A_115 : memref<25x80xi32, #tpu.memory_space<hbm>>) target(%dma_start3A_111 : memref<25x80xi32, #tpu.memory_space<vmem>>) target_semaphore(%dma_start3A_107 : memref<!tpu.dma_semaphore, #tpu.memory_space<semaphore_mem>>)
        %dma_start3A_116 = arith.constant 0 : i32
        %dma_start3A_117 = arith.constant 0 : i32
        %dma_start3A_118 = tpu.memref_slice %arg8[%rem3A_97, %dma_start3A_116, %dma_start3A_117] : memref<2x25x80xi32, #tpu.memory_space<vmem>> -> memref<1x25x80xi32, #tpu.memory_space<vmem>>
        %dma_start3A_119 = tpu.memref_squeeze %dma_start3A_118 : memref<1x25x80xi32, #tpu.memory_space<vmem>> -> memref<25x80xi32, #tpu.memory_space<vmem>>
        %dma_start3A_120 = arith.constant 0 : i32
        %dma_start3A_121 = arith.constant 0 : i32
        %dma_start3A_122 = tpu.memref_slice %arg4[%arg1, %add3A_93, %dma_start3A_120, %dma_start3A_121] : memref<16x5x25x80xi32, #tpu.memory_space<hbm>> -> memref<1x1x25x80xi32, #tpu.memory_space<hbm>>
        %dma_start3A_123 = tpu.memref_squeeze %dma_start3A_122 : memref<1x1x25x80xi32, #tpu.memory_space<hbm>> -> memref<25x80xi32, #tpu.memory_space<hbm>>
        %dma_start3A_124 = tpu.memref_slice %arg13[%rem3A_97] : memref<2x!tpu.dma_semaphore, #tpu.memory_space<semaphore_mem>> -> memref<1x!tpu.dma_semaphore, #tpu.memory_space<semaphore_mem>>
        %dma_start3A_125 = tpu.memref_squeeze %dma_start3A_124 : memref<1x!tpu.dma_semaphore, #tpu.memory_space<semaphore_mem>> -> memref<!tpu.dma_semaphore, #tpu.memory_space<semaphore_mem>>
        %dma_start3A_126 = arith.constant 0 : i32
        %dma_start3A_127 = arith.constant 0 : i32
        %dma_start3A_128 = tpu.memref_slice %arg8[%rem3A_97, %dma_start3A_126, %dma_start3A_127] : memref<2x25x80xi32, #tpu.memory_space<vmem>> -> memref<1x25x80xi32, #tpu.memory_space<vmem>>
        %dma_start3A_129 = tpu.memref_squeeze %dma_start3A_128 : memref<1x25x80xi32, #tpu.memory_space<vmem>> -> memref<25x80xi32, #tpu.memory_space<vmem>>
        %dma_start3A_130 = arith.constant 0 : i32
        %dma_start3A_131 = arith.constant 0 : i32
        %dma_start3A_132 = tpu.memref_slice %arg4[%arg1, %add3A_93, %dma_start3A_130, %dma_start3A_131] : memref<16x5x25x80xi32, #tpu.memory_space<hbm>> -> memref<1x1x25x80xi32, #tpu.memory_space<hbm>>
        %dma_start3A_133 = tpu.memref_squeeze %dma_start3A_132 : memref<1x1x25x80xi32, #tpu.memory_space<hbm>> -> memref<25x80xi32, #tpu.memory_space<hbm>>
        tpu.enqueue_dma source(%dma_start3A_133 : memref<25x80xi32, #tpu.memory_space<hbm>>) target(%dma_start3A_129 : memref<25x80xi32, #tpu.memory_space<vmem>>) target_semaphore(%dma_start3A_125 : memref<!tpu.dma_semaphore, #tpu.memory_space<semaphore_mem>>)
      } else {
      }
    }
    %scan3A_52 = arith.constant 127 : i32
    %scan3A_53 = arith.constant 0 : i32
    %scan3A_54 = arith.constant 0 : i32
    %scan3A_55 = arith.constant 3 : i32
    %scan3A_56 = arith.addi %scan3A_54, %scan3A_55 : i32
    %scan3A_57 = arith.constant 1 : i32
    scf.for %scan3A_65 = %scan3A_54 to %scan3A_56 step %scan3A_57  : i32 {
      %add3A = arith.constant 122 : i32
      %add3A_66 = arith.addi %add3A, %scan3A_65 : i32
      %rem3A = arith.constant 3 : i32
      %rem3A_67 = arith.remsi %add3A_66, %rem3A : i32
      %div3A = arith.constant 25 : i32
      %div3A_68 = arith.divsi %add3A_66, %div3A : i32
      %rem3A_69 = arith.constant 2 : i32
      %rem3A_70 = arith.remsi %div3A_68, %rem3A_69 : i32
      %rem3A_71 = arith.constant 25 : i32
      %rem3A_72 = arith.remsi %add3A_66, %rem3A_71 : i32
      %dma_wait3A = arith.constant 0 : i32
      %dma_wait3A_73 = arith.constant 0 : i32
      %dma_wait3A_74 = tpu.memref_slice %arg9[%rem3A_67, %dma_wait3A, %dma_wait3A_73] : memref<3x80x128xf32, #tpu.memory_space<vmem>> -> memref<1x80x128xf32, #tpu.memory_space<vmem>>
      %dma_wait3A_75 = tpu.memref_squeeze %dma_wait3A_74 : memref<1x80x128xf32, #tpu.memory_space<vmem>> -> memref<80x128xf32, #tpu.memory_space<vmem>>
      %dma_wait3A_76 = arith.constant 0 : i32
      %dma_wait3A_77 = tpu.memref_slice %arg8[%rem3A_70, %rem3A_72, %dma_wait3A_76] : memref<2x25x80xi32, #tpu.memory_space<vmem>> -> memref<1x1x80xi32, #tpu.memory_space<vmem>>
      %dma_wait3A_78 = tpu.memref_squeeze %dma_wait3A_77 : memref<1x1x80xi32, #tpu.memory_space<vmem>> -> memref<80xi32, #tpu.memory_space<vmem>>
      %dma_wait3A_79 = arith.constant 0 : i32
      %dma_wait3A_80 = arith.constant 0 : i32
      %dma_wait3A_81 = tpu.memref_slice %arg10[%dma_wait3A_79, %dma_wait3A_80] : memref<10000x128xf32, #tpu.memory_space<vmem_shared>> -> memref<10000x128xf32, #tpu.memory_space<vmem_shared>>
      %dma_wait3A_82 = tpu.memref_slice %arg12[%rem3A_67] : memref<3x!tpu.dma_semaphore, #tpu.memory_space<semaphore_mem>> -> memref<1x!tpu.dma_semaphore, #tpu.memory_space<semaphore_mem>>
      %dma_wait3A_83 = tpu.memref_squeeze %dma_wait3A_82 : memref<1x!tpu.dma_semaphore, #tpu.memory_space<semaphore_mem>> -> memref<!tpu.dma_semaphore, #tpu.memory_space<semaphore_mem>>
      tpu.wait_indirect_dma semaphore(%dma_wait3A_83 : memref<!tpu.dma_semaphore, #tpu.memory_space<semaphore_mem>>) src(%dma_wait3A_75 : memref<80x128xf32, #tpu.memory_space<vmem>>) dst(%dma_wait3A_81 : memref<10000x128xf32, #tpu.memory_space<vmem_shared>>)
    }
    %scan3A_58 = arith.constant 3 : i32
    %barrier3A_59 = arith.constant 0 : index
    tpu.barrier barrier_id(%barrier3A_59)
    %lt3A_60 = arith.constant 10 : i32
    %lt3A_61 = arith.cmpi slt, %arg1, %lt3A_60 : i32
    %convert_element_type3A_62 = arith.extui %lt3A_61 : i1 to i32
    %cond3A_63 = arith.constant 0 : i32
    %cond3A_64 = arith.cmpi ne, %convert_element_type3A_62, %cond3A_63 : i32
    scf.if %cond3A_64 {
      %scan3A_65 = arith.constant 0 : i32
      %scan3A_66 = arith.constant 0 : i32
      %scan3A_67 = arith.constant 5 : i32
      %scan3A_68 = arith.addi %scan3A_66, %scan3A_67 : i32
      %scan3A_69 = arith.constant 1 : i32
      scf.for %scan3A_77 = %scan3A_66 to %scan3A_68 step %scan3A_69  : i32 {
        %mul3A = arith.constant 1000 : i32
        %mul3A_78 = arith.muli %arg1, %mul3A : i32
        %mul3A_79 = arith.constant 200 : i32
        %mul3A_80 = arith.muli %scan3A_77, %mul3A_79 : i32
        %add3A = arith.addi %mul3A_78, %mul3A_80 : i32
        %mul3A_81 = arith.constant 1000 : i32
        %mul3A_82 = arith.muli %arg1, %mul3A_81 : i32
        %mul3A_83 = arith.constant 200 : i32
        %mul3A_84 = arith.muli %scan3A_77, %mul3A_83 : i32
        %add3A_85 = arith.addi %mul3A_82, %mul3A_84 : i32
        %dma_start3A_86 = arith.constant 0 : i32
        %dma_start3A_87 = tpu.memref_slice %arg6[%arg0, %add3A_85, %dma_start3A_86] : memref<2x10000x128xf32, #tpu.memory_space<hbm>> -> memref<1x200x128xf32, #tpu.memory_space<hbm>>
        %dma_start3A_88 = tpu.memref_squeeze %dma_start3A_87 : memref<1x200x128xf32, #tpu.memory_space<hbm>> -> memref<200x128xf32, #tpu.memory_space<hbm>>
        %dma_start3A_89 = arith.constant 0 : i32
        %dma_start3A_90 = tpu.memref_slice %arg10[%add3A, %dma_start3A_89] : memref<10000x128xf32, #tpu.memory_space<vmem_shared>> -> memref<200x128xf32, #tpu.memory_space<vmem_shared>>
        tpu.enqueue_dma source(%dma_start3A_90 : memref<200x128xf32, #tpu.memory_space<vmem_shared>>) target(%dma_start3A_88 : memref<200x128xf32, #tpu.memory_space<hbm>>) target_semaphore(%arg14 : memref<!tpu.dma_semaphore, #tpu.memory_space<semaphore_mem>>)
      }
      %scan3A_70 = arith.constant 5 : i32
      %scan3A_71 = arith.constant 0 : i32
      %scan3A_72 = arith.constant 0 : i32
      %scan3A_73 = arith.constant 5 : i32
      %scan3A_74 = arith.addi %scan3A_72, %scan3A_73 : i32
      %scan3A_75 = arith.constant 1 : i32
      scf.for %scan3A_77 = %scan3A_72 to %scan3A_74 step %scan3A_75  : i32 {
        %mul3A = arith.constant 1000 : i32
        %mul3A_78 = arith.muli %arg1, %mul3A : i32
        %mul3A_79 = arith.constant 200 : i32
        %mul3A_80 = arith.muli %scan3A_77, %mul3A_79 : i32
        %add3A = arith.addi %mul3A_78, %mul3A_80 : i32
        %mul3A_81 = arith.constant 1000 : i32
        %mul3A_82 = arith.muli %arg1, %mul3A_81 : i32
        %mul3A_83 = arith.constant 200 : i32
        %mul3A_84 = arith.muli %scan3A_77, %mul3A_83 : i32
        %add3A_85 = arith.addi %mul3A_82, %mul3A_84 : i32
        %dma_wait3A = arith.constant 0 : i32
        %dma_wait3A_86 = tpu.memref_slice %arg6[%arg0, %add3A_85, %dma_wait3A] : memref<2x10000x128xf32, #tpu.memory_space<hbm>> -> memref<1x200x128xf32, #tpu.memory_space<hbm>>
        %dma_wait3A_87 = tpu.memref_squeeze %dma_wait3A_86 : memref<1x200x128xf32, #tpu.memory_space<hbm>> -> memref<200x128xf32, #tpu.memory_space<hbm>>
        %dma_wait3A_88 = arith.constant 0 : i32
        %dma_wait3A_89 = tpu.memref_slice %arg10[%add3A, %dma_wait3A_88] : memref<10000x128xf32, #tpu.memory_space<vmem_shared>> -> memref<200x128xf32, #tpu.memory_space<vmem_shared>>
        tpu.wait_dma2 semaphore(%arg14 : memref<!tpu.dma_semaphore, #tpu.memory_space<semaphore_mem>>) src(%dma_wait3A_89 : memref<200x128xf32, #tpu.memory_space<vmem_shared>>) dst(%dma_wait3A_87 : memref<200x128xf32, #tpu.memory_space<hbm>>)
      }
      %scan3A_76 = arith.constant 5 : i32
    } else {
    }
    return
  }
}

#map = affine_map<(d0, d1) -> (0, 0)>
#map1 = affine_map<(d0, d1) -> (0, 0, 0, 0, 0)>
#map2 = affine_map<(d0, d1) -> (0, 0, 0, 0)>
#map3 = affine_map<(d0, d1) -> (0, 0, 0)>
module attributes {stable_mosaic.version = 14 : i64} {
  func.func @_sc_agg(%arg0: i32, %arg1: i32, %arg2: memref<20000x128xf32, #tpu.memory_space<hbm>>, %arg3: memref<2x16x5x25x80xi32, #tpu.memory_space<hbm>>, %arg4: memref<16x5x25x80xi32, #tpu.memory_space<hbm>>, %arg5: memref<200x128xf32, #tpu.memory_space<hbm>>, %arg6: memref<2x10000x128xf32, #tpu.memory_space<hbm>>, %arg7: memref<2x25x80xi32, #tpu.memory_space<vmem>>, %arg8: memref<2x25x80xi32, #tpu.memory_space<vmem>>, %arg9: memref<3x80x128xf32, #tpu.memory_space<vmem>>, %arg10: memref<10000x128xf32, #tpu.memory_space<vmem_shared>>, %arg11: memref<3x!tpu.dma_semaphore, #tpu.memory_space<semaphore_mem>>, %arg12: memref<3x!tpu.dma_semaphore, #tpu.memory_space<semaphore_mem>>, %arg13: memref<2x!tpu.dma_semaphore, #tpu.memory_space<semaphore_mem>>, %arg14: memref<!tpu.dma_semaphore, #tpu.memory_space<semaphore_mem>>) attributes {dimension_semantics = [#tpu.dimension_semantics<core_parallel>, #tpu.dimension_semantics<subcore_parallel>], iteration_bounds = array<i64: 2, 16>, scalar_prefetch = 0 : i64, scratch_operands = 8 : i64, tpu.core_type = #tpu.core_type<sc_vector_subcore>, window_params = [{transform_indices = #map}, {transform_indices = #map1}, {transform_indices = #map2}, {transform_indices = #map}, {transform_indices = #map3}]} {
    %lt3A = arith.constant 10 : i32
    %lt3A_0 = arith.cmpi slt, %arg1, %lt3A : i32
    %convert_element_type3A = arith.extui %lt3A_0 : i1 to i32
    %cond3A = arith.constant 0 : i32
    %cond3A_1 = arith.cmpi ne, %convert_element_type3A, %cond3A : i32
    scf.if %cond3A_1 {
      %scan3A_65 = arith.constant 0 : i32
      %scan3A_66 = arith.constant 0 : i32
      %scan3A_67 = arith.constant 5 : i32
      %scan3A_68 = arith.addi %scan3A_66, %scan3A_67 : i32
      %scan3A_69 = arith.constant 1 : i32
      scf.for %scan3A_71 = %scan3A_66 to %scan3A_68 step %scan3A_69  : i32 {
        %mul3A = arith.constant 1000 : i32
        %mul3A_72 = arith.muli %arg1, %mul3A : i32
        %mul3A_73 = arith.constant 200 : i32
        %mul3A_74 = arith.muli %scan3A_71, %mul3A_73 : i32
        %add3A = arith.addi %mul3A_72, %mul3A_74 : i32
        %dma_start3A_75 = arith.constant 0 : i32
        %dma_start3A_76 = tpu.memref_slice %arg10[%add3A, %dma_start3A_75] : memref<10000x128xf32, #tpu.memory_space<vmem_shared>> -> memref<200x128xf32, #tpu.memory_space<vmem_shared>>
        tpu.enqueue_dma source(%arg5 : memref<200x128xf32, #tpu.memory_space<hbm>>) target(%dma_start3A_76 : memref<200x128xf32, #tpu.memory_space<vmem_shared>>) target_semaphore(%arg14 : memref<!tpu.dma_semaphore, #tpu.memory_space<semaphore_mem>>)
      }
      %scan3A_70 = arith.constant 5 : i32
    } else {
    }
    %dma_start3A = arith.constant 0 : i32
    %dma_start3A_2 = arith.constant 0 : i32
    %dma_start3A_3 = arith.constant 0 : i32
    %dma_start3A_4 = arith.constant 0 : i32
    %dma_start3A_5 = arith.constant 0 : i32
    %dma_start3A_6 = tpu.memref_slice %arg7[%dma_start3A_2, %dma_start3A_4, %dma_start3A_5] : memref<2x25x80xi32, #tpu.memory_space<vmem>> -> memref<1x25x80xi32, #tpu.memory_space<vmem>>
    %dma_start3A_7 = tpu.memref_squeeze %dma_start3A_6 : memref<1x25x80xi32, #tpu.memory_space<vmem>> -> memref<25x80xi32, #tpu.memory_space<vmem>>
    %dma_start3A_8 = arith.constant 0 : i32
    %dma_start3A_9 = arith.constant 0 : i32
    %dma_start3A_10 = tpu.memref_slice %arg3[%arg0, %arg1, %dma_start3A, %dma_start3A_8, %dma_start3A_9] : memref<2x16x5x25x80xi32, #tpu.memory_space<hbm>> -> memref<1x1x1x25x80xi32, #tpu.memory_space<hbm>>
    %dma_start3A_11 = tpu.memref_squeeze %dma_start3A_10 : memref<1x1x1x25x80xi32, #tpu.memory_space<hbm>> -> memref<25x80xi32, #tpu.memory_space<hbm>>
    %dma_start3A_12 = tpu.memref_slice %arg13[%dma_start3A_3] : memref<2x!tpu.dma_semaphore, #tpu.memory_space<semaphore_mem>> -> memref<1x!tpu.dma_semaphore, #tpu.memory_space<semaphore_mem>>
    %dma_start3A_13 = tpu.memref_squeeze %dma_start3A_12 : memref<1x!tpu.dma_semaphore, #tpu.memory_space<semaphore_mem>> -> memref<!tpu.dma_semaphore, #tpu.memory_space<semaphore_mem>>
    %dma_start3A_14 = arith.constant 0 : i32
    %dma_start3A_15 = arith.constant 0 : i32
    %dma_start3A_16 = tpu.memref_slice %arg7[%dma_start3A_2, %dma_start3A_14, %dma_start3A_15] : memref<2x25x80xi32, #tpu.memory_space<vmem>> -> memref<1x25x80xi32, #tpu.memory_space<vmem>>
    %dma_start3A_17 = tpu.memref_squeeze %dma_start3A_16 : memref<1x25x80xi32, #tpu.memory_space<vmem>> -> memref<25x80xi32, #tpu.memory_space<vmem>>
    %dma_start3A_18 = arith.constant 0 : i32
    %dma_start3A_19 = arith.constant 0 : i32
    %dma_start3A_20 = tpu.memref_slice %arg3[%arg0, %arg1, %dma_start3A, %dma_start3A_18, %dma_start3A_19] : memref<2x16x5x25x80xi32, #tpu.memory_space<hbm>> -> memref<1x1x1x25x80xi32, #tpu.memory_space<hbm>>
    %dma_start3A_21 = tpu.memref_squeeze %dma_start3A_20 : memref<1x1x1x25x80xi32, #tpu.memory_space<hbm>> -> memref<25x80xi32, #tpu.memory_space<hbm>>
    tpu.enqueue_dma source(%dma_start3A_21 : memref<25x80xi32, #tpu.memory_space<hbm>>) target(%dma_start3A_17 : memref<25x80xi32, #tpu.memory_space<vmem>>) target_semaphore(%dma_start3A_13 : memref<!tpu.dma_semaphore, #tpu.memory_space<semaphore_mem>>)
    %dma_start3A_22 = arith.constant 0 : i32
    %dma_start3A_23 = arith.constant 0 : i32
    %dma_start3A_24 = arith.constant 0 : i32
    %dma_start3A_25 = arith.constant 0 : i32
    %dma_start3A_26 = arith.constant 0 : i32
    %dma_start3A_27 = tpu.memref_slice %arg8[%dma_start3A_23, %dma_start3A_25, %dma_start3A_26] : memref<2x25x80xi32, #tpu.memory_space<vmem>> -> memref<1x25x80xi32, #tpu.memory_space<vmem>>
    %dma_start3A_28 = tpu.memref_squeeze %dma_start3A_27 : memref<1x25x80xi32, #tpu.memory_space<vmem>> -> memref<25x80xi32, #tpu.memory_space<vmem>>
    %dma_start3A_29 = arith.constant 0 : i32
    %dma_start3A_30 = arith.constant 0 : i32
    %dma_start3A_31 = tpu.memref_slice %arg4[%arg1, %dma_start3A_22, %dma_start3A_29, %dma_start3A_30] : memref<16x5x25x80xi32, #tpu.memory_space<hbm>> -> memref<1x1x25x80xi32, #tpu.memory_space<hbm>>
    %dma_start3A_32 = tpu.memref_squeeze %dma_start3A_31 : memref<1x1x25x80xi32, #tpu.memory_space<hbm>> -> memref<25x80xi32, #tpu.memory_space<hbm>>
    %dma_start3A_33 = tpu.memref_slice %arg13[%dma_start3A_24] : memref<2x!tpu.dma_semaphore, #tpu.memory_space<semaphore_mem>> -> memref<1x!tpu.dma_semaphore, #tpu.memory_space<semaphore_mem>>
    %dma_start3A_34 = tpu.memref_squeeze %dma_start3A_33 : memref<1x!tpu.dma_semaphore, #tpu.memory_space<semaphore_mem>> -> memref<!tpu.dma_semaphore, #tpu.memory_space<semaphore_mem>>
    %dma_start3A_35 = arith.constant 0 : i32
    %dma_start3A_36 = arith.constant 0 : i32
    %dma_start3A_37 = tpu.memref_slice %arg8[%dma_start3A_23, %dma_start3A_35, %dma_start3A_36] : memref<2x25x80xi32, #tpu.memory_space<vmem>> -> memref<1x25x80xi32, #tpu.memory_space<vmem>>
    %dma_start3A_38 = tpu.memref_squeeze %dma_start3A_37 : memref<1x25x80xi32, #tpu.memory_space<vmem>> -> memref<25x80xi32, #tpu.memory_space<vmem>>
    %dma_start3A_39 = arith.constant 0 : i32
    %dma_start3A_40 = arith.constant 0 : i32
    %dma_start3A_41 = tpu.memref_slice %arg4[%arg1, %dma_start3A_22, %dma_start3A_39, %dma_start3A_40] : memref<16x5x25x80xi32, #tpu.memory_space<hbm>> -> memref<1x1x25x80xi32, #tpu.memory_space<hbm>>
    %dma_start3A_42 = tpu.memref_squeeze %dma_start3A_41 : memref<1x1x25x80xi32, #tpu.memory_space<hbm>> -> memref<25x80xi32, #tpu.memory_space<hbm>>
    tpu.enqueue_dma source(%dma_start3A_42 : memref<25x80xi32, #tpu.memory_space<hbm>>) target(%dma_start3A_38 : memref<25x80xi32, #tpu.memory_space<vmem>>) target_semaphore(%dma_start3A_34 : memref<!tpu.dma_semaphore, #tpu.memory_space<semaphore_mem>>)
    %lt3A_43 = arith.constant 10 : i32
    %lt3A_44 = arith.cmpi slt, %arg1, %lt3A_43 : i32
    %convert_element_type3A_45 = arith.extui %lt3A_44 : i1 to i32
    %cond3A_46 = arith.constant 0 : i32
    %cond3A_47 = arith.cmpi ne, %convert_element_type3A_45, %cond3A_46 : i32
    scf.if %cond3A_47 {
      %scan3A_65 = arith.constant 0 : i32
      %scan3A_66 = arith.constant 0 : i32
      %scan3A_67 = arith.constant 5 : i32
      %scan3A_68 = arith.addi %scan3A_66, %scan3A_67 : i32
      %scan3A_69 = arith.constant 1 : i32
      scf.for %scan3A_71 = %scan3A_66 to %scan3A_68 step %scan3A_69  : i32 {
        %mul3A = arith.constant 1000 : i32
        %mul3A_72 = arith.muli %arg1, %mul3A : i32
        %mul3A_73 = arith.constant 200 : i32
        %mul3A_74 = arith.muli %scan3A_71, %mul3A_73 : i32
        %add3A = arith.addi %mul3A_72, %mul3A_74 : i32
        %dma_wait3A = arith.constant 0 : i32
        %dma_wait3A_75 = tpu.memref_slice %arg10[%add3A, %dma_wait3A] : memref<10000x128xf32, #tpu.memory_space<vmem_shared>> -> memref<200x128xf32, #tpu.memory_space<vmem_shared>>
        tpu.wait_dma2 semaphore(%arg14 : memref<!tpu.dma_semaphore, #tpu.memory_space<semaphore_mem>>) src(%arg5 : memref<200x128xf32, #tpu.memory_space<hbm>>) dst(%dma_wait3A_75 : memref<200x128xf32, #tpu.memory_space<vmem_shared>>)
      }
      %scan3A_70 = arith.constant 5 : i32
    } else {
    }
    %barrier3A = arith.constant 0 : index
    tpu.barrier barrier_id(%barrier3A)
    %scan3A = arith.constant 0 : i32
    %scan3A_48 = arith.constant 0 : i32
    %scan3A_49 = arith.constant 127 : i32
    %scan3A_50 = arith.addi %scan3A_48, %scan3A_49 : i32
    %scan3A_51 = arith.constant 1 : i32
    scf.for %scan3A_65 = %scan3A_48 to %scan3A_50 step %scan3A_51  : i32 {
      %div3A = arith.constant 25 : i32
      %div3A_66 = arith.divsi %scan3A_65, %div3A : i32
      %rem3A = arith.constant 25 : i32
      %rem3A_67 = arith.remsi %scan3A_65, %rem3A : i32
      %eq3A = arith.constant 0 : i32
      %eq3A_68 = arith.cmpi eq, %rem3A_67, %eq3A : i32
      %lt3A_69 = arith.constant 125 : i32
      %lt3A_70 = arith.cmpi slt, %scan3A_65, %lt3A_69 : i32
      %and3A = arith.andi %eq3A_68, %lt3A_70 : i1
      %convert_element_type3A_71 = arith.extui %and3A : i1 to i32
      %cond3A_72 = arith.constant 0 : i32
      %cond3A_73 = arith.cmpi ne, %convert_element_type3A_71, %cond3A_72 : i32
      scf.if %cond3A_73 {
        %rem3A_92 = arith.constant 2 : i32
        %rem3A_93 = arith.remsi %div3A_66, %rem3A_92 : i32
        %dma_wait3A = arith.constant 0 : i32
        %dma_wait3A_94 = arith.constant 0 : i32
        %dma_wait3A_95 = tpu.memref_slice %arg7[%rem3A_93, %dma_wait3A, %dma_wait3A_94] : memref<2x25x80xi32, #tpu.memory_space<vmem>> -> memref<1x25x80xi32, #tpu.memory_space<vmem>>
        %dma_wait3A_96 = tpu.memref_squeeze %dma_wait3A_95 : memref<1x25x80xi32, #tpu.memory_space<vmem>> -> memref<25x80xi32, #tpu.memory_space<vmem>>
        %dma_wait3A_97 = arith.constant 0 : i32
        %dma_wait3A_98 = arith.constant 0 : i32
        %dma_wait3A_99 = tpu.memref_slice %arg3[%arg0, %arg1, %div3A_66, %dma_wait3A_97, %dma_wait3A_98] : memref<2x16x5x25x80xi32, #tpu.memory_space<hbm>> -> memref<1x1x1x25x80xi32, #tpu.memory_space<hbm>>
        %dma_wait3A_100 = tpu.memref_squeeze %dma_wait3A_99 : memref<1x1x1x25x80xi32, #tpu.memory_space<hbm>> -> memref<25x80xi32, #tpu.memory_space<hbm>>
        %dma_wait3A_101 = tpu.memref_slice %arg13[%rem3A_93] : memref<2x!tpu.dma_semaphore, #tpu.memory_space<semaphore_mem>> -> memref<1x!tpu.dma_semaphore, #tpu.memory_space<semaphore_mem>>
        %dma_wait3A_102 = tpu.memref_squeeze %dma_wait3A_101 : memref<1x!tpu.dma_semaphore, #tpu.memory_space<semaphore_mem>> -> memref<!tpu.dma_semaphore, #tpu.memory_space<semaphore_mem>>
        %dma_wait3A_103 = arith.constant 0 : i32
        %dma_wait3A_104 = arith.constant 0 : i32
        %dma_wait3A_105 = tpu.memref_slice %arg7[%rem3A_93, %dma_wait3A_103, %dma_wait3A_104] : memref<2x25x80xi32, #tpu.memory_space<vmem>> -> memref<1x25x80xi32, #tpu.memory_space<vmem>>
        %dma_wait3A_106 = tpu.memref_squeeze %dma_wait3A_105 : memref<1x25x80xi32, #tpu.memory_space<vmem>> -> memref<25x80xi32, #tpu.memory_space<vmem>>
        %dma_wait3A_107 = arith.constant 0 : i32
        %dma_wait3A_108 = arith.constant 0 : i32
        %dma_wait3A_109 = tpu.memref_slice %arg3[%arg0, %arg1, %div3A_66, %dma_wait3A_107, %dma_wait3A_108] : memref<2x16x5x25x80xi32, #tpu.memory_space<hbm>> -> memref<1x1x1x25x80xi32, #tpu.memory_space<hbm>>
        %dma_wait3A_110 = tpu.memref_squeeze %dma_wait3A_109 : memref<1x1x1x25x80xi32, #tpu.memory_space<hbm>> -> memref<25x80xi32, #tpu.memory_space<hbm>>
        tpu.wait_dma2 semaphore(%dma_wait3A_102 : memref<!tpu.dma_semaphore, #tpu.memory_space<semaphore_mem>>) src(%dma_wait3A_110 : memref<25x80xi32, #tpu.memory_space<hbm>>) dst(%dma_wait3A_106 : memref<25x80xi32, #tpu.memory_space<vmem>>)
        %dma_wait3A_111 = arith.constant 0 : i32
        %dma_wait3A_112 = arith.constant 0 : i32
        %dma_wait3A_113 = tpu.memref_slice %arg8[%rem3A_93, %dma_wait3A_111, %dma_wait3A_112] : memref<2x25x80xi32, #tpu.memory_space<vmem>> -> memref<1x25x80xi32, #tpu.memory_space<vmem>>
        %dma_wait3A_114 = tpu.memref_squeeze %dma_wait3A_113 : memref<1x25x80xi32, #tpu.memory_space<vmem>> -> memref<25x80xi32, #tpu.memory_space<vmem>>
        %dma_wait3A_115 = arith.constant 0 : i32
        %dma_wait3A_116 = arith.constant 0 : i32
        %dma_wait3A_117 = tpu.memref_slice %arg4[%arg1, %div3A_66, %dma_wait3A_115, %dma_wait3A_116] : memref<16x5x25x80xi32, #tpu.memory_space<hbm>> -> memref<1x1x25x80xi32, #tpu.memory_space<hbm>>
        %dma_wait3A_118 = tpu.memref_squeeze %dma_wait3A_117 : memref<1x1x25x80xi32, #tpu.memory_space<hbm>> -> memref<25x80xi32, #tpu.memory_space<hbm>>
        %dma_wait3A_119 = tpu.memref_slice %arg13[%rem3A_93] : memref<2x!tpu.dma_semaphore, #tpu.memory_space<semaphore_mem>> -> memref<1x!tpu.dma_semaphore, #tpu.memory_space<semaphore_mem>>
        %dma_wait3A_120 = tpu.memref_squeeze %dma_wait3A_119 : memref<1x!tpu.dma_semaphore, #tpu.memory_space<semaphore_mem>> -> memref<!tpu.dma_semaphore, #tpu.memory_space<semaphore_mem>>
        %dma_wait3A_121 = arith.constant 0 : i32
        %dma_wait3A_122 = arith.constant 0 : i32
        %dma_wait3A_123 = tpu.memref_slice %arg8[%rem3A_93, %dma_wait3A_121, %dma_wait3A_122] : memref<2x25x80xi32, #tpu.memory_space<vmem>> -> memref<1x25x80xi32, #tpu.memory_space<vmem>>
        %dma_wait3A_124 = tpu.memref_squeeze %dma_wait3A_123 : memref<1x25x80xi32, #tpu.memory_space<vmem>> -> memref<25x80xi32, #tpu.memory_space<vmem>>
        %dma_wait3A_125 = arith.constant 0 : i32
        %dma_wait3A_126 = arith.constant 0 : i32
        %dma_wait3A_127 = tpu.memref_slice %arg4[%arg1, %div3A_66, %dma_wait3A_125, %dma_wait3A_126] : memref<16x5x25x80xi32, #tpu.memory_space<hbm>> -> memref<1x1x25x80xi32, #tpu.memory_space<hbm>>
        %dma_wait3A_128 = tpu.memref_squeeze %dma_wait3A_127 : memref<1x1x25x80xi32, #tpu.memory_space<hbm>> -> memref<25x80xi32, #tpu.memory_space<hbm>>
        tpu.wait_dma2 semaphore(%dma_wait3A_120 : memref<!tpu.dma_semaphore, #tpu.memory_space<semaphore_mem>>) src(%dma_wait3A_128 : memref<25x80xi32, #tpu.memory_space<hbm>>) dst(%dma_wait3A_124 : memref<25x80xi32, #tpu.memory_space<vmem>>)
      } else {
      }
      %ge3A = arith.constant 2 : i32
      %ge3A_74 = arith.cmpi sge, %scan3A_65, %ge3A : i32
      %convert_element_type3A_75 = arith.extui %ge3A_74 : i1 to i32
      %cond3A_76 = arith.constant 0 : i32
      %cond3A_77 = arith.cmpi ne, %convert_element_type3A_75, %cond3A_76 : i32
      scf.if %cond3A_77 {
        %sub3A = arith.constant 2 : i32
        %sub3A_92 = arith.subi %scan3A_65, %sub3A : i32
        %rem3A_93 = arith.constant 3 : i32
        %rem3A_94 = arith.remsi %sub3A_92, %rem3A_93 : i32
        %div3A_95 = arith.constant 25 : i32
        %div3A_96 = arith.divsi %sub3A_92, %div3A_95 : i32
        %rem3A_97 = arith.constant 2 : i32
        %rem3A_98 = arith.remsi %div3A_96, %rem3A_97 : i32
        %rem3A_99 = arith.constant 25 : i32
        %rem3A_100 = arith.remsi %sub3A_92, %rem3A_99 : i32
        %dma_wait3A = arith.constant 0 : i32
        %dma_wait3A_101 = arith.constant 0 : i32
        %dma_wait3A_102 = tpu.memref_slice %arg9[%rem3A_94, %dma_wait3A, %dma_wait3A_101] : memref<3x80x128xf32, #tpu.memory_space<vmem>> -> memref<1x80x128xf32, #tpu.memory_space<vmem>>
        %dma_wait3A_103 = tpu.memref_squeeze %dma_wait3A_102 : memref<1x80x128xf32, #tpu.memory_space<vmem>> -> memref<80x128xf32, #tpu.memory_space<vmem>>
        %dma_wait3A_104 = arith.constant 0 : i32
        %dma_wait3A_105 = tpu.memref_slice %arg7[%rem3A_98, %rem3A_100, %dma_wait3A_104] : memref<2x25x80xi32, #tpu.memory_space<vmem>> -> memref<1x1x80xi32, #tpu.memory_space<vmem>>
        %dma_wait3A_106 = tpu.memref_squeeze %dma_wait3A_105 : memref<1x1x80xi32, #tpu.memory_space<vmem>> -> memref<80xi32, #tpu.memory_space<vmem>>
        %dma_wait3A_107 = arith.constant 0 : i32
        %dma_wait3A_108 = arith.constant 0 : i32
        %dma_wait3A_109 = tpu.memref_slice %arg2[%dma_wait3A_107, %dma_wait3A_108] : memref<20000x128xf32, #tpu.memory_space<hbm>> -> memref<20000x128xf32, #tpu.memory_space<hbm>>
        %dma_wait3A_110 = tpu.memref_slice %arg11[%rem3A_94] : memref<3x!tpu.dma_semaphore, #tpu.memory_space<semaphore_mem>> -> memref<1x!tpu.dma_semaphore, #tpu.memory_space<semaphore_mem>>
        %dma_wait3A_111 = tpu.memref_squeeze %dma_wait3A_110 : memref<1x!tpu.dma_semaphore, #tpu.memory_space<semaphore_mem>> -> memref<!tpu.dma_semaphore, #tpu.memory_space<semaphore_mem>>
        tpu.wait_indirect_dma semaphore(%dma_wait3A_111 : memref<!tpu.dma_semaphore, #tpu.memory_space<semaphore_mem>>) src(%dma_wait3A_109 : memref<20000x128xf32, #tpu.memory_space<hbm>>) dst(%dma_wait3A_103 : memref<80x128xf32, #tpu.memory_space<vmem>>)
        %dma_start3A_112 = arith.constant 0 : i32
        %dma_start3A_113 = arith.constant 0 : i32
        %dma_start3A_114 = tpu.memref_slice %arg9[%rem3A_94, %dma_start3A_112, %dma_start3A_113] : memref<3x80x128xf32, #tpu.memory_space<vmem>> -> memref<1x80x128xf32, #tpu.memory_space<vmem>>
        %dma_start3A_115 = tpu.memref_squeeze %dma_start3A_114 : memref<1x80x128xf32, #tpu.memory_space<vmem>> -> memref<80x128xf32, #tpu.memory_space<vmem>>
        %dma_start3A_116 = arith.constant 0 : i32
        %dma_start3A_117 = tpu.memref_slice %arg8[%rem3A_98, %rem3A_100, %dma_start3A_116] : memref<2x25x80xi32, #tpu.memory_space<vmem>> -> memref<1x1x80xi32, #tpu.memory_space<vmem>>
        %dma_start3A_118 = tpu.memref_squeeze %dma_start3A_117 : memref<1x1x80xi32, #tpu.memory_space<vmem>> -> memref<80xi32, #tpu.memory_space<vmem>>
        %dma_start3A_119 = arith.constant 0 : i32
        %dma_start3A_120 = arith.constant 0 : i32
        %dma_start3A_121 = tpu.memref_slice %arg10[%dma_start3A_119, %dma_start3A_120] : memref<10000x128xf32, #tpu.memory_space<vmem_shared>> -> memref<10000x128xf32, #tpu.memory_space<vmem_shared>>
        %dma_start3A_122 = tpu.memref_slice %arg12[%rem3A_94] : memref<3x!tpu.dma_semaphore, #tpu.memory_space<semaphore_mem>> -> memref<1x!tpu.dma_semaphore, #tpu.memory_space<semaphore_mem>>
        %dma_start3A_123 = tpu.memref_squeeze %dma_start3A_122 : memref<1x!tpu.dma_semaphore, #tpu.memory_space<semaphore_mem>> -> memref<!tpu.dma_semaphore, #tpu.memory_space<semaphore_mem>>
        tpu.enqueue_indirect_dma source(%dma_start3A_115 : memref<80x128xf32, #tpu.memory_space<vmem>>) target(%dma_start3A_121 : memref<10000x128xf32, #tpu.memory_space<vmem_shared>>) offsets(%dma_start3A_118 : memref<80xi32, #tpu.memory_space<vmem>>) semaphore(%dma_start3A_123 : memref<!tpu.dma_semaphore, #tpu.memory_space<semaphore_mem>>) {add = true}
      } else {
      }
      %lt3A_78 = arith.constant 125 : i32
      %lt3A_79 = arith.cmpi slt, %scan3A_65, %lt3A_78 : i32
      %convert_element_type3A_80 = arith.extui %lt3A_79 : i1 to i32
      %cond3A_81 = arith.constant 0 : i32
      %cond3A_82 = arith.cmpi ne, %convert_element_type3A_80, %cond3A_81 : i32
      scf.if %cond3A_82 {
        %rem3A_92 = arith.constant 3 : i32
        %rem3A_93 = arith.remsi %scan3A_65, %rem3A_92 : i32
        %ge3A_94 = arith.constant 3 : i32
        %ge3A_95 = arith.cmpi sge, %scan3A_65, %ge3A_94 : i32
        %convert_element_type3A_96 = arith.extui %ge3A_95 : i1 to i32
        %cond3A_97 = arith.constant 0 : i32
        %cond3A_98 = arith.cmpi ne, %convert_element_type3A_96, %cond3A_97 : i32
        scf.if %cond3A_98 {
          %sub3A = arith.constant 3 : i32
          %sub3A_113 = arith.subi %scan3A_65, %sub3A : i32
          %div3A_114 = arith.constant 25 : i32
          %div3A_115 = arith.divsi %sub3A_113, %div3A_114 : i32
          %rem3A_116 = arith.constant 2 : i32
          %rem3A_117 = arith.remsi %div3A_115, %rem3A_116 : i32
          %rem3A_118 = arith.constant 25 : i32
          %rem3A_119 = arith.remsi %sub3A_113, %rem3A_118 : i32
          %dma_wait3A = arith.constant 0 : i32
          %dma_wait3A_120 = arith.constant 0 : i32
          %dma_wait3A_121 = tpu.memref_slice %arg9[%rem3A_93, %dma_wait3A, %dma_wait3A_120] : memref<3x80x128xf32, #tpu.memory_space<vmem>> -> memref<1x80x128xf32, #tpu.memory_space<vmem>>
          %dma_wait3A_122 = tpu.memref_squeeze %dma_wait3A_121 : memref<1x80x128xf32, #tpu.memory_space<vmem>> -> memref<80x128xf32, #tpu.memory_space<vmem>>
          %dma_wait3A_123 = arith.constant 0 : i32
          %dma_wait3A_124 = tpu.memref_slice %arg8[%rem3A_117, %rem3A_119, %dma_wait3A_123] : memref<2x25x80xi32, #tpu.memory_space<vmem>> -> memref<1x1x80xi32, #tpu.memory_space<vmem>>
          %dma_wait3A_125 = tpu.memref_squeeze %dma_wait3A_124 : memref<1x1x80xi32, #tpu.memory_space<vmem>> -> memref<80xi32, #tpu.memory_space<vmem>>
          %dma_wait3A_126 = arith.constant 0 : i32
          %dma_wait3A_127 = arith.constant 0 : i32
          %dma_wait3A_128 = tpu.memref_slice %arg10[%dma_wait3A_126, %dma_wait3A_127] : memref<10000x128xf32, #tpu.memory_space<vmem_shared>> -> memref<10000x128xf32, #tpu.memory_space<vmem_shared>>
          %dma_wait3A_129 = tpu.memref_slice %arg12[%rem3A_93] : memref<3x!tpu.dma_semaphore, #tpu.memory_space<semaphore_mem>> -> memref<1x!tpu.dma_semaphore, #tpu.memory_space<semaphore_mem>>
          %dma_wait3A_130 = tpu.memref_squeeze %dma_wait3A_129 : memref<1x!tpu.dma_semaphore, #tpu.memory_space<semaphore_mem>> -> memref<!tpu.dma_semaphore, #tpu.memory_space<semaphore_mem>>
          tpu.wait_indirect_dma semaphore(%dma_wait3A_130 : memref<!tpu.dma_semaphore, #tpu.memory_space<semaphore_mem>>) src(%dma_wait3A_122 : memref<80x128xf32, #tpu.memory_space<vmem>>) dst(%dma_wait3A_128 : memref<10000x128xf32, #tpu.memory_space<vmem_shared>>)
        } else {
        }
        %rem3A_99 = arith.constant 2 : i32
        %rem3A_100 = arith.remsi %div3A_66, %rem3A_99 : i32
        %dma_start3A_101 = arith.constant 0 : i32
        %dma_start3A_102 = arith.constant 0 : i32
        %dma_start3A_103 = tpu.memref_slice %arg9[%rem3A_93, %dma_start3A_101, %dma_start3A_102] : memref<3x80x128xf32, #tpu.memory_space<vmem>> -> memref<1x80x128xf32, #tpu.memory_space<vmem>>
        %dma_start3A_104 = tpu.memref_squeeze %dma_start3A_103 : memref<1x80x128xf32, #tpu.memory_space<vmem>> -> memref<80x128xf32, #tpu.memory_space<vmem>>
        %dma_start3A_105 = arith.constant 0 : i32
        %dma_start3A_106 = tpu.memref_slice %arg7[%rem3A_100, %rem3A_67, %dma_start3A_105] : memref<2x25x80xi32, #tpu.memory_space<vmem>> -> memref<1x1x80xi32, #tpu.memory_space<vmem>>
        %dma_start3A_107 = tpu.memref_squeeze %dma_start3A_106 : memref<1x1x80xi32, #tpu.memory_space<vmem>> -> memref<80xi32, #tpu.memory_space<vmem>>
        %dma_start3A_108 = arith.constant 0 : i32
        %dma_start3A_109 = arith.constant 0 : i32
        %dma_start3A_110 = tpu.memref_slice %arg2[%dma_start3A_108, %dma_start3A_109] : memref<20000x128xf32, #tpu.memory_space<hbm>> -> memref<20000x128xf32, #tpu.memory_space<hbm>>
        %dma_start3A_111 = tpu.memref_slice %arg11[%rem3A_93] : memref<3x!tpu.dma_semaphore, #tpu.memory_space<semaphore_mem>> -> memref<1x!tpu.dma_semaphore, #tpu.memory_space<semaphore_mem>>
        %dma_start3A_112 = tpu.memref_squeeze %dma_start3A_111 : memref<1x!tpu.dma_semaphore, #tpu.memory_space<semaphore_mem>> -> memref<!tpu.dma_semaphore, #tpu.memory_space<semaphore_mem>>
        tpu.enqueue_indirect_dma source(%dma_start3A_110 : memref<20000x128xf32, #tpu.memory_space<hbm>>) target(%dma_start3A_104 : memref<80x128xf32, #tpu.memory_space<vmem>>) offsets(%dma_start3A_107 : memref<80xi32, #tpu.memory_space<vmem>>) semaphore(%dma_start3A_112 : memref<!tpu.dma_semaphore, #tpu.memory_space<semaphore_mem>>)
      } else {
      }
      %eq3A_83 = arith.constant 3 : i32
      %eq3A_84 = arith.cmpi eq, %rem3A_67, %eq3A_83 : i32
      %add3A = arith.constant 1 : i32
      %add3A_85 = arith.addi %div3A_66, %add3A : i32
      %lt3A_86 = arith.constant 5 : i32
      %lt3A_87 = arith.cmpi slt, %add3A_85, %lt3A_86 : i32
      %and3A_88 = arith.andi %eq3A_84, %lt3A_87 : i1
      %convert_element_type3A_89 = arith.extui %and3A_88 : i1 to i32
      %cond3A_90 = arith.constant 0 : i32
      %cond3A_91 = arith.cmpi ne, %convert_element_type3A_89, %cond3A_90 : i32
      scf.if %cond3A_91 {
        %add3A_92 = arith.constant 1 : i32
        %add3A_93 = arith.addi %div3A_66, %add3A_92 : i32
        %add3A_94 = arith.constant 1 : i32
        %add3A_95 = arith.addi %div3A_66, %add3A_94 : i32
        %rem3A_96 = arith.constant 2 : i32
        %rem3A_97 = arith.remsi %add3A_95, %rem3A_96 : i32
        %dma_start3A_98 = arith.constant 0 : i32
        %dma_start3A_99 = arith.constant 0 : i32
        %dma_start3A_100 = tpu.memref_slice %arg7[%rem3A_97, %dma_start3A_98, %dma_start3A_99] : memref<2x25x80xi32, #tpu.memory_space<vmem>> -> memref<1x25x80xi32, #tpu.memory_space<vmem>>
        %dma_start3A_101 = tpu.memref_squeeze %dma_start3A_100 : memref<1x25x80xi32, #tpu.memory_space<vmem>> -> memref<25x80xi32, #tpu.memory_space<vmem>>
        %dma_start3A_102 = arith.constant 0 : i32
        %dma_start3A_103 = arith.constant 0 : i32
        %dma_start3A_104 = tpu.memref_slice %arg3[%arg0, %arg1, %add3A_93, %dma_start3A_102, %dma_start3A_103] : memref<2x16x5x25x80xi32, #tpu.memory_space<hbm>> -> memref<1x1x1x25x80xi32, #tpu.memory_space<hbm>>
        %dma_start3A_105 = tpu.memref_squeeze %dma_start3A_104 : memref<1x1x1x25x80xi32, #tpu.memory_space<hbm>> -> memref<25x80xi32, #tpu.memory_space<hbm>>
        %dma_start3A_106 = tpu.memref_slice %arg13[%rem3A_97] : memref<2x!tpu.dma_semaphore, #tpu.memory_space<semaphore_mem>> -> memref<1x!tpu.dma_semaphore, #tpu.memory_space<semaphore_mem>>
        %dma_start3A_107 = tpu.memref_squeeze %dma_start3A_106 : memref<1x!tpu.dma_semaphore, #tpu.memory_space<semaphore_mem>> -> memref<!tpu.dma_semaphore, #tpu.memory_space<semaphore_mem>>
        %dma_start3A_108 = arith.constant 0 : i32
        %dma_start3A_109 = arith.constant 0 : i32
        %dma_start3A_110 = tpu.memref_slice %arg7[%rem3A_97, %dma_start3A_108, %dma_start3A_109] : memref<2x25x80xi32, #tpu.memory_space<vmem>> -> memref<1x25x80xi32, #tpu.memory_space<vmem>>
        %dma_start3A_111 = tpu.memref_squeeze %dma_start3A_110 : memref<1x25x80xi32, #tpu.memory_space<vmem>> -> memref<25x80xi32, #tpu.memory_space<vmem>>
        %dma_start3A_112 = arith.constant 0 : i32
        %dma_start3A_113 = arith.constant 0 : i32
        %dma_start3A_114 = tpu.memref_slice %arg3[%arg0, %arg1, %add3A_93, %dma_start3A_112, %dma_start3A_113] : memref<2x16x5x25x80xi32, #tpu.memory_space<hbm>> -> memref<1x1x1x25x80xi32, #tpu.memory_space<hbm>>
        %dma_start3A_115 = tpu.memref_squeeze %dma_start3A_114 : memref<1x1x1x25x80xi32, #tpu.memory_space<hbm>> -> memref<25x80xi32, #tpu.memory_space<hbm>>
        tpu.enqueue_dma source(%dma_start3A_115 : memref<25x80xi32, #tpu.memory_space<hbm>>) target(%dma_start3A_111 : memref<25x80xi32, #tpu.memory_space<vmem>>) target_semaphore(%dma_start3A_107 : memref<!tpu.dma_semaphore, #tpu.memory_space<semaphore_mem>>)
        %dma_start3A_116 = arith.constant 0 : i32
        %dma_start3A_117 = arith.constant 0 : i32
        %dma_start3A_118 = tpu.memref_slice %arg8[%rem3A_97, %dma_start3A_116, %dma_start3A_117] : memref<2x25x80xi32, #tpu.memory_space<vmem>> -> memref<1x25x80xi32, #tpu.memory_space<vmem>>
        %dma_start3A_119 = tpu.memref_squeeze %dma_start3A_118 : memref<1x25x80xi32, #tpu.memory_space<vmem>> -> memref<25x80xi32, #tpu.memory_space<vmem>>
        %dma_start3A_120 = arith.constant 0 : i32
        %dma_start3A_121 = arith.constant 0 : i32
        %dma_start3A_122 = tpu.memref_slice %arg4[%arg1, %add3A_93, %dma_start3A_120, %dma_start3A_121] : memref<16x5x25x80xi32, #tpu.memory_space<hbm>> -> memref<1x1x25x80xi32, #tpu.memory_space<hbm>>
        %dma_start3A_123 = tpu.memref_squeeze %dma_start3A_122 : memref<1x1x25x80xi32, #tpu.memory_space<hbm>> -> memref<25x80xi32, #tpu.memory_space<hbm>>
        %dma_start3A_124 = tpu.memref_slice %arg13[%rem3A_97] : memref<2x!tpu.dma_semaphore, #tpu.memory_space<semaphore_mem>> -> memref<1x!tpu.dma_semaphore, #tpu.memory_space<semaphore_mem>>
        %dma_start3A_125 = tpu.memref_squeeze %dma_start3A_124 : memref<1x!tpu.dma_semaphore, #tpu.memory_space<semaphore_mem>> -> memref<!tpu.dma_semaphore, #tpu.memory_space<semaphore_mem>>
        %dma_start3A_126 = arith.constant 0 : i32
        %dma_start3A_127 = arith.constant 0 : i32
        %dma_start3A_128 = tpu.memref_slice %arg8[%rem3A_97, %dma_start3A_126, %dma_start3A_127] : memref<2x25x80xi32, #tpu.memory_space<vmem>> -> memref<1x25x80xi32, #tpu.memory_space<vmem>>
        %dma_start3A_129 = tpu.memref_squeeze %dma_start3A_128 : memref<1x25x80xi32, #tpu.memory_space<vmem>> -> memref<25x80xi32, #tpu.memory_space<vmem>>
        %dma_start3A_130 = arith.constant 0 : i32
        %dma_start3A_131 = arith.constant 0 : i32
        %dma_start3A_132 = tpu.memref_slice %arg4[%arg1, %add3A_93, %dma_start3A_130, %dma_start3A_131] : memref<16x5x25x80xi32, #tpu.memory_space<hbm>> -> memref<1x1x25x80xi32, #tpu.memory_space<hbm>>
        %dma_start3A_133 = tpu.memref_squeeze %dma_start3A_132 : memref<1x1x25x80xi32, #tpu.memory_space<hbm>> -> memref<25x80xi32, #tpu.memory_space<hbm>>
        tpu.enqueue_dma source(%dma_start3A_133 : memref<25x80xi32, #tpu.memory_space<hbm>>) target(%dma_start3A_129 : memref<25x80xi32, #tpu.memory_space<vmem>>) target_semaphore(%dma_start3A_125 : memref<!tpu.dma_semaphore, #tpu.memory_space<semaphore_mem>>)
      } else {
      }
    }
    %scan3A_52 = arith.constant 127 : i32
    %scan3A_53 = arith.constant 0 : i32
    %scan3A_54 = arith.constant 0 : i32
    %scan3A_55 = arith.constant 3 : i32
    %scan3A_56 = arith.addi %scan3A_54, %scan3A_55 : i32
    %scan3A_57 = arith.constant 1 : i32
    scf.for %scan3A_65 = %scan3A_54 to %scan3A_56 step %scan3A_57  : i32 {
      %add3A = arith.constant 122 : i32
      %add3A_66 = arith.addi %add3A, %scan3A_65 : i32
      %rem3A = arith.constant 3 : i32
      %rem3A_67 = arith.remsi %add3A_66, %rem3A : i32
      %div3A = arith.constant 25 : i32
      %div3A_68 = arith.divsi %add3A_66, %div3A : i32
      %rem3A_69 = arith.constant 2 : i32
      %rem3A_70 = arith.remsi %div3A_68, %rem3A_69 : i32
      %rem3A_71 = arith.constant 25 : i32
      %rem3A_72 = arith.remsi %add3A_66, %rem3A_71 : i32
      %dma_wait3A = arith.constant 0 : i32
      %dma_wait3A_73 = arith.constant 0 : i32
      %dma_wait3A_74 = tpu.memref_slice %arg9[%rem3A_67, %dma_wait3A, %dma_wait3A_73] : memref<3x80x128xf32, #tpu.memory_space<vmem>> -> memref<1x80x128xf32, #tpu.memory_space<vmem>>
      %dma_wait3A_75 = tpu.memref_squeeze %dma_wait3A_74 : memref<1x80x128xf32, #tpu.memory_space<vmem>> -> memref<80x128xf32, #tpu.memory_space<vmem>>
      %dma_wait3A_76 = arith.constant 0 : i32
      %dma_wait3A_77 = tpu.memref_slice %arg8[%rem3A_70, %rem3A_72, %dma_wait3A_76] : memref<2x25x80xi32, #tpu.memory_space<vmem>> -> memref<1x1x80xi32, #tpu.memory_space<vmem>>
      %dma_wait3A_78 = tpu.memref_squeeze %dma_wait3A_77 : memref<1x1x80xi32, #tpu.memory_space<vmem>> -> memref<80xi32, #tpu.memory_space<vmem>>
      %dma_wait3A_79 = arith.constant 0 : i32
      %dma_wait3A_80 = arith.constant 0 : i32
      %dma_wait3A_81 = tpu.memref_slice %arg10[%dma_wait3A_79, %dma_wait3A_80] : memref<10000x128xf32, #tpu.memory_space<vmem_shared>> -> memref<10000x128xf32, #tpu.memory_space<vmem_shared>>
      %dma_wait3A_82 = tpu.memref_slice %arg12[%rem3A_67] : memref<3x!tpu.dma_semaphore, #tpu.memory_space<semaphore_mem>> -> memref<1x!tpu.dma_semaphore, #tpu.memory_space<semaphore_mem>>
      %dma_wait3A_83 = tpu.memref_squeeze %dma_wait3A_82 : memref<1x!tpu.dma_semaphore, #tpu.memory_space<semaphore_mem>> -> memref<!tpu.dma_semaphore, #tpu.memory_space<semaphore_mem>>
      tpu.wait_indirect_dma semaphore(%dma_wait3A_83 : memref<!tpu.dma_semaphore, #tpu.memory_space<semaphore_mem>>) src(%dma_wait3A_75 : memref<80x128xf32, #tpu.memory_space<vmem>>) dst(%dma_wait3A_81 : memref<10000x128xf32, #tpu.memory_space<vmem_shared>>)
    }
    %scan3A_58 = arith.constant 3 : i32
    %barrier3A_59 = arith.constant 0 : index
    tpu.barrier barrier_id(%barrier3A_59)
    %lt3A_60 = arith.constant 10 : i32
    %lt3A_61 = arith.cmpi slt, %arg1, %lt3A_60 : i32
    %convert_element_type3A_62 = arith.extui %lt3A_61 : i1 to i32
    %cond3A_63 = arith.constant 0 : i32
    %cond3A_64 = arith.cmpi ne, %convert_element_type3A_62, %cond3A_63 : i32
    scf.if %cond3A_64 {
      %scan3A_65 = arith.constant 0 : i32
      %scan3A_66 = arith.constant 0 : i32
      %scan3A_67 = arith.constant 5 : i32
      %scan3A_68 = arith.addi %scan3A_66, %scan3A_67 : i32
      %scan3A_69 = arith.constant 1 : i32
      scf.for %scan3A_77 = %scan3A_66 to %scan3A_68 step %scan3A_69  : i32 {
        %mul3A = arith.constant 1000 : i32
        %mul3A_78 = arith.muli %arg1, %mul3A : i32
        %mul3A_79 = arith.constant 200 : i32
        %mul3A_80 = arith.muli %scan3A_77, %mul3A_79 : i32
        %add3A = arith.addi %mul3A_78, %mul3A_80 : i32
        %mul3A_81 = arith.constant 1000 : i32
        %mul3A_82 = arith.muli %arg1, %mul3A_81 : i32
        %mul3A_83 = arith.constant 200 : i32
        %mul3A_84 = arith.muli %scan3A_77, %mul3A_83 : i32
        %add3A_85 = arith.addi %mul3A_82, %mul3A_84 : i32
        %dma_start3A_86 = arith.constant 0 : i32
        %dma_start3A_87 = tpu.memref_slice %arg6[%arg0, %add3A_85, %dma_start3A_86] : memref<2x10000x128xf32, #tpu.memory_space<hbm>> -> memref<1x200x128xf32, #tpu.memory_space<hbm>>
        %dma_start3A_88 = tpu.memref_squeeze %dma_start3A_87 : memref<1x200x128xf32, #tpu.memory_space<hbm>> -> memref<200x128xf32, #tpu.memory_space<hbm>>
        %dma_start3A_89 = arith.constant 0 : i32
        %dma_start3A_90 = tpu.memref_slice %arg10[%add3A, %dma_start3A_89] : memref<10000x128xf32, #tpu.memory_space<vmem_shared>> -> memref<200x128xf32, #tpu.memory_space<vmem_shared>>
        tpu.enqueue_dma source(%dma_start3A_90 : memref<200x128xf32, #tpu.memory_space<vmem_shared>>) target(%dma_start3A_88 : memref<200x128xf32, #tpu.memory_space<hbm>>) target_semaphore(%arg14 : memref<!tpu.dma_semaphore, #tpu.memory_space<semaphore_mem>>)
      }
      %scan3A_70 = arith.constant 5 : i32
      %scan3A_71 = arith.constant 0 : i32
      %scan3A_72 = arith.constant 0 : i32
      %scan3A_73 = arith.constant 5 : i32
      %scan3A_74 = arith.addi %scan3A_72, %scan3A_73 : i32
      %scan3A_75 = arith.constant 1 : i32
      scf.for %scan3A_77 = %scan3A_72 to %scan3A_74 step %scan3A_75  : i32 {
        %mul3A = arith.constant 1000 : i32
        %mul3A_78 = arith.muli %arg1, %mul3A : i32
        %mul3A_79 = arith.constant 200 : i32
        %mul3A_80 = arith.muli %scan3A_77, %mul3A_79 : i32
        %add3A = arith.addi %mul3A_78, %mul3A_80 : i32
        %mul3A_81 = arith.constant 1000 : i32
        %mul3A_82 = arith.muli %arg1, %mul3A_81 : i32
        %mul3A_83 = arith.constant 200 : i32
        %mul3A_84 = arith.muli %scan3A_77, %mul3A_83 : i32
        %add3A_85 = arith.addi %mul3A_82, %mul3A_84 : i32
        %dma_wait3A = arith.constant 0 : i32
        %dma_wait3A_86 = tpu.memref_slice %arg6[%arg0, %add3A_85, %dma_wait3A] : memref<2x10000x128xf32, #tpu.memory_space<hbm>> -> memref<1x200x128xf32, #tpu.memory_space<hbm>>
        %dma_wait3A_87 = tpu.memref_squeeze %dma_wait3A_86 : memref<1x200x128xf32, #tpu.memory_space<hbm>> -> memref<200x128xf32, #tpu.memory_space<hbm>>
        %dma_wait3A_88 = arith.constant 0 : i32
        %dma_wait3A_89 = tpu.memref_slice %arg10[%add3A, %dma_wait3A_88] : memref<10000x128xf32, #tpu.memory_space<vmem_shared>> -> memref<200x128xf32, #tpu.memory_space<vmem_shared>>
        tpu.wait_dma2 semaphore(%arg14 : memref<!tpu.dma_semaphore, #tpu.memory_space<semaphore_mem>>) src(%dma_wait3A_89 : memref<200x128xf32, #tpu.memory_space<vmem_shared>>) dst(%dma_wait3A_87 : memref<200x128xf32, #tpu.memory_space<hbm>>)
      }
      %scan3A_76 = arith.constant 5 : i32
    } else {
    }
    return
  }
}

#map = affine_map<(d0, d1) -> (0, 0)>
#map1 = affine_map<(d0, d1) -> (0, 0, 0, 0, 0)>
#map2 = affine_map<(d0, d1) -> (0, 0, 0, 0)>
#map3 = affine_map<(d0, d1) -> (0, 0, 0)>
module attributes {stable_mosaic.version = 14 : i64} {
  func.func @_sc_agg(%arg0: i32, %arg1: i32, %arg2: memref<20000x128xf32, #tpu.memory_space<hbm>>, %arg3: memref<2x16x5x25x80xi32, #tpu.memory_space<hbm>>, %arg4: memref<16x5x25x80xi32, #tpu.memory_space<hbm>>, %arg5: memref<200x128xf32, #tpu.memory_space<hbm>>, %arg6: memref<2x10000x128xf32, #tpu.memory_space<hbm>>, %arg7: memref<2x25x80xi32, #tpu.memory_space<vmem>>, %arg8: memref<2x25x80xi32, #tpu.memory_space<vmem>>, %arg9: memref<3x80x128xf32, #tpu.memory_space<vmem>>, %arg10: memref<10000x128xf32, #tpu.memory_space<vmem_shared>>, %arg11: memref<3x!tpu.dma_semaphore, #tpu.memory_space<semaphore_mem>>, %arg12: memref<3x!tpu.dma_semaphore, #tpu.memory_space<semaphore_mem>>, %arg13: memref<2x!tpu.dma_semaphore, #tpu.memory_space<semaphore_mem>>, %arg14: memref<!tpu.dma_semaphore, #tpu.memory_space<semaphore_mem>>) attributes {dimension_semantics = [#tpu.dimension_semantics<core_parallel>, #tpu.dimension_semantics<subcore_parallel>], iteration_bounds = array<i64: 2, 16>, scalar_prefetch = 0 : i64, scratch_operands = 8 : i64, tpu.core_type = #tpu.core_type<sc_vector_subcore>, window_params = [{transform_indices = #map}, {transform_indices = #map1}, {transform_indices = #map2}, {transform_indices = #map}, {transform_indices = #map3}]} {
    %lt3A = arith.constant 10 : i32
    %lt3A_0 = arith.cmpi slt, %arg1, %lt3A : i32
    %convert_element_type3A = arith.extui %lt3A_0 : i1 to i32
    %cond3A = arith.constant 0 : i32
    %cond3A_1 = arith.cmpi ne, %convert_element_type3A, %cond3A : i32
    scf.if %cond3A_1 {
      %scan3A_65 = arith.constant 0 : i32
      %scan3A_66 = arith.constant 0 : i32
      %scan3A_67 = arith.constant 5 : i32
      %scan3A_68 = arith.addi %scan3A_66, %scan3A_67 : i32
      %scan3A_69 = arith.constant 1 : i32
      scf.for %scan3A_71 = %scan3A_66 to %scan3A_68 step %scan3A_69  : i32 {
        %mul3A = arith.constant 1000 : i32
        %mul3A_72 = arith.muli %arg1, %mul3A : i32
        %mul3A_73 = arith.constant 200 : i32
        %mul3A_74 = arith.muli %scan3A_71, %mul3A_73 : i32
        %add3A = arith.addi %mul3A_72, %mul3A_74 : i32
        %dma_start3A_75 = arith.constant 0 : i32
        %dma_start3A_76 = tpu.memref_slice %arg10[%add3A, %dma_start3A_75] : memref<10000x128xf32, #tpu.memory_space<vmem_shared>> -> memref<200x128xf32, #tpu.memory_space<vmem_shared>>
        tpu.enqueue_dma source(%arg5 : memref<200x128xf32, #tpu.memory_space<hbm>>) target(%dma_start3A_76 : memref<200x128xf32, #tpu.memory_space<vmem_shared>>) target_semaphore(%arg14 : memref<!tpu.dma_semaphore, #tpu.memory_space<semaphore_mem>>)
      }
      %scan3A_70 = arith.constant 5 : i32
    } else {
    }
    %dma_start3A = arith.constant 0 : i32
    %dma_start3A_2 = arith.constant 0 : i32
    %dma_start3A_3 = arith.constant 0 : i32
    %dma_start3A_4 = arith.constant 0 : i32
    %dma_start3A_5 = arith.constant 0 : i32
    %dma_start3A_6 = tpu.memref_slice %arg7[%dma_start3A_2, %dma_start3A_4, %dma_start3A_5] : memref<2x25x80xi32, #tpu.memory_space<vmem>> -> memref<1x25x80xi32, #tpu.memory_space<vmem>>
    %dma_start3A_7 = tpu.memref_squeeze %dma_start3A_6 : memref<1x25x80xi32, #tpu.memory_space<vmem>> -> memref<25x80xi32, #tpu.memory_space<vmem>>
    %dma_start3A_8 = arith.constant 0 : i32
    %dma_start3A_9 = arith.constant 0 : i32
    %dma_start3A_10 = tpu.memref_slice %arg3[%arg0, %arg1, %dma_start3A, %dma_start3A_8, %dma_start3A_9] : memref<2x16x5x25x80xi32, #tpu.memory_space<hbm>> -> memref<1x1x1x25x80xi32, #tpu.memory_space<hbm>>
    %dma_start3A_11 = tpu.memref_squeeze %dma_start3A_10 : memref<1x1x1x25x80xi32, #tpu.memory_space<hbm>> -> memref<25x80xi32, #tpu.memory_space<hbm>>
    %dma_start3A_12 = tpu.memref_slice %arg13[%dma_start3A_3] : memref<2x!tpu.dma_semaphore, #tpu.memory_space<semaphore_mem>> -> memref<1x!tpu.dma_semaphore, #tpu.memory_space<semaphore_mem>>
    %dma_start3A_13 = tpu.memref_squeeze %dma_start3A_12 : memref<1x!tpu.dma_semaphore, #tpu.memory_space<semaphore_mem>> -> memref<!tpu.dma_semaphore, #tpu.memory_space<semaphore_mem>>
    %dma_start3A_14 = arith.constant 0 : i32
    %dma_start3A_15 = arith.constant 0 : i32
    %dma_start3A_16 = tpu.memref_slice %arg7[%dma_start3A_2, %dma_start3A_14, %dma_start3A_15] : memref<2x25x80xi32, #tpu.memory_space<vmem>> -> memref<1x25x80xi32, #tpu.memory_space<vmem>>
    %dma_start3A_17 = tpu.memref_squeeze %dma_start3A_16 : memref<1x25x80xi32, #tpu.memory_space<vmem>> -> memref<25x80xi32, #tpu.memory_space<vmem>>
    %dma_start3A_18 = arith.constant 0 : i32
    %dma_start3A_19 = arith.constant 0 : i32
    %dma_start3A_20 = tpu.memref_slice %arg3[%arg0, %arg1, %dma_start3A, %dma_start3A_18, %dma_start3A_19] : memref<2x16x5x25x80xi32, #tpu.memory_space<hbm>> -> memref<1x1x1x25x80xi32, #tpu.memory_space<hbm>>
    %dma_start3A_21 = tpu.memref_squeeze %dma_start3A_20 : memref<1x1x1x25x80xi32, #tpu.memory_space<hbm>> -> memref<25x80xi32, #tpu.memory_space<hbm>>
    tpu.enqueue_dma source(%dma_start3A_21 : memref<25x80xi32, #tpu.memory_space<hbm>>) target(%dma_start3A_17 : memref<25x80xi32, #tpu.memory_space<vmem>>) target_semaphore(%dma_start3A_13 : memref<!tpu.dma_semaphore, #tpu.memory_space<semaphore_mem>>)
    %dma_start3A_22 = arith.constant 0 : i32
    %dma_start3A_23 = arith.constant 0 : i32
    %dma_start3A_24 = arith.constant 0 : i32
    %dma_start3A_25 = arith.constant 0 : i32
    %dma_start3A_26 = arith.constant 0 : i32
    %dma_start3A_27 = tpu.memref_slice %arg8[%dma_start3A_23, %dma_start3A_25, %dma_start3A_26] : memref<2x25x80xi32, #tpu.memory_space<vmem>> -> memref<1x25x80xi32, #tpu.memory_space<vmem>>
    %dma_start3A_28 = tpu.memref_squeeze %dma_start3A_27 : memref<1x25x80xi32, #tpu.memory_space<vmem>> -> memref<25x80xi32, #tpu.memory_space<vmem>>
    %dma_start3A_29 = arith.constant 0 : i32
    %dma_start3A_30 = arith.constant 0 : i32
    %dma_start3A_31 = tpu.memref_slice %arg4[%arg1, %dma_start3A_22, %dma_start3A_29, %dma_start3A_30] : memref<16x5x25x80xi32, #tpu.memory_space<hbm>> -> memref<1x1x25x80xi32, #tpu.memory_space<hbm>>
    %dma_start3A_32 = tpu.memref_squeeze %dma_start3A_31 : memref<1x1x25x80xi32, #tpu.memory_space<hbm>> -> memref<25x80xi32, #tpu.memory_space<hbm>>
    %dma_start3A_33 = tpu.memref_slice %arg13[%dma_start3A_24] : memref<2x!tpu.dma_semaphore, #tpu.memory_space<semaphore_mem>> -> memref<1x!tpu.dma_semaphore, #tpu.memory_space<semaphore_mem>>
    %dma_start3A_34 = tpu.memref_squeeze %dma_start3A_33 : memref<1x!tpu.dma_semaphore, #tpu.memory_space<semaphore_mem>> -> memref<!tpu.dma_semaphore, #tpu.memory_space<semaphore_mem>>
    %dma_start3A_35 = arith.constant 0 : i32
    %dma_start3A_36 = arith.constant 0 : i32
    %dma_start3A_37 = tpu.memref_slice %arg8[%dma_start3A_23, %dma_start3A_35, %dma_start3A_36] : memref<2x25x80xi32, #tpu.memory_space<vmem>> -> memref<1x25x80xi32, #tpu.memory_space<vmem>>
    %dma_start3A_38 = tpu.memref_squeeze %dma_start3A_37 : memref<1x25x80xi32, #tpu.memory_space<vmem>> -> memref<25x80xi32, #tpu.memory_space<vmem>>
    %dma_start3A_39 = arith.constant 0 : i32
    %dma_start3A_40 = arith.constant 0 : i32
    %dma_start3A_41 = tpu.memref_slice %arg4[%arg1, %dma_start3A_22, %dma_start3A_39, %dma_start3A_40] : memref<16x5x25x80xi32, #tpu.memory_space<hbm>> -> memref<1x1x25x80xi32, #tpu.memory_space<hbm>>
    %dma_start3A_42 = tpu.memref_squeeze %dma_start3A_41 : memref<1x1x25x80xi32, #tpu.memory_space<hbm>> -> memref<25x80xi32, #tpu.memory_space<hbm>>
    tpu.enqueue_dma source(%dma_start3A_42 : memref<25x80xi32, #tpu.memory_space<hbm>>) target(%dma_start3A_38 : memref<25x80xi32, #tpu.memory_space<vmem>>) target_semaphore(%dma_start3A_34 : memref<!tpu.dma_semaphore, #tpu.memory_space<semaphore_mem>>)
    %lt3A_43 = arith.constant 10 : i32
    %lt3A_44 = arith.cmpi slt, %arg1, %lt3A_43 : i32
    %convert_element_type3A_45 = arith.extui %lt3A_44 : i1 to i32
    %cond3A_46 = arith.constant 0 : i32
    %cond3A_47 = arith.cmpi ne, %convert_element_type3A_45, %cond3A_46 : i32
    scf.if %cond3A_47 {
      %scan3A_65 = arith.constant 0 : i32
      %scan3A_66 = arith.constant 0 : i32
      %scan3A_67 = arith.constant 5 : i32
      %scan3A_68 = arith.addi %scan3A_66, %scan3A_67 : i32
      %scan3A_69 = arith.constant 1 : i32
      scf.for %scan3A_71 = %scan3A_66 to %scan3A_68 step %scan3A_69  : i32 {
        %mul3A = arith.constant 1000 : i32
        %mul3A_72 = arith.muli %arg1, %mul3A : i32
        %mul3A_73 = arith.constant 200 : i32
        %mul3A_74 = arith.muli %scan3A_71, %mul3A_73 : i32
        %add3A = arith.addi %mul3A_72, %mul3A_74 : i32
        %dma_wait3A = arith.constant 0 : i32
        %dma_wait3A_75 = tpu.memref_slice %arg10[%add3A, %dma_wait3A] : memref<10000x128xf32, #tpu.memory_space<vmem_shared>> -> memref<200x128xf32, #tpu.memory_space<vmem_shared>>
        tpu.wait_dma2 semaphore(%arg14 : memref<!tpu.dma_semaphore, #tpu.memory_space<semaphore_mem>>) src(%arg5 : memref<200x128xf32, #tpu.memory_space<hbm>>) dst(%dma_wait3A_75 : memref<200x128xf32, #tpu.memory_space<vmem_shared>>)
      }
      %scan3A_70 = arith.constant 5 : i32
    } else {
    }
    %barrier3A = arith.constant 0 : index
    tpu.barrier barrier_id(%barrier3A)
    %scan3A = arith.constant 0 : i32
    %scan3A_48 = arith.constant 0 : i32
    %scan3A_49 = arith.constant 127 : i32
    %scan3A_50 = arith.addi %scan3A_48, %scan3A_49 : i32
    %scan3A_51 = arith.constant 1 : i32
    scf.for %scan3A_65 = %scan3A_48 to %scan3A_50 step %scan3A_51  : i32 {
      %div3A = arith.constant 25 : i32
      %div3A_66 = arith.divsi %scan3A_65, %div3A : i32
      %rem3A = arith.constant 25 : i32
      %rem3A_67 = arith.remsi %scan3A_65, %rem3A : i32
      %eq3A = arith.constant 0 : i32
      %eq3A_68 = arith.cmpi eq, %rem3A_67, %eq3A : i32
      %lt3A_69 = arith.constant 125 : i32
      %lt3A_70 = arith.cmpi slt, %scan3A_65, %lt3A_69 : i32
      %and3A = arith.andi %eq3A_68, %lt3A_70 : i1
      %convert_element_type3A_71 = arith.extui %and3A : i1 to i32
      %cond3A_72 = arith.constant 0 : i32
      %cond3A_73 = arith.cmpi ne, %convert_element_type3A_71, %cond3A_72 : i32
      scf.if %cond3A_73 {
        %rem3A_92 = arith.constant 2 : i32
        %rem3A_93 = arith.remsi %div3A_66, %rem3A_92 : i32
        %dma_wait3A = arith.constant 0 : i32
        %dma_wait3A_94 = arith.constant 0 : i32
        %dma_wait3A_95 = tpu.memref_slice %arg7[%rem3A_93, %dma_wait3A, %dma_wait3A_94] : memref<2x25x80xi32, #tpu.memory_space<vmem>> -> memref<1x25x80xi32, #tpu.memory_space<vmem>>
        %dma_wait3A_96 = tpu.memref_squeeze %dma_wait3A_95 : memref<1x25x80xi32, #tpu.memory_space<vmem>> -> memref<25x80xi32, #tpu.memory_space<vmem>>
        %dma_wait3A_97 = arith.constant 0 : i32
        %dma_wait3A_98 = arith.constant 0 : i32
        %dma_wait3A_99 = tpu.memref_slice %arg3[%arg0, %arg1, %div3A_66, %dma_wait3A_97, %dma_wait3A_98] : memref<2x16x5x25x80xi32, #tpu.memory_space<hbm>> -> memref<1x1x1x25x80xi32, #tpu.memory_space<hbm>>
        %dma_wait3A_100 = tpu.memref_squeeze %dma_wait3A_99 : memref<1x1x1x25x80xi32, #tpu.memory_space<hbm>> -> memref<25x80xi32, #tpu.memory_space<hbm>>
        %dma_wait3A_101 = tpu.memref_slice %arg13[%rem3A_93] : memref<2x!tpu.dma_semaphore, #tpu.memory_space<semaphore_mem>> -> memref<1x!tpu.dma_semaphore, #tpu.memory_space<semaphore_mem>>
        %dma_wait3A_102 = tpu.memref_squeeze %dma_wait3A_101 : memref<1x!tpu.dma_semaphore, #tpu.memory_space<semaphore_mem>> -> memref<!tpu.dma_semaphore, #tpu.memory_space<semaphore_mem>>
        %dma_wait3A_103 = arith.constant 0 : i32
        %dma_wait3A_104 = arith.constant 0 : i32
        %dma_wait3A_105 = tpu.memref_slice %arg7[%rem3A_93, %dma_wait3A_103, %dma_wait3A_104] : memref<2x25x80xi32, #tpu.memory_space<vmem>> -> memref<1x25x80xi32, #tpu.memory_space<vmem>>
        %dma_wait3A_106 = tpu.memref_squeeze %dma_wait3A_105 : memref<1x25x80xi32, #tpu.memory_space<vmem>> -> memref<25x80xi32, #tpu.memory_space<vmem>>
        %dma_wait3A_107 = arith.constant 0 : i32
        %dma_wait3A_108 = arith.constant 0 : i32
        %dma_wait3A_109 = tpu.memref_slice %arg3[%arg0, %arg1, %div3A_66, %dma_wait3A_107, %dma_wait3A_108] : memref<2x16x5x25x80xi32, #tpu.memory_space<hbm>> -> memref<1x1x1x25x80xi32, #tpu.memory_space<hbm>>
        %dma_wait3A_110 = tpu.memref_squeeze %dma_wait3A_109 : memref<1x1x1x25x80xi32, #tpu.memory_space<hbm>> -> memref<25x80xi32, #tpu.memory_space<hbm>>
        tpu.wait_dma2 semaphore(%dma_wait3A_102 : memref<!tpu.dma_semaphore, #tpu.memory_space<semaphore_mem>>) src(%dma_wait3A_110 : memref<25x80xi32, #tpu.memory_space<hbm>>) dst(%dma_wait3A_106 : memref<25x80xi32, #tpu.memory_space<vmem>>)
        %dma_wait3A_111 = arith.constant 0 : i32
        %dma_wait3A_112 = arith.constant 0 : i32
        %dma_wait3A_113 = tpu.memref_slice %arg8[%rem3A_93, %dma_wait3A_111, %dma_wait3A_112] : memref<2x25x80xi32, #tpu.memory_space<vmem>> -> memref<1x25x80xi32, #tpu.memory_space<vmem>>
        %dma_wait3A_114 = tpu.memref_squeeze %dma_wait3A_113 : memref<1x25x80xi32, #tpu.memory_space<vmem>> -> memref<25x80xi32, #tpu.memory_space<vmem>>
        %dma_wait3A_115 = arith.constant 0 : i32
        %dma_wait3A_116 = arith.constant 0 : i32
        %dma_wait3A_117 = tpu.memref_slice %arg4[%arg1, %div3A_66, %dma_wait3A_115, %dma_wait3A_116] : memref<16x5x25x80xi32, #tpu.memory_space<hbm>> -> memref<1x1x25x80xi32, #tpu.memory_space<hbm>>
        %dma_wait3A_118 = tpu.memref_squeeze %dma_wait3A_117 : memref<1x1x25x80xi32, #tpu.memory_space<hbm>> -> memref<25x80xi32, #tpu.memory_space<hbm>>
        %dma_wait3A_119 = tpu.memref_slice %arg13[%rem3A_93] : memref<2x!tpu.dma_semaphore, #tpu.memory_space<semaphore_mem>> -> memref<1x!tpu.dma_semaphore, #tpu.memory_space<semaphore_mem>>
        %dma_wait3A_120 = tpu.memref_squeeze %dma_wait3A_119 : memref<1x!tpu.dma_semaphore, #tpu.memory_space<semaphore_mem>> -> memref<!tpu.dma_semaphore, #tpu.memory_space<semaphore_mem>>
        %dma_wait3A_121 = arith.constant 0 : i32
        %dma_wait3A_122 = arith.constant 0 : i32
        %dma_wait3A_123 = tpu.memref_slice %arg8[%rem3A_93, %dma_wait3A_121, %dma_wait3A_122] : memref<2x25x80xi32, #tpu.memory_space<vmem>> -> memref<1x25x80xi32, #tpu.memory_space<vmem>>
        %dma_wait3A_124 = tpu.memref_squeeze %dma_wait3A_123 : memref<1x25x80xi32, #tpu.memory_space<vmem>> -> memref<25x80xi32, #tpu.memory_space<vmem>>
        %dma_wait3A_125 = arith.constant 0 : i32
        %dma_wait3A_126 = arith.constant 0 : i32
        %dma_wait3A_127 = tpu.memref_slice %arg4[%arg1, %div3A_66, %dma_wait3A_125, %dma_wait3A_126] : memref<16x5x25x80xi32, #tpu.memory_space<hbm>> -> memref<1x1x25x80xi32, #tpu.memory_space<hbm>>
        %dma_wait3A_128 = tpu.memref_squeeze %dma_wait3A_127 : memref<1x1x25x80xi32, #tpu.memory_space<hbm>> -> memref<25x80xi32, #tpu.memory_space<hbm>>
        tpu.wait_dma2 semaphore(%dma_wait3A_120 : memref<!tpu.dma_semaphore, #tpu.memory_space<semaphore_mem>>) src(%dma_wait3A_128 : memref<25x80xi32, #tpu.memory_space<hbm>>) dst(%dma_wait3A_124 : memref<25x80xi32, #tpu.memory_space<vmem>>)
      } else {
      }
      %ge3A = arith.constant 2 : i32
      %ge3A_74 = arith.cmpi sge, %scan3A_65, %ge3A : i32
      %convert_element_type3A_75 = arith.extui %ge3A_74 : i1 to i32
      %cond3A_76 = arith.constant 0 : i32
      %cond3A_77 = arith.cmpi ne, %convert_element_type3A_75, %cond3A_76 : i32
      scf.if %cond3A_77 {
        %sub3A = arith.constant 2 : i32
        %sub3A_92 = arith.subi %scan3A_65, %sub3A : i32
        %rem3A_93 = arith.constant 3 : i32
        %rem3A_94 = arith.remsi %sub3A_92, %rem3A_93 : i32
        %div3A_95 = arith.constant 25 : i32
        %div3A_96 = arith.divsi %sub3A_92, %div3A_95 : i32
        %rem3A_97 = arith.constant 2 : i32
        %rem3A_98 = arith.remsi %div3A_96, %rem3A_97 : i32
        %rem3A_99 = arith.constant 25 : i32
        %rem3A_100 = arith.remsi %sub3A_92, %rem3A_99 : i32
        %dma_wait3A = arith.constant 0 : i32
        %dma_wait3A_101 = arith.constant 0 : i32
        %dma_wait3A_102 = tpu.memref_slice %arg9[%rem3A_94, %dma_wait3A, %dma_wait3A_101] : memref<3x80x128xf32, #tpu.memory_space<vmem>> -> memref<1x80x128xf32, #tpu.memory_space<vmem>>
        %dma_wait3A_103 = tpu.memref_squeeze %dma_wait3A_102 : memref<1x80x128xf32, #tpu.memory_space<vmem>> -> memref<80x128xf32, #tpu.memory_space<vmem>>
        %dma_wait3A_104 = arith.constant 0 : i32
        %dma_wait3A_105 = tpu.memref_slice %arg7[%rem3A_98, %rem3A_100, %dma_wait3A_104] : memref<2x25x80xi32, #tpu.memory_space<vmem>> -> memref<1x1x80xi32, #tpu.memory_space<vmem>>
        %dma_wait3A_106 = tpu.memref_squeeze %dma_wait3A_105 : memref<1x1x80xi32, #tpu.memory_space<vmem>> -> memref<80xi32, #tpu.memory_space<vmem>>
        %dma_wait3A_107 = arith.constant 0 : i32
        %dma_wait3A_108 = arith.constant 0 : i32
        %dma_wait3A_109 = tpu.memref_slice %arg2[%dma_wait3A_107, %dma_wait3A_108] : memref<20000x128xf32, #tpu.memory_space<hbm>> -> memref<20000x128xf32, #tpu.memory_space<hbm>>
        %dma_wait3A_110 = tpu.memref_slice %arg11[%rem3A_94] : memref<3x!tpu.dma_semaphore, #tpu.memory_space<semaphore_mem>> -> memref<1x!tpu.dma_semaphore, #tpu.memory_space<semaphore_mem>>
        %dma_wait3A_111 = tpu.memref_squeeze %dma_wait3A_110 : memref<1x!tpu.dma_semaphore, #tpu.memory_space<semaphore_mem>> -> memref<!tpu.dma_semaphore, #tpu.memory_space<semaphore_mem>>
        tpu.wait_indirect_dma semaphore(%dma_wait3A_111 : memref<!tpu.dma_semaphore, #tpu.memory_space<semaphore_mem>>) src(%dma_wait3A_109 : memref<20000x128xf32, #tpu.memory_space<hbm>>) dst(%dma_wait3A_103 : memref<80x128xf32, #tpu.memory_space<vmem>>)
        %dma_start3A_112 = arith.constant 0 : i32
        %dma_start3A_113 = arith.constant 0 : i32
        %dma_start3A_114 = tpu.memref_slice %arg9[%rem3A_94, %dma_start3A_112, %dma_start3A_113] : memref<3x80x128xf32, #tpu.memory_space<vmem>> -> memref<1x80x128xf32, #tpu.memory_space<vmem>>
        %dma_start3A_115 = tpu.memref_squeeze %dma_start3A_114 : memref<1x80x128xf32, #tpu.memory_space<vmem>> -> memref<80x128xf32, #tpu.memory_space<vmem>>
        %dma_start3A_116 = arith.constant 0 : i32
        %dma_start3A_117 = tpu.memref_slice %arg8[%rem3A_98, %rem3A_100, %dma_start3A_116] : memref<2x25x80xi32, #tpu.memory_space<vmem>> -> memref<1x1x80xi32, #tpu.memory_space<vmem>>
        %dma_start3A_118 = tpu.memref_squeeze %dma_start3A_117 : memref<1x1x80xi32, #tpu.memory_space<vmem>> -> memref<80xi32, #tpu.memory_space<vmem>>
        %dma_start3A_119 = arith.constant 0 : i32
        %dma_start3A_120 = arith.constant 0 : i32
        %dma_start3A_121 = tpu.memref_slice %arg10[%dma_start3A_119, %dma_start3A_120] : memref<10000x128xf32, #tpu.memory_space<vmem_shared>> -> memref<10000x128xf32, #tpu.memory_space<vmem_shared>>
        %dma_start3A_122 = tpu.memref_slice %arg12[%rem3A_94] : memref<3x!tpu.dma_semaphore, #tpu.memory_space<semaphore_mem>> -> memref<1x!tpu.dma_semaphore, #tpu.memory_space<semaphore_mem>>
        %dma_start3A_123 = tpu.memref_squeeze %dma_start3A_122 : memref<1x!tpu.dma_semaphore, #tpu.memory_space<semaphore_mem>> -> memref<!tpu.dma_semaphore, #tpu.memory_space<semaphore_mem>>
        tpu.enqueue_indirect_dma source(%dma_start3A_115 : memref<80x128xf32, #tpu.memory_space<vmem>>) target(%dma_start3A_121 : memref<10000x128xf32, #tpu.memory_space<vmem_shared>>) offsets(%dma_start3A_118 : memref<80xi32, #tpu.memory_space<vmem>>) semaphore(%dma_start3A_123 : memref<!tpu.dma_semaphore, #tpu.memory_space<semaphore_mem>>) {add = true}
      } else {
      }
      %lt3A_78 = arith.constant 125 : i32
      %lt3A_79 = arith.cmpi slt, %scan3A_65, %lt3A_78 : i32
      %convert_element_type3A_80 = arith.extui %lt3A_79 : i1 to i32
      %cond3A_81 = arith.constant 0 : i32
      %cond3A_82 = arith.cmpi ne, %convert_element_type3A_80, %cond3A_81 : i32
      scf.if %cond3A_82 {
        %rem3A_92 = arith.constant 3 : i32
        %rem3A_93 = arith.remsi %scan3A_65, %rem3A_92 : i32
        %ge3A_94 = arith.constant 3 : i32
        %ge3A_95 = arith.cmpi sge, %scan3A_65, %ge3A_94 : i32
        %convert_element_type3A_96 = arith.extui %ge3A_95 : i1 to i32
        %cond3A_97 = arith.constant 0 : i32
        %cond3A_98 = arith.cmpi ne, %convert_element_type3A_96, %cond3A_97 : i32
        scf.if %cond3A_98 {
          %sub3A = arith.constant 3 : i32
          %sub3A_113 = arith.subi %scan3A_65, %sub3A : i32
          %div3A_114 = arith.constant 25 : i32
          %div3A_115 = arith.divsi %sub3A_113, %div3A_114 : i32
          %rem3A_116 = arith.constant 2 : i32
          %rem3A_117 = arith.remsi %div3A_115, %rem3A_116 : i32
          %rem3A_118 = arith.constant 25 : i32
          %rem3A_119 = arith.remsi %sub3A_113, %rem3A_118 : i32
          %dma_wait3A = arith.constant 0 : i32
          %dma_wait3A_120 = arith.constant 0 : i32
          %dma_wait3A_121 = tpu.memref_slice %arg9[%rem3A_93, %dma_wait3A, %dma_wait3A_120] : memref<3x80x128xf32, #tpu.memory_space<vmem>> -> memref<1x80x128xf32, #tpu.memory_space<vmem>>
          %dma_wait3A_122 = tpu.memref_squeeze %dma_wait3A_121 : memref<1x80x128xf32, #tpu.memory_space<vmem>> -> memref<80x128xf32, #tpu.memory_space<vmem>>
          %dma_wait3A_123 = arith.constant 0 : i32
          %dma_wait3A_124 = tpu.memref_slice %arg8[%rem3A_117, %rem3A_119, %dma_wait3A_123] : memref<2x25x80xi32, #tpu.memory_space<vmem>> -> memref<1x1x80xi32, #tpu.memory_space<vmem>>
          %dma_wait3A_125 = tpu.memref_squeeze %dma_wait3A_124 : memref<1x1x80xi32, #tpu.memory_space<vmem>> -> memref<80xi32, #tpu.memory_space<vmem>>
          %dma_wait3A_126 = arith.constant 0 : i32
          %dma_wait3A_127 = arith.constant 0 : i32
          %dma_wait3A_128 = tpu.memref_slice %arg10[%dma_wait3A_126, %dma_wait3A_127] : memref<10000x128xf32, #tpu.memory_space<vmem_shared>> -> memref<10000x128xf32, #tpu.memory_space<vmem_shared>>
          %dma_wait3A_129 = tpu.memref_slice %arg12[%rem3A_93] : memref<3x!tpu.dma_semaphore, #tpu.memory_space<semaphore_mem>> -> memref<1x!tpu.dma_semaphore, #tpu.memory_space<semaphore_mem>>
          %dma_wait3A_130 = tpu.memref_squeeze %dma_wait3A_129 : memref<1x!tpu.dma_semaphore, #tpu.memory_space<semaphore_mem>> -> memref<!tpu.dma_semaphore, #tpu.memory_space<semaphore_mem>>
          tpu.wait_indirect_dma semaphore(%dma_wait3A_130 : memref<!tpu.dma_semaphore, #tpu.memory_space<semaphore_mem>>) src(%dma_wait3A_122 : memref<80x128xf32, #tpu.memory_space<vmem>>) dst(%dma_wait3A_128 : memref<10000x128xf32, #tpu.memory_space<vmem_shared>>)
        } else {
        }
        %rem3A_99 = arith.constant 2 : i32
        %rem3A_100 = arith.remsi %div3A_66, %rem3A_99 : i32
        %dma_start3A_101 = arith.constant 0 : i32
        %dma_start3A_102 = arith.constant 0 : i32
        %dma_start3A_103 = tpu.memref_slice %arg9[%rem3A_93, %dma_start3A_101, %dma_start3A_102] : memref<3x80x128xf32, #tpu.memory_space<vmem>> -> memref<1x80x128xf32, #tpu.memory_space<vmem>>
        %dma_start3A_104 = tpu.memref_squeeze %dma_start3A_103 : memref<1x80x128xf32, #tpu.memory_space<vmem>> -> memref<80x128xf32, #tpu.memory_space<vmem>>
        %dma_start3A_105 = arith.constant 0 : i32
        %dma_start3A_106 = tpu.memref_slice %arg7[%rem3A_100, %rem3A_67, %dma_start3A_105] : memref<2x25x80xi32, #tpu.memory_space<vmem>> -> memref<1x1x80xi32, #tpu.memory_space<vmem>>
        %dma_start3A_107 = tpu.memref_squeeze %dma_start3A_106 : memref<1x1x80xi32, #tpu.memory_space<vmem>> -> memref<80xi32, #tpu.memory_space<vmem>>
        %dma_start3A_108 = arith.constant 0 : i32
        %dma_start3A_109 = arith.constant 0 : i32
        %dma_start3A_110 = tpu.memref_slice %arg2[%dma_start3A_108, %dma_start3A_109] : memref<20000x128xf32, #tpu.memory_space<hbm>> -> memref<20000x128xf32, #tpu.memory_space<hbm>>
        %dma_start3A_111 = tpu.memref_slice %arg11[%rem3A_93] : memref<3x!tpu.dma_semaphore, #tpu.memory_space<semaphore_mem>> -> memref<1x!tpu.dma_semaphore, #tpu.memory_space<semaphore_mem>>
        %dma_start3A_112 = tpu.memref_squeeze %dma_start3A_111 : memref<1x!tpu.dma_semaphore, #tpu.memory_space<semaphore_mem>> -> memref<!tpu.dma_semaphore, #tpu.memory_space<semaphore_mem>>
        tpu.enqueue_indirect_dma source(%dma_start3A_110 : memref<20000x128xf32, #tpu.memory_space<hbm>>) target(%dma_start3A_104 : memref<80x128xf32, #tpu.memory_space<vmem>>) offsets(%dma_start3A_107 : memref<80xi32, #tpu.memory_space<vmem>>) semaphore(%dma_start3A_112 : memref<!tpu.dma_semaphore, #tpu.memory_space<semaphore_mem>>)
      } else {
      }
      %eq3A_83 = arith.constant 3 : i32
      %eq3A_84 = arith.cmpi eq, %rem3A_67, %eq3A_83 : i32
      %add3A = arith.constant 1 : i32
      %add3A_85 = arith.addi %div3A_66, %add3A : i32
      %lt3A_86 = arith.constant 5 : i32
      %lt3A_87 = arith.cmpi slt, %add3A_85, %lt3A_86 : i32
      %and3A_88 = arith.andi %eq3A_84, %lt3A_87 : i1
      %convert_element_type3A_89 = arith.extui %and3A_88 : i1 to i32
      %cond3A_90 = arith.constant 0 : i32
      %cond3A_91 = arith.cmpi ne, %convert_element_type3A_89, %cond3A_90 : i32
      scf.if %cond3A_91 {
        %add3A_92 = arith.constant 1 : i32
        %add3A_93 = arith.addi %div3A_66, %add3A_92 : i32
        %add3A_94 = arith.constant 1 : i32
        %add3A_95 = arith.addi %div3A_66, %add3A_94 : i32
        %rem3A_96 = arith.constant 2 : i32
        %rem3A_97 = arith.remsi %add3A_95, %rem3A_96 : i32
        %dma_start3A_98 = arith.constant 0 : i32
        %dma_start3A_99 = arith.constant 0 : i32
        %dma_start3A_100 = tpu.memref_slice %arg7[%rem3A_97, %dma_start3A_98, %dma_start3A_99] : memref<2x25x80xi32, #tpu.memory_space<vmem>> -> memref<1x25x80xi32, #tpu.memory_space<vmem>>
        %dma_start3A_101 = tpu.memref_squeeze %dma_start3A_100 : memref<1x25x80xi32, #tpu.memory_space<vmem>> -> memref<25x80xi32, #tpu.memory_space<vmem>>
        %dma_start3A_102 = arith.constant 0 : i32
        %dma_start3A_103 = arith.constant 0 : i32
        %dma_start3A_104 = tpu.memref_slice %arg3[%arg0, %arg1, %add3A_93, %dma_start3A_102, %dma_start3A_103] : memref<2x16x5x25x80xi32, #tpu.memory_space<hbm>> -> memref<1x1x1x25x80xi32, #tpu.memory_space<hbm>>
        %dma_start3A_105 = tpu.memref_squeeze %dma_start3A_104 : memref<1x1x1x25x80xi32, #tpu.memory_space<hbm>> -> memref<25x80xi32, #tpu.memory_space<hbm>>
        %dma_start3A_106 = tpu.memref_slice %arg13[%rem3A_97] : memref<2x!tpu.dma_semaphore, #tpu.memory_space<semaphore_mem>> -> memref<1x!tpu.dma_semaphore, #tpu.memory_space<semaphore_mem>>
        %dma_start3A_107 = tpu.memref_squeeze %dma_start3A_106 : memref<1x!tpu.dma_semaphore, #tpu.memory_space<semaphore_mem>> -> memref<!tpu.dma_semaphore, #tpu.memory_space<semaphore_mem>>
        %dma_start3A_108 = arith.constant 0 : i32
        %dma_start3A_109 = arith.constant 0 : i32
        %dma_start3A_110 = tpu.memref_slice %arg7[%rem3A_97, %dma_start3A_108, %dma_start3A_109] : memref<2x25x80xi32, #tpu.memory_space<vmem>> -> memref<1x25x80xi32, #tpu.memory_space<vmem>>
        %dma_start3A_111 = tpu.memref_squeeze %dma_start3A_110 : memref<1x25x80xi32, #tpu.memory_space<vmem>> -> memref<25x80xi32, #tpu.memory_space<vmem>>
        %dma_start3A_112 = arith.constant 0 : i32
        %dma_start3A_113 = arith.constant 0 : i32
        %dma_start3A_114 = tpu.memref_slice %arg3[%arg0, %arg1, %add3A_93, %dma_start3A_112, %dma_start3A_113] : memref<2x16x5x25x80xi32, #tpu.memory_space<hbm>> -> memref<1x1x1x25x80xi32, #tpu.memory_space<hbm>>
        %dma_start3A_115 = tpu.memref_squeeze %dma_start3A_114 : memref<1x1x1x25x80xi32, #tpu.memory_space<hbm>> -> memref<25x80xi32, #tpu.memory_space<hbm>>
        tpu.enqueue_dma source(%dma_start3A_115 : memref<25x80xi32, #tpu.memory_space<hbm>>) target(%dma_start3A_111 : memref<25x80xi32, #tpu.memory_space<vmem>>) target_semaphore(%dma_start3A_107 : memref<!tpu.dma_semaphore, #tpu.memory_space<semaphore_mem>>)
        %dma_start3A_116 = arith.constant 0 : i32
        %dma_start3A_117 = arith.constant 0 : i32
        %dma_start3A_118 = tpu.memref_slice %arg8[%rem3A_97, %dma_start3A_116, %dma_start3A_117] : memref<2x25x80xi32, #tpu.memory_space<vmem>> -> memref<1x25x80xi32, #tpu.memory_space<vmem>>
        %dma_start3A_119 = tpu.memref_squeeze %dma_start3A_118 : memref<1x25x80xi32, #tpu.memory_space<vmem>> -> memref<25x80xi32, #tpu.memory_space<vmem>>
        %dma_start3A_120 = arith.constant 0 : i32
        %dma_start3A_121 = arith.constant 0 : i32
        %dma_start3A_122 = tpu.memref_slice %arg4[%arg1, %add3A_93, %dma_start3A_120, %dma_start3A_121] : memref<16x5x25x80xi32, #tpu.memory_space<hbm>> -> memref<1x1x25x80xi32, #tpu.memory_space<hbm>>
        %dma_start3A_123 = tpu.memref_squeeze %dma_start3A_122 : memref<1x1x25x80xi32, #tpu.memory_space<hbm>> -> memref<25x80xi32, #tpu.memory_space<hbm>>
        %dma_start3A_124 = tpu.memref_slice %arg13[%rem3A_97] : memref<2x!tpu.dma_semaphore, #tpu.memory_space<semaphore_mem>> -> memref<1x!tpu.dma_semaphore, #tpu.memory_space<semaphore_mem>>
        %dma_start3A_125 = tpu.memref_squeeze %dma_start3A_124 : memref<1x!tpu.dma_semaphore, #tpu.memory_space<semaphore_mem>> -> memref<!tpu.dma_semaphore, #tpu.memory_space<semaphore_mem>>
        %dma_start3A_126 = arith.constant 0 : i32
        %dma_start3A_127 = arith.constant 0 : i32
        %dma_start3A_128 = tpu.memref_slice %arg8[%rem3A_97, %dma_start3A_126, %dma_start3A_127] : memref<2x25x80xi32, #tpu.memory_space<vmem>> -> memref<1x25x80xi32, #tpu.memory_space<vmem>>
        %dma_start3A_129 = tpu.memref_squeeze %dma_start3A_128 : memref<1x25x80xi32, #tpu.memory_space<vmem>> -> memref<25x80xi32, #tpu.memory_space<vmem>>
        %dma_start3A_130 = arith.constant 0 : i32
        %dma_start3A_131 = arith.constant 0 : i32
        %dma_start3A_132 = tpu.memref_slice %arg4[%arg1, %add3A_93, %dma_start3A_130, %dma_start3A_131] : memref<16x5x25x80xi32, #tpu.memory_space<hbm>> -> memref<1x1x25x80xi32, #tpu.memory_space<hbm>>
        %dma_start3A_133 = tpu.memref_squeeze %dma_start3A_132 : memref<1x1x25x80xi32, #tpu.memory_space<hbm>> -> memref<25x80xi32, #tpu.memory_space<hbm>>
        tpu.enqueue_dma source(%dma_start3A_133 : memref<25x80xi32, #tpu.memory_space<hbm>>) target(%dma_start3A_129 : memref<25x80xi32, #tpu.memory_space<vmem>>) target_semaphore(%dma_start3A_125 : memref<!tpu.dma_semaphore, #tpu.memory_space<semaphore_mem>>)
      } else {
      }
    }
    %scan3A_52 = arith.constant 127 : i32
    %scan3A_53 = arith.constant 0 : i32
    %scan3A_54 = arith.constant 0 : i32
    %scan3A_55 = arith.constant 3 : i32
    %scan3A_56 = arith.addi %scan3A_54, %scan3A_55 : i32
    %scan3A_57 = arith.constant 1 : i32
    scf.for %scan3A_65 = %scan3A_54 to %scan3A_56 step %scan3A_57  : i32 {
      %add3A = arith.constant 122 : i32
      %add3A_66 = arith.addi %add3A, %scan3A_65 : i32
      %rem3A = arith.constant 3 : i32
      %rem3A_67 = arith.remsi %add3A_66, %rem3A : i32
      %div3A = arith.constant 25 : i32
      %div3A_68 = arith.divsi %add3A_66, %div3A : i32
      %rem3A_69 = arith.constant 2 : i32
      %rem3A_70 = arith.remsi %div3A_68, %rem3A_69 : i32
      %rem3A_71 = arith.constant 25 : i32
      %rem3A_72 = arith.remsi %add3A_66, %rem3A_71 : i32
      %dma_wait3A = arith.constant 0 : i32
      %dma_wait3A_73 = arith.constant 0 : i32
      %dma_wait3A_74 = tpu.memref_slice %arg9[%rem3A_67, %dma_wait3A, %dma_wait3A_73] : memref<3x80x128xf32, #tpu.memory_space<vmem>> -> memref<1x80x128xf32, #tpu.memory_space<vmem>>
      %dma_wait3A_75 = tpu.memref_squeeze %dma_wait3A_74 : memref<1x80x128xf32, #tpu.memory_space<vmem>> -> memref<80x128xf32, #tpu.memory_space<vmem>>
      %dma_wait3A_76 = arith.constant 0 : i32
      %dma_wait3A_77 = tpu.memref_slice %arg8[%rem3A_70, %rem3A_72, %dma_wait3A_76] : memref<2x25x80xi32, #tpu.memory_space<vmem>> -> memref<1x1x80xi32, #tpu.memory_space<vmem>>
      %dma_wait3A_78 = tpu.memref_squeeze %dma_wait3A_77 : memref<1x1x80xi32, #tpu.memory_space<vmem>> -> memref<80xi32, #tpu.memory_space<vmem>>
      %dma_wait3A_79 = arith.constant 0 : i32
      %dma_wait3A_80 = arith.constant 0 : i32
      %dma_wait3A_81 = tpu.memref_slice %arg10[%dma_wait3A_79, %dma_wait3A_80] : memref<10000x128xf32, #tpu.memory_space<vmem_shared>> -> memref<10000x128xf32, #tpu.memory_space<vmem_shared>>
      %dma_wait3A_82 = tpu.memref_slice %arg12[%rem3A_67] : memref<3x!tpu.dma_semaphore, #tpu.memory_space<semaphore_mem>> -> memref<1x!tpu.dma_semaphore, #tpu.memory_space<semaphore_mem>>
      %dma_wait3A_83 = tpu.memref_squeeze %dma_wait3A_82 : memref<1x!tpu.dma_semaphore, #tpu.memory_space<semaphore_mem>> -> memref<!tpu.dma_semaphore, #tpu.memory_space<semaphore_mem>>
      tpu.wait_indirect_dma semaphore(%dma_wait3A_83 : memref<!tpu.dma_semaphore, #tpu.memory_space<semaphore_mem>>) src(%dma_wait3A_75 : memref<80x128xf32, #tpu.memory_space<vmem>>) dst(%dma_wait3A_81 : memref<10000x128xf32, #tpu.memory_space<vmem_shared>>)
    }
    %scan3A_58 = arith.constant 3 : i32
    %barrier3A_59 = arith.constant 0 : index
    tpu.barrier barrier_id(%barrier3A_59)
    %lt3A_60 = arith.constant 10 : i32
    %lt3A_61 = arith.cmpi slt, %arg1, %lt3A_60 : i32
    %convert_element_type3A_62 = arith.extui %lt3A_61 : i1 to i32
    %cond3A_63 = arith.constant 0 : i32
    %cond3A_64 = arith.cmpi ne, %convert_element_type3A_62, %cond3A_63 : i32
    scf.if %cond3A_64 {
      %scan3A_65 = arith.constant 0 : i32
      %scan3A_66 = arith.constant 0 : i32
      %scan3A_67 = arith.constant 5 : i32
      %scan3A_68 = arith.addi %scan3A_66, %scan3A_67 : i32
      %scan3A_69 = arith.constant 1 : i32
      scf.for %scan3A_77 = %scan3A_66 to %scan3A_68 step %scan3A_69  : i32 {
        %mul3A = arith.constant 1000 : i32
        %mul3A_78 = arith.muli %arg1, %mul3A : i32
        %mul3A_79 = arith.constant 200 : i32
        %mul3A_80 = arith.muli %scan3A_77, %mul3A_79 : i32
        %add3A = arith.addi %mul3A_78, %mul3A_80 : i32
        %mul3A_81 = arith.constant 1000 : i32
        %mul3A_82 = arith.muli %arg1, %mul3A_81 : i32
        %mul3A_83 = arith.constant 200 : i32
        %mul3A_84 = arith.muli %scan3A_77, %mul3A_83 : i32
        %add3A_85 = arith.addi %mul3A_82, %mul3A_84 : i32
        %dma_start3A_86 = arith.constant 0 : i32
        %dma_start3A_87 = tpu.memref_slice %arg6[%arg0, %add3A_85, %dma_start3A_86] : memref<2x10000x128xf32, #tpu.memory_space<hbm>> -> memref<1x200x128xf32, #tpu.memory_space<hbm>>
        %dma_start3A_88 = tpu.memref_squeeze %dma_start3A_87 : memref<1x200x128xf32, #tpu.memory_space<hbm>> -> memref<200x128xf32, #tpu.memory_space<hbm>>
        %dma_start3A_89 = arith.constant 0 : i32
        %dma_start3A_90 = tpu.memref_slice %arg10[%add3A, %dma_start3A_89] : memref<10000x128xf32, #tpu.memory_space<vmem_shared>> -> memref<200x128xf32, #tpu.memory_space<vmem_shared>>
        tpu.enqueue_dma source(%dma_start3A_90 : memref<200x128xf32, #tpu.memory_space<vmem_shared>>) target(%dma_start3A_88 : memref<200x128xf32, #tpu.memory_space<hbm>>) target_semaphore(%arg14 : memref<!tpu.dma_semaphore, #tpu.memory_space<semaphore_mem>>)
      }
      %scan3A_70 = arith.constant 5 : i32
      %scan3A_71 = arith.constant 0 : i32
      %scan3A_72 = arith.constant 0 : i32
      %scan3A_73 = arith.constant 5 : i32
      %scan3A_74 = arith.addi %scan3A_72, %scan3A_73 : i32
      %scan3A_75 = arith.constant 1 : i32
      scf.for %scan3A_77 = %scan3A_72 to %scan3A_74 step %scan3A_75  : i32 {
        %mul3A = arith.constant 1000 : i32
        %mul3A_78 = arith.muli %arg1, %mul3A : i32
        %mul3A_79 = arith.constant 200 : i32
        %mul3A_80 = arith.muli %scan3A_77, %mul3A_79 : i32
        %add3A = arith.addi %mul3A_78, %mul3A_80 : i32
        %mul3A_81 = arith.constant 1000 : i32
        %mul3A_82 = arith.muli %arg1, %mul3A_81 : i32
        %mul3A_83 = arith.constant 200 : i32
        %mul3A_84 = arith.muli %scan3A_77, %mul3A_83 : i32
        %add3A_85 = arith.addi %mul3A_82, %mul3A_84 : i32
        %dma_wait3A = arith.constant 0 : i32
        %dma_wait3A_86 = tpu.memref_slice %arg6[%arg0, %add3A_85, %dma_wait3A] : memref<2x10000x128xf32, #tpu.memory_space<hbm>> -> memref<1x200x128xf32, #tpu.memory_space<hbm>>
        %dma_wait3A_87 = tpu.memref_squeeze %dma_wait3A_86 : memref<1x200x128xf32, #tpu.memory_space<hbm>> -> memref<200x128xf32, #tpu.memory_space<hbm>>
        %dma_wait3A_88 = arith.constant 0 : i32
        %dma_wait3A_89 = tpu.memref_slice %arg10[%add3A, %dma_wait3A_88] : memref<10000x128xf32, #tpu.memory_space<vmem_shared>> -> memref<200x128xf32, #tpu.memory_space<vmem_shared>>
        tpu.wait_dma2 semaphore(%arg14 : memref<!tpu.dma_semaphore, #tpu.memory_space<semaphore_mem>>) src(%dma_wait3A_89 : memref<200x128xf32, #tpu.memory_space<vmem_shared>>) dst(%dma_wait3A_87 : memref<200x128xf32, #tpu.memory_space<hbm>>)
      }
      %scan3A_76 = arith.constant 5 : i32
    } else {
    }
    return
  }
}

module attributes {stable_mosaic.version = 14 : i64} {
  func.func @_tc_layer_body(%arg0: i32, %arg1: memref<1x1xf32, #tpu.memory_space<smem>>, %arg2: memref<2x2000x128xf32, #tpu.memory_space<vmem>>, %arg3: memref<2x2000x128xf32, #tpu.memory_space<vmem>>, %arg4: memref<256x256xbf16, #tpu.memory_space<vmem>>, %arg5: memref<1x256xf32, #tpu.memory_space<vmem>>, %arg6: memref<256x256xbf16, #tpu.memory_space<vmem>>, %arg7: memref<1x256xf32, #tpu.memory_space<vmem>>, %arg8: memref<1x256xf32, #tpu.memory_space<vmem>>, %arg9: memref<1x256xf32, #tpu.memory_space<vmem>>, %arg10: memref<2x2000x128xf32, #tpu.memory_space<vmem>>) attributes {dimension_semantics = [#tpu.dimension_semantics<arbitrary>], iteration_bounds = array<i64: 5>, scalar_prefetch = 0 : i64, scratch_operands = 0 : i64, tpu.core_type = #tpu.core_type<tc>, window_params = [{transform_indices = @transform_0, window_bounds = array<i64: 1, 1>}, {transform_indices = @transform_1, window_bounds = array<i64: 2, 2000, 128>}, {transform_indices = @transform_2, window_bounds = array<i64: 2, 2000, 128>}, {pipeline_mode = #tpu.pipeline_mode<synchronous>, transform_indices = @transform_3, window_bounds = array<i64: 256, 256>}, {pipeline_mode = #tpu.pipeline_mode<synchronous>, transform_indices = @transform_4, window_bounds = array<i64: 1, 256>}, {pipeline_mode = #tpu.pipeline_mode<synchronous>, transform_indices = @transform_5, window_bounds = array<i64: 256, 256>}, {pipeline_mode = #tpu.pipeline_mode<synchronous>, transform_indices = @transform_6, window_bounds = array<i64: 1, 256>}, {pipeline_mode = #tpu.pipeline_mode<synchronous>, transform_indices = @transform_7, window_bounds = array<i64: 1, 256>}, {pipeline_mode = #tpu.pipeline_mode<synchronous>, transform_indices = @transform_8, window_bounds = array<i64: 1, 256>}, {transform_indices = @transform_9, window_bounds = array<i64: 2, 2000, 128>}]} {
    %get3A = arith.constant 0 : index
    %get3A_0 = arith.constant 0 : index
    %get3A_1 = arith.constant 0 : index
    %get3A_2 = vector.load %arg2[%get3A, %get3A_0, %get3A_1] : memref<2x2000x128xf32, #tpu.memory_space<vmem>>, vector<1x2000x128xf32>
    %get3A_3 = vector.shape_cast %get3A_2 : vector<1x2000x128xf32> to vector<2000x128xf32>
    %get3A_4 = arith.constant 1 : index
    %get3A_5 = arith.constant 0 : index
    %get3A_6 = arith.constant 0 : index
    %get3A_7 = vector.load %arg2[%get3A_4, %get3A_5, %get3A_6] : memref<2x2000x128xf32, #tpu.memory_space<vmem>>, vector<1x2000x128xf32>
    %get3A_8 = vector.shape_cast %get3A_7 : vector<1x2000x128xf32> to vector<2000x128xf32>
    %concatenate3A = tpu.concatenate %get3A_3, %get3A_8 in 1 : vector<2000x128xf32>, vector<2000x128xf32> -> vector<2000x256xf32>
    %get3A_9 = arith.constant 0 : index
    %get3A_10 = arith.constant 0 : index
    %get3A_11 = arith.constant 0 : index
    %get3A_12 = vector.load %arg3[%get3A_9, %get3A_10, %get3A_11] : memref<2x2000x128xf32, #tpu.memory_space<vmem>>, vector<1x2000x128xf32>
    %get3A_13 = vector.shape_cast %get3A_12 : vector<1x2000x128xf32> to vector<2000x128xf32>
    %get3A_14 = arith.constant 1 : index
    %get3A_15 = arith.constant 0 : index
    %get3A_16 = arith.constant 0 : index
    %get3A_17 = vector.load %arg3[%get3A_14, %get3A_15, %get3A_16] : memref<2x2000x128xf32, #tpu.memory_space<vmem>>, vector<1x2000x128xf32>
    %get3A_18 = vector.shape_cast %get3A_17 : vector<1x2000x128xf32> to vector<2000x128xf32>
    %concatenate3A_19 = tpu.concatenate %get3A_13, %get3A_18 in 1 : vector<2000x128xf32>, vector<2000x128xf32> -> vector<2000x256xf32>
    %get3A_20 = arith.constant 0 : index
    %get3A_21 = arith.constant 0 : index
    %get3A_22 = memref.load %arg1[%get3A_20, %get3A_21] : memref<1x1xf32, #tpu.memory_space<smem>>
    %add3A = arith.constant 1.000000e+00 : f32
    %add3A_23 = arith.addf %add3A, %get3A_22 : f32
    %mul3A = vector.broadcast %add3A_23 : f32 to vector<2000x256xf32>
    %mul3A_24 = arith.mulf %mul3A, %concatenate3A : vector<2000x256xf32>
    %add3A_25 = arith.addf %mul3A_24, %concatenate3A_19 : vector<2000x256xf32>
    %convert_element_type3A = arith.truncf %add3A_25 : vector<2000x256xf32> to vector<2000x256xbf16>
    %get3A_26 = arith.constant 0 : index
    %get3A_27 = arith.constant 0 : index
    %get3A_28 = vector.load %arg4[%get3A_26, %get3A_27] : memref<256x256xbf16, #tpu.memory_space<vmem>>, vector<256x256xbf16>
    %dot_general3A = arith.constant dense<0.000000e+00> : vector<2000x256xf32>
    %dot_general3A_29 = tpu.matmul %convert_element_type3A, %get3A_28, %dot_general3A {dimension_numbers = #tpu.dot_dimension_numbers<[1], [0], [0], [1], [0, 0, 1, 1], [], []>, transpose_lhs_hint = false} : vector<2000x256xbf16>, vector<256x256xbf16>, vector<2000x256xf32> -> vector<2000x256xf32>
    %get3A_30 = arith.constant 0 : index
    %get3A_31 = arith.constant 0 : index
    %get3A_32 = vector.load %arg5[%get3A_30, %get3A_31] : memref<1x256xf32, #tpu.memory_space<vmem>>, vector<1x256xf32>
    %add3A_33 = vector.broadcast %get3A_32 : vector<1x256xf32> to vector<2000x256xf32>
    %add3A_34 = arith.addf %dot_general3A_29, %add3A_33 : vector<2000x256xf32>
    %max3A = arith.constant 0.000000e+00 : f32
    %max3A_35 = vector.broadcast %max3A : f32 to vector<2000x256xf32>
    %max3A_36 = arith.maximumf %add3A_34, %max3A_35 : vector<2000x256xf32>
    %convert_element_type3A_37 = arith.truncf %max3A_36 : vector<2000x256xf32> to vector<2000x256xbf16>
    %get3A_38 = arith.constant 0 : index
    %get3A_39 = arith.constant 0 : index
    %get3A_40 = vector.load %arg6[%get3A_38, %get3A_39] : memref<256x256xbf16, #tpu.memory_space<vmem>>, vector<256x256xbf16>
    %dot_general3A_41 = arith.constant dense<0.000000e+00> : vector<2000x256xf32>
    %dot_general3A_42 = tpu.matmul %convert_element_type3A_37, %get3A_40, %dot_general3A_41 {dimension_numbers = #tpu.dot_dimension_numbers<[1], [0], [0], [1], [0, 0, 1, 1], [], []>, transpose_lhs_hint = false} : vector<2000x256xbf16>, vector<256x256xbf16>, vector<2000x256xf32> -> vector<2000x256xf32>
    %get3A_43 = arith.constant 0 : index
    %get3A_44 = arith.constant 0 : index
    %get3A_45 = vector.load %arg7[%get3A_43, %get3A_44] : memref<1x256xf32, #tpu.memory_space<vmem>>, vector<1x256xf32>
    %add3A_46 = vector.broadcast %get3A_45 : vector<1x256xf32> to vector<2000x256xf32>
    %add3A_47 = arith.addf %dot_general3A_42, %add3A_46 : vector<2000x256xf32>
    %add3A_48 = arith.addf %add3A_47, %concatenate3A : vector<2000x256xf32>
    %reduce_sum3A = arith.constant dense<0.000000e+00> : vector<2000xf32>
    %reduce_sum3A_49 = vector.multi_reduction <add>, %add3A_48, %reduce_sum3A [1] : vector<2000x256xf32> to vector<2000xf32>
    %broadcast_in_dim3A = vector.shape_cast %reduce_sum3A_49 : vector<2000xf32> to vector<2000x1xf32>
    %div3A = arith.constant 2.560000e+02 : f32
    %div3A_50 = vector.broadcast %div3A : f32 to vector<2000x1xf32>
    %div3A_51 = arith.divf %broadcast_in_dim3A, %div3A_50 : vector<2000x1xf32>
    %sub3A = vector.broadcast %div3A_51 : vector<2000x1xf32> to vector<2000x256xf32>
    %sub3A_52 = arith.subf %add3A_48, %sub3A : vector<2000x256xf32>
    %integer_pow3A = arith.mulf %sub3A_52, %sub3A_52 : vector<2000x256xf32>
    %reduce_sum3A_53 = arith.constant dense<0.000000e+00> : vector<2000xf32>
    %reduce_sum3A_54 = vector.multi_reduction <add>, %integer_pow3A, %reduce_sum3A_53 [1] : vector<2000x256xf32> to vector<2000xf32>
    %broadcast_in_dim3A_55 = vector.shape_cast %reduce_sum3A_54 : vector<2000xf32> to vector<2000x1xf32>
    %div3A_56 = arith.constant 2.560000e+02 : f32
    %div3A_57 = vector.broadcast %div3A_56 : f32 to vector<2000x1xf32>
    %div3A_58 = arith.divf %broadcast_in_dim3A_55, %div3A_57 : vector<2000x1xf32>
    %sub3A_59 = vector.broadcast %div3A_51 : vector<2000x1xf32> to vector<2000x256xf32>
    %sub3A_60 = arith.subf %add3A_48, %sub3A_59 : vector<2000x256xf32>
    %add3A_61 = arith.constant 9.99999974E-6 : f32
    %add3A_62 = vector.broadcast %add3A_61 : f32 to vector<2000x1xf32>
    %add3A_63 = arith.addf %div3A_58, %add3A_62 : vector<2000x1xf32>
    %rsqrt3A = math.rsqrt %add3A_63 : vector<2000x1xf32>
    %mul3A_64 = vector.broadcast %rsqrt3A : vector<2000x1xf32> to vector<2000x256xf32>
    %mul3A_65 = arith.mulf %sub3A_60, %mul3A_64 : vector<2000x256xf32>
    %get3A_66 = arith.constant 0 : index
    %get3A_67 = arith.constant 0 : index
    %get3A_68 = vector.load %arg8[%get3A_66, %get3A_67] : memref<1x256xf32, #tpu.memory_space<vmem>>, vector<1x256xf32>
    %mul3A_69 = vector.broadcast %get3A_68 : vector<1x256xf32> to vector<2000x256xf32>
    %mul3A_70 = arith.mulf %mul3A_65, %mul3A_69 : vector<2000x256xf32>
    %get3A_71 = arith.constant 0 : index
    %get3A_72 = arith.constant 0 : index
    %get3A_73 = vector.load %arg9[%get3A_71, %get3A_72] : memref<1x256xf32, #tpu.memory_space<vmem>>, vector<1x256xf32>
    %add3A_74 = vector.broadcast %get3A_73 : vector<1x256xf32> to vector<2000x256xf32>
    %add3A_75 = arith.addf %mul3A_70, %add3A_74 : vector<2000x256xf32>
    %max3A_76 = arith.constant 0.000000e+00 : f32
    %max3A_77 = vector.broadcast %max3A_76 : f32 to vector<2000x256xf32>
    %max3A_78 = arith.maximumf %add3A_75, %max3A_77 : vector<2000x256xf32>
    %slice3A = vector.extract_strided_slice %max3A_78 {offsets = [0, 0], sizes = [2000, 128], strides = [1, 1]} : vector<2000x256xf32> to vector<2000x128xf32>
    %swap3A = arith.constant 0 : index
    %swap3A_79 = arith.constant 0 : index
    %swap3A_80 = arith.constant 0 : index
    %swap3A_81 = vector.load %arg10[%swap3A, %swap3A_79, %swap3A_80] : memref<2x2000x128xf32, #tpu.memory_space<vmem>>, vector<1x2000x128xf32>
    %swap3A_82 = vector.shape_cast %swap3A_81 : vector<1x2000x128xf32> to vector<2000x128xf32>
    %swap3A_83 = vector.shape_cast %slice3A : vector<2000x128xf32> to vector<1x2000x128xf32>
    tpu.vector_store %arg10[%swap3A, %swap3A_79, %swap3A_80], %swap3A_83 {strides = array<i32>} : memref<2x2000x128xf32, #tpu.memory_space<vmem>>, vector<1x2000x128xf32>,
    %slice3A_84 = vector.extract_strided_slice %max3A_78 {offsets = [0, 128], sizes = [2000, 128], strides = [1, 1]} : vector<2000x256xf32> to vector<2000x128xf32>
    %swap3A_85 = arith.constant 1 : index
    %swap3A_86 = arith.constant 0 : index
    %swap3A_87 = arith.constant 0 : index
    %swap3A_88 = vector.load %arg10[%swap3A_85, %swap3A_86, %swap3A_87] : memref<2x2000x128xf32, #tpu.memory_space<vmem>>, vector<1x2000x128xf32>
    %swap3A_89 = vector.shape_cast %swap3A_88 : vector<1x2000x128xf32> to vector<2000x128xf32>
    %swap3A_90 = vector.shape_cast %slice3A_84 : vector<2000x128xf32> to vector<1x2000x128xf32>
    tpu.vector_store %arg10[%swap3A_85, %swap3A_86, %swap3A_87], %swap3A_90 {strides = array<i32>} : memref<2x2000x128xf32, #tpu.memory_space<vmem>>, vector<1x2000x128xf32>,
    return
  }
  func.func @transform_0(%arg0: i32) -> (i32, i32) {
    %c0_i32 = arith.constant 0 : i32
    %c0_i32_0 = arith.constant 0 : i32
    %c0_i32_1 = arith.constant 0 : i32
    return %c0_i32, %c0_i32_0 : i32, i32
  }
  func.func @transform_1(%arg0: i32) -> (i32, i32, i32) {
    %c0_i32 = arith.constant 0 : i32
    %c0_i32_0 = arith.constant 0 : i32
    %c0_i32_1 = arith.constant 0 : i32
    return %c0_i32, %arg0, %c0_i32_0 : i32, i32, i32
  }
  func.func @transform_2(%arg0: i32) -> (i32, i32, i32) {
    %c0_i32 = arith.constant 0 : i32
    %c0_i32_0 = arith.constant 0 : i32
    %c0_i32_1 = arith.constant 0 : i32
    return %c0_i32, %arg0, %c0_i32_0 : i32, i32, i32
  }
  func.func @transform_3(%arg0: i32) -> (i32, i32) {
    %c0_i32 = arith.constant 0 : i32
    %c0_i32_0 = arith.constant 0 : i32
    %c0_i32_1 = arith.constant 0 : i32
    return %c0_i32, %c0_i32_0 : i32, i32
  }
  func.func @transform_4(%arg0: i32) -> (i32, i32) {
    %c0_i32 = arith.constant 0 : i32
    %c0_i32_0 = arith.constant 0 : i32
    %c0_i32_1 = arith.constant 0 : i32
    return %c0_i32, %c0_i32_0 : i32, i32
  }
  func.func @transform_5(%arg0: i32) -> (i32, i32) {
    %c0_i32 = arith.constant 0 : i32
    %c0_i32_0 = arith.constant 0 : i32
    %c0_i32_1 = arith.constant 0 : i32
    return %c0_i32, %c0_i32_0 : i32, i32
  }
  func.func @transform_6(%arg0: i32) -> (i32, i32) {
    %c0_i32 = arith.constant 0 : i32
    %c0_i32_0 = arith.constant 0 : i32
    %c0_i32_1 = arith.constant 0 : i32
    return %c0_i32, %c0_i32_0 : i32, i32
  }
  func.func @transform_7(%arg0: i32) -> (i32, i32) {
    %c0_i32 = arith.constant 0 : i32
    %c0_i32_0 = arith.constant 0 : i32
    %c0_i32_1 = arith.constant 0 : i32
    return %c0_i32, %c0_i32_0 : i32, i32
  }
  func.func @transform_8(%arg0: i32) -> (i32, i32) {
    %c0_i32 = arith.constant 0 : i32
    %c0_i32_0 = arith.constant 0 : i32
    %c0_i32_1 = arith.constant 0 : i32
    return %c0_i32, %c0_i32_0 : i32, i32
  }
  func.func @transform_9(%arg0: i32) -> (i32, i32, i32) {
    %c0_i32 = arith.constant 0 : i32
    %c0_i32_0 = arith.constant 0 : i32
    %c0_i32_1 = arith.constant 0 : i32
    return %c0_i32, %arg0, %c0_i32_0 : i32, i32, i32
  }
}

module attributes {stable_mosaic.version = 14 : i64} {
  func.func @_tc_layer_body(%arg0: i32, %arg1: memref<1x1xf32, #tpu.memory_space<smem>>, %arg2: memref<2x2000x128xf32, #tpu.memory_space<vmem>>, %arg3: memref<2x2000x128xf32, #tpu.memory_space<vmem>>, %arg4: memref<256x256xbf16, #tpu.memory_space<vmem>>, %arg5: memref<1x256xf32, #tpu.memory_space<vmem>>, %arg6: memref<256x256xbf16, #tpu.memory_space<vmem>>, %arg7: memref<1x256xf32, #tpu.memory_space<vmem>>, %arg8: memref<1x256xf32, #tpu.memory_space<vmem>>, %arg9: memref<1x256xf32, #tpu.memory_space<vmem>>, %arg10: memref<2000x256xf32, #tpu.memory_space<vmem>>) attributes {dimension_semantics = [#tpu.dimension_semantics<arbitrary>], iteration_bounds = array<i64: 5>, scalar_prefetch = 0 : i64, scratch_operands = 0 : i64, tpu.core_type = #tpu.core_type<tc>, window_params = [{transform_indices = @transform_0, window_bounds = array<i64: 1, 1>}, {transform_indices = @transform_1, window_bounds = array<i64: 2, 2000, 128>}, {transform_indices = @transform_2, window_bounds = array<i64: 2, 2000, 128>}, {pipeline_mode = #tpu.pipeline_mode<synchronous>, transform_indices = @transform_3, window_bounds = array<i64: 256, 256>}, {pipeline_mode = #tpu.pipeline_mode<synchronous>, transform_indices = @transform_4, window_bounds = array<i64: 1, 256>}, {pipeline_mode = #tpu.pipeline_mode<synchronous>, transform_indices = @transform_5, window_bounds = array<i64: 256, 256>}, {pipeline_mode = #tpu.pipeline_mode<synchronous>, transform_indices = @transform_6, window_bounds = array<i64: 1, 256>}, {pipeline_mode = #tpu.pipeline_mode<synchronous>, transform_indices = @transform_7, window_bounds = array<i64: 1, 256>}, {pipeline_mode = #tpu.pipeline_mode<synchronous>, transform_indices = @transform_8, window_bounds = array<i64: 1, 256>}, {transform_indices = @transform_9, window_bounds = array<i64: 2000, 256>}]} {
    %get3A = arith.constant 0 : index
    %get3A_0 = arith.constant 0 : index
    %get3A_1 = arith.constant 0 : index
    %get3A_2 = vector.load %arg2[%get3A, %get3A_0, %get3A_1] : memref<2x2000x128xf32, #tpu.memory_space<vmem>>, vector<1x2000x128xf32>
    %get3A_3 = vector.shape_cast %get3A_2 : vector<1x2000x128xf32> to vector<2000x128xf32>
    %get3A_4 = arith.constant 1 : index
    %get3A_5 = arith.constant 0 : index
    %get3A_6 = arith.constant 0 : index
    %get3A_7 = vector.load %arg2[%get3A_4, %get3A_5, %get3A_6] : memref<2x2000x128xf32, #tpu.memory_space<vmem>>, vector<1x2000x128xf32>
    %get3A_8 = vector.shape_cast %get3A_7 : vector<1x2000x128xf32> to vector<2000x128xf32>
    %concatenate3A = tpu.concatenate %get3A_3, %get3A_8 in 1 : vector<2000x128xf32>, vector<2000x128xf32> -> vector<2000x256xf32>
    %get3A_9 = arith.constant 0 : index
    %get3A_10 = arith.constant 0 : index
    %get3A_11 = arith.constant 0 : index
    %get3A_12 = vector.load %arg3[%get3A_9, %get3A_10, %get3A_11] : memref<2x2000x128xf32, #tpu.memory_space<vmem>>, vector<1x2000x128xf32>
    %get3A_13 = vector.shape_cast %get3A_12 : vector<1x2000x128xf32> to vector<2000x128xf32>
    %get3A_14 = arith.constant 1 : index
    %get3A_15 = arith.constant 0 : index
    %get3A_16 = arith.constant 0 : index
    %get3A_17 = vector.load %arg3[%get3A_14, %get3A_15, %get3A_16] : memref<2x2000x128xf32, #tpu.memory_space<vmem>>, vector<1x2000x128xf32>
    %get3A_18 = vector.shape_cast %get3A_17 : vector<1x2000x128xf32> to vector<2000x128xf32>
    %concatenate3A_19 = tpu.concatenate %get3A_13, %get3A_18 in 1 : vector<2000x128xf32>, vector<2000x128xf32> -> vector<2000x256xf32>
    %get3A_20 = arith.constant 0 : index
    %get3A_21 = arith.constant 0 : index
    %get3A_22 = memref.load %arg1[%get3A_20, %get3A_21] : memref<1x1xf32, #tpu.memory_space<smem>>
    %add3A = arith.constant 1.000000e+00 : f32
    %add3A_23 = arith.addf %add3A, %get3A_22 : f32
    %mul3A = vector.broadcast %add3A_23 : f32 to vector<2000x256xf32>
    %mul3A_24 = arith.mulf %mul3A, %concatenate3A : vector<2000x256xf32>
    %add3A_25 = arith.addf %mul3A_24, %concatenate3A_19 : vector<2000x256xf32>
    %convert_element_type3A = arith.truncf %add3A_25 : vector<2000x256xf32> to vector<2000x256xbf16>
    %get3A_26 = arith.constant 0 : index
    %get3A_27 = arith.constant 0 : index
    %get3A_28 = vector.load %arg4[%get3A_26, %get3A_27] : memref<256x256xbf16, #tpu.memory_space<vmem>>, vector<256x256xbf16>
    %dot_general3A = arith.constant dense<0.000000e+00> : vector<2000x256xf32>
    %dot_general3A_29 = tpu.matmul %convert_element_type3A, %get3A_28, %dot_general3A {dimension_numbers = #tpu.dot_dimension_numbers<[1], [0], [0], [1], [0, 0, 1, 1], [], []>, transpose_lhs_hint = false} : vector<2000x256xbf16>, vector<256x256xbf16>, vector<2000x256xf32> -> vector<2000x256xf32>
    %get3A_30 = arith.constant 0 : index
    %get3A_31 = arith.constant 0 : index
    %get3A_32 = vector.load %arg5[%get3A_30, %get3A_31] : memref<1x256xf32, #tpu.memory_space<vmem>>, vector<1x256xf32>
    %add3A_33 = vector.broadcast %get3A_32 : vector<1x256xf32> to vector<2000x256xf32>
    %add3A_34 = arith.addf %dot_general3A_29, %add3A_33 : vector<2000x256xf32>
    %max3A = arith.constant 0.000000e+00 : f32
    %max3A_35 = vector.broadcast %max3A : f32 to vector<2000x256xf32>
    %max3A_36 = arith.maximumf %add3A_34, %max3A_35 : vector<2000x256xf32>
    %convert_element_type3A_37 = arith.truncf %max3A_36 : vector<2000x256xf32> to vector<2000x256xbf16>
    %get3A_38 = arith.constant 0 : index
    %get3A_39 = arith.constant 0 : index
    %get3A_40 = vector.load %arg6[%get3A_38, %get3A_39] : memref<256x256xbf16, #tpu.memory_space<vmem>>, vector<256x256xbf16>
    %dot_general3A_41 = arith.constant dense<0.000000e+00> : vector<2000x256xf32>
    %dot_general3A_42 = tpu.matmul %convert_element_type3A_37, %get3A_40, %dot_general3A_41 {dimension_numbers = #tpu.dot_dimension_numbers<[1], [0], [0], [1], [0, 0, 1, 1], [], []>, transpose_lhs_hint = false} : vector<2000x256xbf16>, vector<256x256xbf16>, vector<2000x256xf32> -> vector<2000x256xf32>
    %get3A_43 = arith.constant 0 : index
    %get3A_44 = arith.constant 0 : index
    %get3A_45 = vector.load %arg7[%get3A_43, %get3A_44] : memref<1x256xf32, #tpu.memory_space<vmem>>, vector<1x256xf32>
    %add3A_46 = vector.broadcast %get3A_45 : vector<1x256xf32> to vector<2000x256xf32>
    %add3A_47 = arith.addf %dot_general3A_42, %add3A_46 : vector<2000x256xf32>
    %add3A_48 = arith.addf %add3A_47, %concatenate3A : vector<2000x256xf32>
    %reduce_sum3A = arith.constant dense<0.000000e+00> : vector<2000xf32>
    %reduce_sum3A_49 = vector.multi_reduction <add>, %add3A_48, %reduce_sum3A [1] : vector<2000x256xf32> to vector<2000xf32>
    %broadcast_in_dim3A = vector.shape_cast %reduce_sum3A_49 : vector<2000xf32> to vector<2000x1xf32>
    %div3A = arith.constant 2.560000e+02 : f32
    %div3A_50 = vector.broadcast %div3A : f32 to vector<2000x1xf32>
    %div3A_51 = arith.divf %broadcast_in_dim3A, %div3A_50 : vector<2000x1xf32>
    %sub3A = vector.broadcast %div3A_51 : vector<2000x1xf32> to vector<2000x256xf32>
    %sub3A_52 = arith.subf %add3A_48, %sub3A : vector<2000x256xf32>
    %integer_pow3A = arith.mulf %sub3A_52, %sub3A_52 : vector<2000x256xf32>
    %reduce_sum3A_53 = arith.constant dense<0.000000e+00> : vector<2000xf32>
    %reduce_sum3A_54 = vector.multi_reduction <add>, %integer_pow3A, %reduce_sum3A_53 [1] : vector<2000x256xf32> to vector<2000xf32>
    %broadcast_in_dim3A_55 = vector.shape_cast %reduce_sum3A_54 : vector<2000xf32> to vector<2000x1xf32>
    %div3A_56 = arith.constant 2.560000e+02 : f32
    %div3A_57 = vector.broadcast %div3A_56 : f32 to vector<2000x1xf32>
    %div3A_58 = arith.divf %broadcast_in_dim3A_55, %div3A_57 : vector<2000x1xf32>
    %sub3A_59 = vector.broadcast %div3A_51 : vector<2000x1xf32> to vector<2000x256xf32>
    %sub3A_60 = arith.subf %add3A_48, %sub3A_59 : vector<2000x256xf32>
    %add3A_61 = arith.constant 9.99999974E-6 : f32
    %add3A_62 = vector.broadcast %add3A_61 : f32 to vector<2000x1xf32>
    %add3A_63 = arith.addf %div3A_58, %add3A_62 : vector<2000x1xf32>
    %rsqrt3A = math.rsqrt %add3A_63 : vector<2000x1xf32>
    %mul3A_64 = vector.broadcast %rsqrt3A : vector<2000x1xf32> to vector<2000x256xf32>
    %mul3A_65 = arith.mulf %sub3A_60, %mul3A_64 : vector<2000x256xf32>
    %get3A_66 = arith.constant 0 : index
    %get3A_67 = arith.constant 0 : index
    %get3A_68 = vector.load %arg8[%get3A_66, %get3A_67] : memref<1x256xf32, #tpu.memory_space<vmem>>, vector<1x256xf32>
    %mul3A_69 = vector.broadcast %get3A_68 : vector<1x256xf32> to vector<2000x256xf32>
    %mul3A_70 = arith.mulf %mul3A_65, %mul3A_69 : vector<2000x256xf32>
    %get3A_71 = arith.constant 0 : index
    %get3A_72 = arith.constant 0 : index
    %get3A_73 = vector.load %arg9[%get3A_71, %get3A_72] : memref<1x256xf32, #tpu.memory_space<vmem>>, vector<1x256xf32>
    %add3A_74 = vector.broadcast %get3A_73 : vector<1x256xf32> to vector<2000x256xf32>
    %add3A_75 = arith.addf %mul3A_70, %add3A_74 : vector<2000x256xf32>
    %max3A_76 = arith.constant 0.000000e+00 : f32
    %max3A_77 = vector.broadcast %max3A_76 : f32 to vector<2000x256xf32>
    %max3A_78 = arith.maximumf %add3A_75, %max3A_77 : vector<2000x256xf32>
    %swap3A = arith.constant 0 : index
    %swap3A_79 = arith.constant 0 : index
    %swap3A_80 = vector.load %arg10[%swap3A, %swap3A_79] : memref<2000x256xf32, #tpu.memory_space<vmem>>, vector<2000x256xf32>
    tpu.vector_store %arg10[%swap3A, %swap3A_79], %max3A_78 {strides = array<i32>} : memref<2000x256xf32, #tpu.memory_space<vmem>>, vector<2000x256xf32>,
    return
  }
  func.func @transform_0(%arg0: i32) -> (i32, i32) {
    %c0_i32 = arith.constant 0 : i32
    %c0_i32_0 = arith.constant 0 : i32
    %c0_i32_1 = arith.constant 0 : i32
    return %c0_i32, %c0_i32_0 : i32, i32
  }
  func.func @transform_1(%arg0: i32) -> (i32, i32, i32) {
    %c0_i32 = arith.constant 0 : i32
    %c0_i32_0 = arith.constant 0 : i32
    %c0_i32_1 = arith.constant 0 : i32
    return %c0_i32, %arg0, %c0_i32_0 : i32, i32, i32
  }
  func.func @transform_2(%arg0: i32) -> (i32, i32, i32) {
    %c0_i32 = arith.constant 0 : i32
    %c0_i32_0 = arith.constant 0 : i32
    %c0_i32_1 = arith.constant 0 : i32
    return %c0_i32, %arg0, %c0_i32_0 : i32, i32, i32
  }
  func.func @transform_3(%arg0: i32) -> (i32, i32) {
    %c0_i32 = arith.constant 0 : i32
    %c0_i32_0 = arith.constant 0 : i32
    %c0_i32_1 = arith.constant 0 : i32
    return %c0_i32, %c0_i32_0 : i32, i32
  }
  func.func @transform_4(%arg0: i32) -> (i32, i32) {
    %c0_i32 = arith.constant 0 : i32
    %c0_i32_0 = arith.constant 0 : i32
    %c0_i32_1 = arith.constant 0 : i32
    return %c0_i32, %c0_i32_0 : i32, i32
  }
  func.func @transform_5(%arg0: i32) -> (i32, i32) {
    %c0_i32 = arith.constant 0 : i32
    %c0_i32_0 = arith.constant 0 : i32
    %c0_i32_1 = arith.constant 0 : i32
    return %c0_i32, %c0_i32_0 : i32, i32
  }
  func.func @transform_6(%arg0: i32) -> (i32, i32) {
    %c0_i32 = arith.constant 0 : i32
    %c0_i32_0 = arith.constant 0 : i32
    %c0_i32_1 = arith.constant 0 : i32
    return %c0_i32, %c0_i32_0 : i32, i32
  }
  func.func @transform_7(%arg0: i32) -> (i32, i32) {
    %c0_i32 = arith.constant 0 : i32
    %c0_i32_0 = arith.constant 0 : i32
    %c0_i32_1 = arith.constant 0 : i32
    return %c0_i32, %c0_i32_0 : i32, i32
  }
  func.func @transform_8(%arg0: i32) -> (i32, i32) {
    %c0_i32 = arith.constant 0 : i32
    %c0_i32_0 = arith.constant 0 : i32
    %c0_i32_1 = arith.constant 0 : i32
    return %c0_i32, %c0_i32_0 : i32, i32
  }
  func.func @transform_9(%arg0: i32) -> (i32, i32) {
    %c0_i32 = arith.constant 0 : i32
    %c0_i32_0 = arith.constant 0 : i32
    return %arg0, %c0_i32 : i32, i32
  }
}

</mosaic_0001>

<sc_bundles>
// kernel: kernel.11.cloned.1.call-start
scs
__scs_entry_jumppad:
0x0: {  	(pc) =	sbr.rel $0x88, $3  }
0x1: {  	(tag) =	ssettag $0x0;
	lr =	simm.s32 $0x1  }
0x2: {  	[smem:$0x3F8A] =	sst lr;
	_ =	strace $0xD0000000  }
0x3: {  	_ = 	snop  }
0x4: {  	_ = 	snop  }
0x5: {  	_ = 	snop  }
0x6: {  	_ = 	snop  }
0x7: {  	_ = 	snop  }
__scs_overlays_trampoline_lowered:
0x8: {  	[smem:$0x3F99] =	sst s0  }
0x9: {  	[smem:$0x3F9A] =	sst s1  }
0xa: {  	[smem:$0x3F9B] =	sst s2  }
0xb: {  	[smem:$0x3F9C] =	sst s3  }
0xc: {  	[smem:$0x3F9D] =	sst s4  }
0xd: {  	[smem:$0x3F9E] =	sst s5  }
0xe: {  	[smem:$0x3F9F] =	sst s6  }
0xf: {  	[smem:$0x3FA0] =	sst s7  }
0x10: {  	[smem:$0x3FA1] =	sst s8  }
0x11: {  	[smem:$0x3FA2] =	sst s9;
	s0 =	simm.s32 @!p0 $0x0  }
0x12: {  	s1 =	sld [smem:$0x3F88];
	s0 =	simm.s32 @p0 $0x1  }
0x13: {  	[smem:$0x3FA3] =	sst s0;
	s0 =	simm.s32 @!p1 $0x0  }
0x14: {  	s2 =	sld [smem:$0x3F87];
	s0 =	simm.s32 @p1 $0x1  }
0x15: {  	[smem:$0x3FA4] =	sst s0;
	s0 =	simm.s32 @!p2 $0x0  }
0x16: {  	s3 =	sld [smem:$0x3FDB];
	s0 =	simm.s32 @p2 $0x1  }
0x17: {  	s4 =	simm.s32 $0x1BF5;
	[smem:$0x3FA6] =	sst s0  }
0x18: {  	s0 =	sld [smem:$0x3F89];
	_ =	swait.ge [sflag:s4], $0x0  }
0x19: {  	s7 =	sld [smem:$0x3F8A]  }
0x1a: {  	s8 =	sadd.s32 $0xFFFFE003, lr  }
0x1b: {  	s9 =	sadd.s32 $0xFFFFFEF7, lr;
	s5 =	simm.s32 $0xFFFFFFFF;
	p2 =	slt.u32 s8, $0xFFFFF086  }
0x1c: {  	p1 =	slt.u32 s9, $0xF7A;
	s5 =	simm.s32 @!p2 $0x0  }
0x1d: {  	s5 =	simm.s32 @p1 $0x1;
	p0 =	seq.s32 s7, s2  }
0x1e: {  	s7 =	smul.u32 @!p0 $0xF7A, s2;
	p2 =	seq.s32 @!p0 s5, $0x0  }
0x1f: {  	s9 =	smul.u32 $0xF7A, s1;
	s8 =	simm.s32 @!p0 $0x1BF5;
	p2 =	por !p2, p0  }
0x20: {  	[sflag:s8] =	ssyncset.s32 @!p0 $0xFFFFF086;
	s6 =	sadd.s32 @!p0 s3, s7;
	s7 =	simm.s32 @!p0 $0x108  }
0x21: {  	s3 =	sadd.s32 s3, s9;
	s6 =	sadd.s32 @!p0 $0x88, s6;
	s7 =	simm.s32 @p2 $0x1082  }
0x22: {  	[simem:s7], [sflag:s8] =	dma.local @!p0 [hbm:s6], $0xF7A  }
0x23: {  	s9 =	sor.u32 $0xD0000000, s2;
	s6 =	simm.s32 $0x108;
	_ =	swait.ge @!p0 [sflag:s8], $0x0  }
0x24: {  	s3 =	sadd.s32 $0x88, s3;
	s6 =	simm.s32 @!p1 $0x1082;
	[sflag:s4] =	ssyncset.s32 $0xFFFFF086  }
0x25: {  	[simem:s6], [sflag:s4] =	dma.local [hbm:s3], $0xF7A  }
0x26: {  	[smem:$0x3F8A] =	sst s1;
	(tag) =	ssettag s2;
	_ =	strace s9  }
0x27: {  	s1 =	sld [smem:$0x3F9A]  }
0x28: {  	s2 =	sld [smem:$0x3F9B]  }
0x29: {  	s4 =	sld [smem:$0x3F9D]  }
0x2a: {  	p0 =	seq.s32 s5, $0x0;
	s5 =	sld [smem:$0x3F9E]  }
0x2b: {  	s6 =	sld [smem:$0x3F9F]  }
0x2c: {  	s7 =	sld [smem:$0x3FA0]  }
0x2d: {  	s3 =	simm.s32 $0x108;
	s8 =	sld [smem:$0x3FA1]  }
0x2e: {  	s3 =	simm.s32 @!p0 $0x1082;
	s9 =	sld [smem:$0x3FA2]  }
0x2f: {  	lr =	sadd.s32 s0, s3;
	s0 =	sld [smem:$0x3F99]  }
0x30: {  	s3 =	sld [smem:$0x3F9C]  }
0x31: {  	[smem:$0x3FA5] =	sst s10  }
0x32: {  	s10 =	sld [smem:$0x3FA3];
	_ =	sdelay $0x3  }
0x33: {  	p0 =	seq.s32 s10, $0x1;
	s10 =	sld [smem:$0x3FA5];
	_ =	sdelay $0x3  }
0x34: {  	[smem:$0x3FA5] =	sst s10  }
0x35: {  	s10 =	sld [smem:$0x3FA4];
	_ =	sdelay $0x3  }
0x36: {  	p1 =	seq.s32 s10, $0x1;
	s10 =	sld [smem:$0x3FA5];
	_ =	sdelay $0x3  }
0x37: {  	[smem:$0x3FA5] =	sst s10  }
0x38: {  	s10 =	sld [smem:$0x3FA6]  }
0x39: {  	_ = 	snop;
	(pc) =	sbr.ind lr, $3  }
0x3a: {  	_ = 	snop  }
0x3b: {  	_ = 	snop  }
0x3c: {  	p2 =	seq.s32 s10, $0x1;
	s10 =	sld [smem:$0x3FA5]  }
0x3d: {  	_ =	shalt  }
0x3e: {  	_ =	shalt  }
0x3f: {  	_ =	shalt  }
0x40: {  	_ =	shalt  }
0x41: {  	_ =	shalt  }
0x42: {  	_ =	shalt  }
0x43: {  	_ =	shalt  }
0x44: {  	_ =	shalt  }
0x45: {  	_ =	shalt  }
0x46: {  	_ =	shalt  }
0x47: {  	_ =	shalt  }
0x48: {  	_ =	shalt  }
0x49: {  	_ =	shalt  }
0x4a: {  	_ =	shalt  }
0x4b: {  	_ =	shalt  }
0x4c: {  	_ =	shalt  }
0x4d: {  	_ =	shalt  }
0x4e: {  	_ =	shalt  }
0x4f: {  	_ =	shalt  }
0x50: {  	_ =	shalt  }
0x51: {  	_ =	shalt  }
0x52: {  	_ =	shalt  }
0x53: {  	_ =	shalt  }
0x54: {  	_ =	shalt  }
0x55: {  	_ =	shalt  }
0x56: {  	_ =	shalt  }
0x57: {  	_ =	shalt  }
0x58: {  	_ =	shalt  }
0x59: {  	_ =	shalt  }
0x5a: {  	_ =	shalt  }
0x5b: {  	_ =	shalt  }
0x5c: {  	_ =	shalt  }
0x5d: {  	_ =	shalt  }
0x5e: {  	_ =	shalt  }
0x5f: {  	_ =	shalt  }
0x60: {  	_ =	shalt  }
0x61: {  	_ =	shalt  }
0x62: {  	_ =	shalt  }
0x63: {  	_ =	shalt  }
0x64: {  	_ =	shalt  }
0x65: {  	_ =	shalt  }
0x66: {  	_ =	shalt  }
0x67: {  	_ =	shalt  }
0x68: {  	_ =	shalt  }
0x69: {  	_ =	shalt  }
0x6a: {  	_ =	shalt  }
0x6b: {  	_ =	shalt  }
0x6c: {  	_ =	shalt  }
0x6d: {  	_ =	shalt  }
0x6e: {  	_ =	shalt  }
0x6f: {  	_ =	shalt  }
0x70: {  	_ =	shalt  }
0x71: {  	_ =	shalt  }
0x72: {  	_ =	shalt  }
0x73: {  	_ =	shalt  }
0x74: {  	_ =	shalt  }
0x75: {  	_ =	shalt  }
0x76: {  	_ =	shalt  }
0x77: {  	_ =	shalt  }
0x78: {  	_ =	shalt  }
0x79: {  	_ =	shalt  }
0x7a: {  	_ =	shalt  }
0x7b: {  	_ =	shalt  }
0x7c: {  	_ =	shalt  }
0x7d: {  	_ =	shalt  }
0x7e: {  	_ =	shalt  }
0x7f: {  	_ =	shalt  }
0x80: {  	_ =	shalt  }
0x81: {  	_ =	shalt  }
0x82: {  	_ =	shalt  }
0x83: {  	_ =	shalt  }
0x84: {  	_ =	shalt  }
0x85: {  	_ =	shalt  }
0x86: {  	_ =	shalt  }
0x87: {  	_ =	shalt  }
.Lfunc_end0:
.L_simem_size_0:
called_computation.1_lowered:
.L_overlay_start_0:
0x88: {  	s2 =	sld [smem:$0x3FD9]  }
0x89: {  	s3 =	sld [smem:$0x3FFE];
	_ =	sdelay $0x1  }
0x8a: {  	s1 =	srdreg.scid  }
0x8b: {  	s0 =	sand.u32 $0x1, s1  }
0x8c: {  	s17 =	sshll.u32 s0, $0xA;
	s2 =	sadd.s32 s3, s2  }
0x8d: {  	s2 =	sadd.s32 s2, s17  }
0x8e: {  	[smem:$0x3FB1] =	sst s2  }
0x8f: {  	_ = 	snop  }
0x90: {  	s2 =	sld [smem:$0x3FD0];
	(tm) =	ssettm $0x1  }
0x91: {  	s18 =	sld [smem:$0x3FFB];
	_ =	sdelay $0x3  }
0x92: {  	_ =	strace s18  }
0x93: {  	s3 =	sld [smem:$0x3FFC];
	_ =	sdelay $0x3  }
0x94: {  	_ =	strace s3  }
0x95: {  	s3 =	sld [smem:$0x3FFD];
	_ =	sdelay $0x3  }
0x96: {  	_ =	strace s3  }
0x97: {  	_ =	strace $0x8FFFFFFF  }
0x98: {  	s19 =	sld [smem:$0x3FDB];
	_ =	sdelay $0x1  }
0x99: {  	s4 =	simm.s32 $_scs_section_size  }
0x9a: {  	s5 =	simm.s32 $_size__tile_overlayer_lowered;
	s6 =	simm.s32 $_tile_overlayer_lowered  }
0x9b: {  	s22 =	simm.s32 $0x1BFF;
	s21 =	sshll.u32 s6, $0x1;
	s3 =	sadd.s32 s4, s19  }
0x9c: {  	s7 =	simm.s32 $0x0;
	s20 =	sshll.u32 s5, $0x1;
	s5 =	sadd.s32 s21, s3  }
0x9d: {  	[timem:s7], [sflag:s22] =	dma.local [hbm:s5], s20  }
0x9e: {  	_ =	swait.ge [sflag:s22], s20  }
0x9f: {  	s4 =	ssub.s32 $0x0, s20;
	[sflag:s22] =	ssyncset.done $0x0  }
0xa0: {  	[sflag:s22] =	ssyncadd.s32 s4;
	_ =	sdelay $0x1  }
0xa1: {  	s23 =	simm.s32 $0x1B8B  }
0xa2: {  	_ =	swait.ge [sflag:s23], $0x1  }
0xa3: {  	[sflag:s23] =	ssyncset.done $0x0  }
0xa4: {  	s25 =	simm.s32 $0x1B8E;
	s24 =	sld [smem:$0x3FFE];
	[sflag:s23] =	ssyncadd.s32 $0xFFFFFFFF  }
0xa5: {  	s26 =	simm.s32 $execute0_lowered;
	[smem:$0x3FD2] =	sst s25  }
0xa6: {  	s5 =	sshll.u32 s26, $0x1;
	_ =	strace $0x80000049;
	[dreg:$0x1] =	wrdreg $0xFFFFFFFF  }
0xa7: {  	s28 =	simm.s32 $_size_execute0_lowered;
	s3 =	sadd.s32 s3, s5;
	[dreg:$0x0] =	wrdreg $0x0  }
0xa8: {  	s5 =	sshll.u32 s28, $0x1;
	[dreg:$0x2] =	wrdreg s3  }
0xa9: {  	[dreg:$0x3] =	wrdreg s5  }
0xaa: {  	[dreg:$0x4] =	wrdreg $0xC0  }
0xab: {  	_ =	task [dreg:s7], $0x5FFFF  }
0xac: {  	[dreg:$0x1] =	wrdreg $0xFFFFFFFF  }
0xad: {  	[dreg:$0x0] =	wrdreg $0x60  }
0xae: {  	[dreg:$0x2] =	wrdreg s2  }
0xaf: {  	[dreg:$0x3] =	wrdreg s24  }
0xb0: {  	[dreg:$0x4] =	wrdreg $0xB8000  }
0xb1: {  	[dreg:$0x5] =	wrdreg $0x9  }
0xb2: {  	_ =	task.clear_ibuf [dreg:s7], $0x6FFFF;
	_ =	strace $0x90000049  }
0xb3: {  	s29 =	simm.s32 $0x9;
	_ =	strace $0x8000004B  }
0xb4: {  	_ =	swait.ge [sflag:s29], $0x1  }
0xb5: {  	[sflag:s29] =	ssyncadd.s32 $0xFFFFFFFF  }
0xb6: {  	_ =	strace $0x9000004B  }
0xb7: {  	_ =	sfence  }
0xb8: {  	s30 =	sld [smem:$0x0];
	_ =	sdelay $0x2  }
0xb9: {  	s31 =	sshll.u32 s1, $0xD;
	s1 =	sshrl.u32 s1, $0x2  }
0xba: {  	s3 =	sand.u32 $0x4000, s31;
	s1 =	sadd.s32 s1, s30  }
0xbb: {  	s0 =	sor.u32 s3, s0;
	s1 =	sshll.u32 s1, $0x11  }
0xbc: {  	s0 =	sor.u32 s1, s0  }
0xbd: {  	s0 =	sadd.s32 $0x8F2B, s0  }
0xbe: {  	[sflag:s0] =	ssyncadd.remote.s32 $0x1  }
0xbf: {  	_ =	sfence.sel $0xFFFF  }
0xc0: {  	[dreg:$0x0] =	wrdreg $0xFFFFFFFF;
	(pc) =	sbr.abs _section_cstart, $3  }
0xc1: {  	[dreg:$0x1] =	wrdreg $0xFFFFFFFF  }
0xc2: {  	_ =	task.clear_ibuf [dreg:s7], $0x2FFFF;
	_ =	strace $0x9FFFFFFF  }
0xc3: {  	(tm) =	ssettm $0x7FFFFFFF  }
tec
execute0_lowered:
.L_overlay_start_1:
0x0: {  	(tag) =	ssettag $0x1  }
0x1: {  	s1 =	rddreg [dreg:$0x0]  }
0x2: {  	s0 =	rddreg [dreg:$0x1]  }
0x3: {  	s2 =	rddreg [dreg:$0x2];
	s4 =	simm.s32 $0x0  }
0x4: {  	s3 =	srdreg.scid;
	s21 =	stileid.u32;
	s28 =	simm.s32 $0x50  }
0x5: {  	s29 =	simm.s32 $0x6;
	s30 =	simm.s32 $0x4;
	s31 =	simm.s32 $0x5  }
0x6: {  	[smem:$0x7FF] =	sst s4;
	s3 =	sand.u32 $0x1, s3;
	s6 =	smul.u32 $0x5000, s21  }
0x7: {  	s5 =	sadd.s32 $0xF200, s0;
	s7 =	sadd.s32 $0x5200, s0;
	s13 =	smul.u32 $0x7D000, s21  }
0x8: {  	s8 =	sadd.s32 $0x23200, s0;
	s0 =	sadd.s32 $0x24000, s0;
	s14 =	smul.u32 $0x1F400, s21  }
0x9: {  	p0 =	sgt.u32 s21, $0x9;
	s9 =	smul.u32 $0x50000, s3;
	s10 =	ssub.s32 $0x2, s3  }
0xa: {  	_ =	strace $0x8000004A;
	s3 =	smul.u32 $0x138800, s3;
	s11 =	sshrl.u32 s10, $0x1  }
0xb: {  	s20 =	sshrl.u32 s6, $0x3;
	s13 =	sshrl.u32 s13, $0x2;
	s22 =	sadd.s32 $0x6400, s14  }
0xc: {  	s24 =	sadd.s32 $0xC800, s14;
	s9 =	sadd.s32 s6, s9;
	s12 =	ssub.s32 s10, s11  }
0xd: {  	s11 =	sadd.s32 s7, s20;
	s13 =	sadd.s32 s13, s2;
	s16 =	sadd.s32 s3, s14  }
0xe: {  	s17 =	sadd.s32 s3, s22;
	s25 =	sadd.s32 s3, s24;
	s19 =	sshrl.u32 s9, $0x3  }
0xf: {  	s12 =	smax.u32 s12, $0x1;
	s15 =	sadd.s32 $0x6400, s13;
	s20 =	sadd.s32 $0xC800, s13  }
0x10: {  	s16 =	sshrl.u32 s16, $0x3;
	s17 =	sshrl.u32 s17, $0x3;
	s10 =	sadd.s32 s5, s19  }
0x11: {  	[dreg:$0x4] =	wrdreg s12;
	s16 =	sadd.s32 s0, s16;
	s23 =	sadd.s32 s0, s17  }
0x12: {  	s19 =	sadd.s32 $0x12C00, s14;
	s14 =	sadd.s32 $0x19000, s14;
	s17 =	sshrl.u32 s25, $0x3  }
0x13: {  	s12 =	sadd.s32 s24, s2;
	s15 =	sshrl.u32 @!p0 s15, $0x3;
	[dreg:$0x5] =	wrdreg s16  }
0x14: {  	[dreg:$0x6] =	wrdreg s23;
	s18 =	sadd.s32 s3, s19;
	s3 =	sadd.s32 s3, s14  }
0x15: {  	s17 =	sadd.s32 s0, s17;
	s16 =	sadd.s32 s19, s2;
	s14 =	sadd.s32 s14, s2  }
0x16: {  	[dreg:$0xa] =	wrdreg s15;
	s15 =	sshrl.u32 @!p0 s20, $0x3;
	s20 =	smov.u32 s13  }
0x17: {  	s24 =	sshrl.u32 @!p0 s12, $0x3;
	[dreg:$0x7] =	wrdreg s17;
	s26 =	sshrl.u32 s18, $0x3  }
.Ltmp0:
0x18: {  	s3 =	sshrl.u32 s3, $0x3;
	[dreg:$0xb] =	wrdreg s15;
	(pc) =	sbr.rel .LBB2_1-.Ltmp0, $4  }
0x19: {  	s25 =	sshrl.u32 @!p0 s16, $0x3;
	s17 =	sadd.s32 s0, s26;
	s0 =	sadd.s32 s0, s3  }
0x1a: {  	s3 =	sadd.s32 s22, s2;
	[dreg:$0x9] =	wrdreg s0;
	s0 =	sadd.s32 $0x12C00, s13  }
0x1b: {  	s26 =	sshrl.u32 @!p0 s14, $0x3;
	s21 =	sshrl.u32 @!p0 s0, $0x3;
	s0 =	sadd.s32 $0x19000, s13  }
0x1c: {  	[dreg:$0x8] =	wrdreg s17;
	s23 =	sshrl.u32 @!p0 s3, $0x3;
	s22 =	sshrl.u32 @!p0 s0, $0x3  }
.LBB2_7:
0x1d: {  	_ =	swait.ge [sflag:s29], $0x2800  }
0x1e: {  	[sflag:s29] =	ssyncset.done $0x0  }
0x1f: {  	[sflag:s29] =	ssyncadd.s32 $0xFFFFD800  }
0x20: {  	_ =	swait.ge [sflag:s30], $0x2800  }
0x21: {  	[sflag:s30] =	ssyncset.done $0x0  }
0x22: {  	[sflag:s30] =	ssyncadd.s32 $0xFFFFD800  }
0x23: {  	_ =	swait.ge [sflag:s31], $0x2800  }
0x24: {  	[sflag:s31] =	ssyncset.done $0x0  }
0x25: {  	[sflag:s31] =	ssyncadd.s32 $0xFFFFD800  }
0x26: {  	[bflag:$0x0] =	sbarrier.arrive $0xFFFF  }
0x27: {  	s12 =	rddreg [dreg:$0x5]  }
0x28: {  	[hbm:s12], [sflag:s0] =	dma.local @!p0 [spmem:s3], $0xC80  }
0x29: {  	s3 =	rddreg [dreg:$0x6]  }
0x2a: {  	[hbm:s3], [sflag:s0] =	dma.local @!p0 [spmem:s23], $0xC80  }
0x2b: {  	s3 =	rddreg [dreg:$0x7]  }
0x2c: {  	[hbm:s3], [sflag:s0] =	dma.local @!p0 [spmem:s24], $0xC80  }
0x2d: {  	s3 =	rddreg [dreg:$0x8]  }
0x2e: {  	[hbm:s3], [sflag:s0] =	dma.local @!p0 [spmem:s25], $0xC80  }
0x2f: {  	s3 =	rddreg [dreg:$0x9]  }
0x30: {  	[hbm:s3], [sflag:s0] =	dma.local @!p0 [spmem:s26], $0xC80  }
0x31: {  	s0 =	simm.s32 @!p0 $0x9  }
0x32: {  	_ =	swait.ge @!p0 [sflag:s0], $0xC80  }
0x33: {  	[sflag:s0] =	ssyncset.done @!p0 $0x0  }
0x34: {  	[sflag:s0] =	ssyncadd.s32 @!p0 $0xFFFFF380  }
0x35: {  	_ =	swait.ge @!p0 [sflag:s0], $0xC80  }
0x36: {  	[sflag:s0] =	ssyncset.done @!p0 $0x0  }
0x37: {  	[sflag:s0] =	ssyncadd.s32 @!p0 $0xFFFFF380  }
0x38: {  	_ =	swait.ge @!p0 [sflag:s0], $0xC80  }
0x39: {  	[sflag:s0] =	ssyncset.done @!p0 $0x0  }
0x3a: {  	[sflag:s0] =	ssyncadd.s32 @!p0 $0xFFFFF380  }
0x3b: {  	_ =	swait.ge @!p0 [sflag:s0], $0xC80  }
0x3c: {  	[sflag:s0] =	ssyncset.done @!p0 $0x0  }
0x3d: {  	[sflag:s0] =	ssyncadd.s32 @!p0 $0xFFFFF380  }
0x3e: {  	_ =	swait.ge @!p0 [sflag:s0], $0xC80  }
0x3f: {  	s4 =	sadd.s32 $0x1, s4;
	s19 =	rddreg [dreg:$0x4]  }
0x40: {  	p1 =	sne.s32 s4, s19  }
.Ltmp1:
0x41: {  	_ = 	snop;
	(pc) =	sbr.rel @!p1 .LBB2_8-.Ltmp1, $3  }
0x42: {  	_ =	sdelay $0x1  }
0x43: {  	[sflag:s0] =	ssyncset.done @!p0 $0x0  }
0x44: {  	[sflag:s0] =	ssyncadd.s32 @!p0 $0xFFFFF380  }
.LBB2_1:
0x45: {  	s0 =	simm.s32 @p0 $0x0  }
0x46: {  	[tilespmem:s0], [sflag:$0x7] =	stream.linear.gather @p0 [hbm4b:s10+s0], $0xC80, $0x38;
	[tilespmem:$0x1F080] =	vst v63  }
0x47: {  	s3 =	simm.s32 @p0 $0x2000  }
0x48: {  	[tilespmem:s3], [sflag:$0x7] =	stream.linear.gather @p0 [hbm4b:s11+s0], $0xC80, $0x38;
	[tilespmem:$0x1F080] =	vst v63  }
0x49: {  	s0 =	stileid.u32  }
0x4a: {  	s0 =	sshll.u32 @!p0 s0, $0x6  }
0x4b: {  	s3 =	sshrl.u32 @!p0 s20, $0x3;
	s0 =	sor.u32 @!p0 $0x1C09, s0  }
0x4c: {  	[spmem:s3], [sflag:s0] =	dma.local @!p0 [hbm:s8], $0xC80  }
0x4d: {  	s12 =	rddreg [dreg:$0xa]  }
0x4e: {  	[spmem:s12], [sflag:s0] =	dma.local @!p0 [hbm:s8], $0xC80  }
0x4f: {  	s12 =	rddreg [dreg:$0xb]  }
0x50: {  	[spmem:s12], [sflag:s0] =	dma.local @!p0 [hbm:s8], $0xC80  }
0x51: {  	s12 =	simm.s32 @!p0 $0x0  }
0x52: {  	[spmem:s21], [sflag:s0] =	dma.local @!p0 [hbm:s8], $0xC80  }
0x53: {  	[spmem:s22], [sflag:s0] =	dma.local @!p0 [hbm:s8], $0xC80  }
0x54: {  	[tilespmem:s12], [sflag:$0x7] =	stream.linear.gather @!p0 [hbm4b:s10+s12], $0xC80, $0x38;
	[tilespmem:$0x1F080] =	vst v63  }
0x55: {  	s14 =	simm.s32 @!p0 $0x2000  }
0x56: {  	[tilespmem:s14], [sflag:$0x7] =	stream.linear.gather @!p0 [hbm4b:s11+s12], $0xC80, $0x38;
	[tilespmem:$0x1F080] =	vst v63  }
0x57: {  	s12 =	simm.s32 @!p0 $0x9  }
0x58: {  	_ =	swait.ge @!p0 [sflag:s12], $0xC80  }
0x59: {  	[sflag:s12] =	ssyncset.done @!p0 $0x0  }
0x5a: {  	[sflag:s12] =	ssyncadd.s32 @!p0 $0xFFFFF380  }
0x5b: {  	_ =	swait.ge @!p0 [sflag:s12], $0xC80  }
0x5c: {  	[sflag:s12] =	ssyncset.done @!p0 $0x0  }
0x5d: {  	[sflag:s12] =	ssyncadd.s32 @!p0 $0xFFFFF380  }
0x5e: {  	_ =	swait.ge @!p0 [sflag:s12], $0xC80  }
0x5f: {  	[sflag:s12] =	ssyncset.done @!p0 $0x0  }
0x60: {  	[sflag:s12] =	ssyncadd.s32 @!p0 $0xFFFFF380  }
0x61: {  	_ =	swait.ge @!p0 [sflag:s12], $0xC80  }
0x62: {  	[sflag:s12] =	ssyncset.done @!p0 $0x0  }
0x63: {  	[sflag:s12] =	ssyncadd.s32 @!p0 $0xFFFFF380  }
.Ltmp2:
0x64: {  	_ =	swait.ge @!p0 [sflag:s12], $0xC80;
	(pc) =	sbr.rel .LBB2_2-.Ltmp2, $4  }
0x65: {  	[sflag:s12] =	ssyncset.done @!p0 $0x0  }
0x66: {  	[sflag:s12] =	ssyncadd.s32 @!p0 $0xFFFFF380  }
0x67: {  	[bflag:$0x0] =	sbarrier.arrive $0xFFFF  }
0x68: {  	s12 =	simm.s32 $0x0  }
.LBB2_5:
0x69: {  	s13 =	smul.u32 $0xA000, s16  }
0x6a: {  	s17 =	sand.u32 $0xFF, s15;
	s18 =	sshll.u32 s14, $0xC;
	s19 =	sadd.s32 $0x1, s16  }
0x6b: {  	s18 =	sand.u32 $0x1000, s18;
	s17 =	sshll.u32 s17, $0x7;
	s13 =	sshra.s32 s13, $0x2  }
0x6c: {  	p1 =	sgt.u32 s12, $0x63;
	s17 =	sadd.s32 s17, s18;
	s13 =	sadd.s32 $0x4000, s13  }
0x6d: {  	[tilespmem:s13], [sflag:s19] =	stream.indirect.gather [hbm4b:s1+s28], $0x80, s17, s28, $0xb8;
	[tilespmem:$0x1F080] =	vst v63  }
0x6e: {  	s13 =	sand.u32 @!p1 $0xFF, s15  }
0x6f: {  	p2 =	sne.s32 @!p1 s13, $0x3  }
0x70: {  	p1 =	por p2, p1  }
0x71: {  	s13 =	sadd.s32 @!p1 $0x1, s14  }
0x72: {  	s14 =	sshll.u32 @!p1 s13, $0xC  }
0x73: {  	s17 =	simm.s32 @!p1 $0x0;
	s13 =	sand.u32 @!p1 $0x1, s13;
	s15 =	sadd.s32 @!p1 s9, s14  }
0x74: {  	s16 =	sadd.s32 @!p1 $0x7, s13;
	s14 =	sadd.s32 @!p1 s6, s14;
	s15 =	sshrl.u32 @!p1 s15, $0x3  }
0x75: {  	s13 =	sshll.u32 @!p1 s13, $0xC;
	s14 =	sshrl.u32 @!p1 s14, $0x3;
	s15 =	sadd.s32 @!p1 s5, s15  }
0x76: {  	[tilespmem:s13], [sflag:s16] =	stream.linear.gather @!p1 [hbm4b:s15+s17], $0xC80, $0x38;
	[tilespmem:$0x1F080] =	vst v63  }
0x77: {  	s14 =	sadd.s32 @!p1 s7, s14;
	s13 =	sor.u32 @!p1 $0x2000, s13  }
0x78: {  	[tilespmem:s13], [sflag:s16] =	stream.linear.gather @!p1 [hbm4b:s14+s17], $0xC80, $0x38;
	[tilespmem:$0x1F080] =	vst v63  }
.LBB2_6:
0x79: {  	s12 =	sadd.s32 $0x1, s12  }
0x7a: {  	p1 =	sne.s32 s12, $0x7F  }
.Ltmp3:
0x7b: {  	_ = 	snop;
	(pc) =	sbr.rel @!p1 .LBB2_7-.Ltmp3, $1  }
0x7c: {  	_ =	sdelay $0x3  }
.LBB2_2:
0x7d: {  	s14 =	smul.u32 $0x29, s12;
	_ =	sdelay $0x1  }
0x7e: {  	s14 =	sshrl.u32 s14, $0xA  }
0x7f: {  	s14 =	sand.u32 $0x3F, s14  }
0x80: {  	s15 =	smul.u32 $0x19, s14;
	_ =	sdelay $0x1  }
0x81: {  	p1 =	sgt.u32 s12, $0x7C;
	s15 =	ssub.s32 s12, s15  }
0x82: {  	s16 =	sand.u32 @!p1 $0xFF, s15  }
0x83: {  	p2 =	sne.s32 @!p1 s16, $0x0  }
0x84: {  	p2 =	por p2, p1  }
0x85: {  	s16 =	sand.u32 @!p2 $0x1, s14  }
0x86: {  	s16 =	sadd.s32 @!p2 $0x7, s16  }
0x87: {  	p3 =	slt.u32 s12, $0x2;
	_ =	swait.ge @!p2 [sflag:s16], $0xC80  }
.Ltmp4:
0x88: {  	[sflag:s16] =	ssyncset.done @!p2 $0x0;
	(pc) =	sbr.rel @p3 .LBB2_5-.Ltmp4, $4  }
0x89: {  	[sflag:s16] =	ssyncadd.s32 @!p2 $0xFFFFF380  }
0x8a: {  	_ =	swait.ge @!p2 [sflag:s16], $0xC80  }
0x8b: {  	[sflag:s16] =	ssyncset.done @!p2 $0x0  }
0x8c: {  	[sflag:s16] =	ssyncadd.s32 @!p2 $0xFFFFF380;
	s16 =	smov.u32 s12  }
0x8d: {  	s16 =	sadd.s32 $0xFFFFFFFE, s12  }
0x8e: {  	s17 =	sand.u32 $0xFF, s16  }
0x8f: {  	s18 =	smul.u32 $0xAB, s17  }
0x90: {  	s17 =	smul.u32 $0x29, s17  }
0x91: {  	s18 =	sshrl.u32 s18, $0x9  }
0x92: {  	s13 =	sshrl.u32 s17, $0xA;
	s18 =	smul.u32 $0x3, s18  }
0x93: {  	s13 =	smul.u32 $0x19, s13  }
0x94: {  	s18 =	ssub.s32 s16, s18  }
0x95: {  	s13 =	ssub.s32 s16, s13;
	s18 =	sand.u32 $0xFF, s18  }
0x96: {  	s17 =	sshll.u32 s17, $0x2;
	s13 =	sand.u32 $0xBF, s13;
	s19 =	smul.u32 $0xA000, s18  }
0x97: {  	s17 =	sand.u32 $0x1000, s17;
	s13 =	sshll.u32 s13, $0x7  }
.Ltmp5:
0x98: {  	s16 =	sshrl.u32 s19, $0x2;
	s19 =	sadd.s32 $0x1, s18;
	(pc) =	sbr.rel @p1 .LBB2_6-.Ltmp5, $4  }
0x99: {  	s13 =	sor.u32 s13, s17;
	_ =	swait.ge [sflag:s19], $0x2800  }
0x9a: {  	s13 =	sor.u32 $0x2000, s13;
	[sflag:s19] =	ssyncset.done $0x0  }
0x9b: {  	s16 =	sadd.s32 $0x4000, s16;
	[sflag:s19] =	ssyncadd.s32 $0xFFFFD800;
	s19 =	sor.u32 $0x4, s18  }
0x9c: {  	[spmem:s2] =	stream.indirect.scatter.add.f32 [tilespmem:s16], [sflag:s19], $0x80, s13, s28, $0xb8;
	[tilespmem:$0x1F080] =	vst v63  }
0x9d: {  	s13 =	smul.u32 $0xAB, s12;
	_ =	sdelay $0x1  }
0x9e: {  	s13 =	sshrl.u32 s13, $0x9  }
0x9f: {  	s13 =	sand.u32 $0x7F, s13  }
0xa0: {  	s13 =	smul.u32 $0x3, s13;
	_ =	sdelay $0x1  }
0xa1: {  	s13 =	ssub.s32 s12, s13  }
.Ltmp6:
0xa2: {  	p1 =	seq.s32 s12, $0x2;
	s16 =	sand.u32 $0xFF, s13;
	(pc) =	sbr.rel .LBB2_5-.Ltmp6, $4  }
0xa3: {  	s13 =	sadd.s32 @!p1 $0x4, s16  }
0xa4: {  	_ =	swait.ge @!p1 [sflag:s13], $0x2800  }
0xa5: {  	[sflag:s13] =	ssyncset.done @!p1 $0x0  }
0xa6: {  	[sflag:s13] =	ssyncadd.s32 @!p1 $0xFFFFD800  }
.LBB2_8:
0xa7: {  	_ =	sfence.sel $0x180000  }
0xa8: {  	[bflag:$0x0] =	sbarrier.arrive $0xFFFF  }
0xa9: {  	_ =	strace $0x9000004A  }
0xaa: {  	s0 =	stileid.u32;
	[bflag:$0x2] =	sbarrier.arrive $0xFFFF  }
0xab: {  	p0 =	sne.s32 s0, $0x0;
	s0 =	rddreg [dreg:$0x3]  }
0xac: {  	s0 =	sadd.s32 @!p0 $0x100000, s0  }
0xad: {  	[sflag:s0] =	ssyncadd.tile.s32 @!p0 $0x1;
	_ =	shalt  }
.Lfunc_end2:
_tile_overlayer_lowered:
.L_overlay_start_2:
0xae: {  	(tag) =	ssettag $0x2  }
0xaf: {  	s0 =	rddreg [dreg:$0x0];
	s2 =	stileid.u32  }
0xb0: {  	s1 =	rddreg [dreg:$0x1];
	p0 =	sne.s32 s2, $0x0  }
0xb1: {  	s3 =	rddreg [dreg:$0x2];
	[bflag:$0x3] =	sbarrier.arrive $0xFFFF;
	s2 =	simm.s32 @!p0 $0x1C0A  }
0xb2: {  	[timem:s3], [sflag:s2] =	dma.local @!p0 [hbm:s0], s1  }
0xb3: {  	s0 =	simm.s32 @!p0 $0xA  }
0xb4: {  	_ =	swait.ge @!p0 [sflag:s0], s1  }
0xb5: {  	s1 =	ssub.s32 @!p0 $0x0, s1;
	[sflag:s0] =	ssyncset.done @!p0 $0x0  }
0xb6: {  	[sflag:s0] =	ssyncadd.s32 @!p0 s1  }
0xb7: {  	[bflag:$0x3] =	sbarrier.arrive $0xFFFF  }
0xb8: {  	_ =	shalt  }

// kernel: kernel.14.cloned.1.call-start
scs
__scs_entry_jumppad:
0x0: {  	(pc) =	sbr.rel $0x88, $3  }
0x1: {  	(tag) =	ssettag $0x0;
	lr =	simm.s32 $0x1  }
0x2: {  	[smem:$0x3F8A] =	sst lr;
	_ =	strace $0xD0000000  }
0x3: {  	_ = 	snop  }
0x4: {  	_ = 	snop  }
0x5: {  	_ = 	snop  }
0x6: {  	_ = 	snop  }
0x7: {  	_ = 	snop  }
__scs_overlays_trampoline_lowered:
0x8: {  	[smem:$0x3F99] =	sst s0  }
0x9: {  	[smem:$0x3F9A] =	sst s1  }
0xa: {  	[smem:$0x3F9B] =	sst s2  }
0xb: {  	[smem:$0x3F9C] =	sst s3  }
0xc: {  	[smem:$0x3F9D] =	sst s4  }
0xd: {  	[smem:$0x3F9E] =	sst s5  }
0xe: {  	[smem:$0x3F9F] =	sst s6  }
0xf: {  	[smem:$0x3FA0] =	sst s7  }
0x10: {  	[smem:$0x3FA1] =	sst s8  }
0x11: {  	[smem:$0x3FA2] =	sst s9;
	s0 =	simm.s32 @!p0 $0x0  }
0x12: {  	s1 =	sld [smem:$0x3F88];
	s0 =	simm.s32 @p0 $0x1  }
0x13: {  	[smem:$0x3FA3] =	sst s0;
	s0 =	simm.s32 @!p1 $0x0  }
0x14: {  	s2 =	sld [smem:$0x3F87];
	s0 =	simm.s32 @p1 $0x1  }
0x15: {  	[smem:$0x3FA4] =	sst s0;
	s0 =	simm.s32 @!p2 $0x0  }
0x16: {  	s3 =	sld [smem:$0x3FDB];
	s0 =	simm.s32 @p2 $0x1  }
0x17: {  	s4 =	simm.s32 $0x1BF5;
	[smem:$0x3FA6] =	sst s0  }
0x18: {  	s0 =	sld [smem:$0x3F89];
	_ =	swait.ge [sflag:s4], $0x0  }
0x19: {  	s7 =	sld [smem:$0x3F8A]  }
0x1a: {  	s8 =	sadd.s32 $0xFFFFE003, lr  }
0x1b: {  	s9 =	sadd.s32 $0xFFFFFEF7, lr;
	s5 =	simm.s32 $0xFFFFFFFF;
	p2 =	slt.u32 s8, $0xFFFFF086  }
0x1c: {  	p1 =	slt.u32 s9, $0xF7A;
	s5 =	simm.s32 @!p2 $0x0  }
0x1d: {  	s5 =	simm.s32 @p1 $0x1;
	p0 =	seq.s32 s7, s2  }
0x1e: {  	s7 =	smul.u32 @!p0 $0xF7A, s2;
	p2 =	seq.s32 @!p0 s5, $0x0  }
0x1f: {  	s9 =	smul.u32 $0xF7A, s1;
	s8 =	simm.s32 @!p0 $0x1BF5;
	p2 =	por !p2, p0  }
0x20: {  	[sflag:s8] =	ssyncset.s32 @!p0 $0xFFFFF086;
	s6 =	sadd.s32 @!p0 s3, s7;
	s7 =	simm.s32 @!p0 $0x108  }
0x21: {  	s3 =	sadd.s32 s3, s9;
	s6 =	sadd.s32 @!p0 $0x88, s6;
	s7 =	simm.s32 @p2 $0x1082  }
0x22: {  	[simem:s7], [sflag:s8] =	dma.local @!p0 [hbm:s6], $0xF7A  }
0x23: {  	s9 =	sor.u32 $0xD0000000, s2;
	s6 =	simm.s32 $0x108;
	_ =	swait.ge @!p0 [sflag:s8], $0x0  }
0x24: {  	s3 =	sadd.s32 $0x88, s3;
	s6 =	simm.s32 @!p1 $0x1082;
	[sflag:s4] =	ssyncset.s32 $0xFFFFF086  }
0x25: {  	[simem:s6], [sflag:s4] =	dma.local [hbm:s3], $0xF7A  }
0x26: {  	[smem:$0x3F8A] =	sst s1;
	(tag) =	ssettag s2;
	_ =	strace s9  }
0x27: {  	s1 =	sld [smem:$0x3F9A]  }
0x28: {  	s2 =	sld [smem:$0x3F9B]  }
0x29: {  	s4 =	sld [smem:$0x3F9D]  }
0x2a: {  	p0 =	seq.s32 s5, $0x0;
	s5 =	sld [smem:$0x3F9E]  }
0x2b: {  	s6 =	sld [smem:$0x3F9F]  }
0x2c: {  	s7 =	sld [smem:$0x3FA0]  }
0x2d: {  	s3 =	simm.s32 $0x108;
	s8 =	sld [smem:$0x3FA1]  }
0x2e: {  	s3 =	simm.s32 @!p0 $0x1082;
	s9 =	sld [smem:$0x3FA2]  }
0x2f: {  	lr =	sadd.s32 s0, s3;
	s0 =	sld [smem:$0x3F99]  }
0x30: {  	s3 =	sld [smem:$0x3F9C]  }
0x31: {  	[smem:$0x3FA5] =	sst s10  }
0x32: {  	s10 =	sld [smem:$0x3FA3];
	_ =	sdelay $0x3  }
0x33: {  	p0 =	seq.s32 s10, $0x1;
	s10 =	sld [smem:$0x3FA5];
	_ =	sdelay $0x3  }
0x34: {  	[smem:$0x3FA5] =	sst s10  }
0x35: {  	s10 =	sld [smem:$0x3FA4];
	_ =	sdelay $0x3  }
0x36: {  	p1 =	seq.s32 s10, $0x1;
	s10 =	sld [smem:$0x3FA5];
	_ =	sdelay $0x3  }
0x37: {  	[smem:$0x3FA5] =	sst s10  }
0x38: {  	s10 =	sld [smem:$0x3FA6]  }
0x39: {  	_ = 	snop;
	(pc) =	sbr.ind lr, $3  }
0x3a: {  	_ = 	snop  }
0x3b: {  	_ = 	snop  }
0x3c: {  	p2 =	seq.s32 s10, $0x1;
	s10 =	sld [smem:$0x3FA5]  }
0x3d: {  	_ =	shalt  }
0x3e: {  	_ =	shalt  }
0x3f: {  	_ =	shalt  }
0x40: {  	_ =	shalt  }
0x41: {  	_ =	shalt  }
0x42: {  	_ =	shalt  }
0x43: {  	_ =	shalt  }
0x44: {  	_ =	shalt  }
0x45: {  	_ =	shalt  }
0x46: {  	_ =	shalt  }
0x47: {  	_ =	shalt  }
0x48: {  	_ =	shalt  }
0x49: {  	_ =	shalt  }
0x4a: {  	_ =	shalt  }
0x4b: {  	_ =	shalt  }
0x4c: {  	_ =	shalt  }
0x4d: {  	_ =	shalt  }
0x4e: {  	_ =	shalt  }
0x4f: {  	_ =	shalt  }
0x50: {  	_ =	shalt  }
0x51: {  	_ =	shalt  }
0x52: {  	_ =	shalt  }
0x53: {  	_ =	shalt  }
0x54: {  	_ =	shalt  }
0x55: {  	_ =	shalt  }
0x56: {  	_ =	shalt  }
0x57: {  	_ =	shalt  }
0x58: {  	_ =	shalt  }
0x59: {  	_ =	shalt  }
0x5a: {  	_ =	shalt  }
0x5b: {  	_ =	shalt  }
0x5c: {  	_ =	shalt  }
0x5d: {  	_ =	shalt  }
0x5e: {  	_ =	shalt  }
0x5f: {  	_ =	shalt  }
0x60: {  	_ =	shalt  }
0x61: {  	_ =	shalt  }
0x62: {  	_ =	shalt  }
0x63: {  	_ =	shalt  }
0x64: {  	_ =	shalt  }
0x65: {  	_ =	shalt  }
0x66: {  	_ =	shalt  }
0x67: {  	_ =	shalt  }
0x68: {  	_ =	shalt  }
0x69: {  	_ =	shalt  }
0x6a: {  	_ =	shalt  }
0x6b: {  	_ =	shalt  }
0x6c: {  	_ =	shalt  }
0x6d: {  	_ =	shalt  }
0x6e: {  	_ =	shalt  }
0x6f: {  	_ =	shalt  }
0x70: {  	_ =	shalt  }
0x71: {  	_ =	shalt  }
0x72: {  	_ =	shalt  }
0x73: {  	_ =	shalt  }
0x74: {  	_ =	shalt  }
0x75: {  	_ =	shalt  }
0x76: {  	_ =	shalt  }
0x77: {  	_ =	shalt  }
0x78: {  	_ =	shalt  }
0x79: {  	_ =	shalt  }
0x7a: {  	_ =	shalt  }
0x7b: {  	_ =	shalt  }
0x7c: {  	_ =	shalt  }
0x7d: {  	_ =	shalt  }
0x7e: {  	_ =	shalt  }
0x7f: {  	_ =	shalt  }
0x80: {  	_ =	shalt  }
0x81: {  	_ =	shalt  }
0x82: {  	_ =	shalt  }
0x83: {  	_ =	shalt  }
0x84: {  	_ =	shalt  }
0x85: {  	_ =	shalt  }
0x86: {  	_ =	shalt  }
0x87: {  	_ =	shalt  }
.Lfunc_end0:
.L_simem_size_0:
called_computation.2_lowered:
.L_overlay_start_0:
0x88: {  	s2 =	sld [smem:$0x3FD9]  }
0x89: {  	s3 =	sld [smem:$0x3FFE];
	_ =	sdelay $0x1  }
0x8a: {  	s1 =	srdreg.scid  }
0x8b: {  	s0 =	sand.u32 $0x1, s1  }
0x8c: {  	s17 =	sshll.u32 s0, $0xA;
	s2 =	sadd.s32 s3, s2  }
0x8d: {  	s2 =	sadd.s32 s2, s17  }
0x8e: {  	[smem:$0x3FB1] =	sst s2  }
0x8f: {  	_ = 	snop  }
0x90: {  	s2 =	sld [smem:$0x3FD0];
	(tm) =	ssettm $0x1  }
0x91: {  	s18 =	sld [smem:$0x3FFB];
	_ =	sdelay $0x3  }
0x92: {  	_ =	strace s18  }
0x93: {  	s3 =	sld [smem:$0x3FFC];
	_ =	sdelay $0x3  }
0x94: {  	_ =	strace s3  }
0x95: {  	s3 =	sld [smem:$0x3FFD];
	_ =	sdelay $0x3  }
0x96: {  	_ =	strace s3  }
0x97: {  	_ =	strace $0x8FFFFFFF  }
0x98: {  	s19 =	sld [smem:$0x3FDB];
	_ =	sdelay $0x1  }
0x99: {  	s4 =	simm.s32 $_scs_section_size  }
0x9a: {  	s5 =	simm.s32 $_size__tile_overlayer_lowered;
	s6 =	simm.s32 $_tile_overlayer_lowered  }
0x9b: {  	s22 =	simm.s32 $0x1BFF;
	s21 =	sshll.u32 s6, $0x1;
	s3 =	sadd.s32 s4, s19  }
0x9c: {  	s7 =	simm.s32 $0x0;
	s20 =	sshll.u32 s5, $0x1;
	s5 =	sadd.s32 s21, s3  }
0x9d: {  	[timem:s7], [sflag:s22] =	dma.local [hbm:s5], s20  }
0x9e: {  	_ =	swait.ge [sflag:s22], s20  }
0x9f: {  	s4 =	ssub.s32 $0x0, s20;
	[sflag:s22] =	ssyncset.done $0x0  }
0xa0: {  	[sflag:s22] =	ssyncadd.s32 s4;
	_ =	sdelay $0x1  }
0xa1: {  	s23 =	simm.s32 $0x1B8B  }
0xa2: {  	_ =	swait.ge [sflag:s23], $0x1  }
0xa3: {  	[sflag:s23] =	ssyncset.done $0x0  }
0xa4: {  	s25 =	simm.s32 $0x1B8E;
	s24 =	sld [smem:$0x3FFE];
	[sflag:s23] =	ssyncadd.s32 $0xFFFFFFFF  }
0xa5: {  	s26 =	simm.s32 $execute0_lowered;
	[smem:$0x3FD2] =	sst s25  }
0xa6: {  	s5 =	sshll.u32 s26, $0x1;
	_ =	strace $0x8000004C;
	[dreg:$0x1] =	wrdreg $0xFFFFFFFF  }
0xa7: {  	s28 =	simm.s32 $_size_execute0_lowered;
	s3 =	sadd.s32 s3, s5;
	[dreg:$0x0] =	wrdreg $0x0  }
0xa8: {  	s5 =	sshll.u32 s28, $0x1;
	[dreg:$0x2] =	wrdreg s3  }
0xa9: {  	[dreg:$0x3] =	wrdreg s5  }
0xaa: {  	[dreg:$0x4] =	wrdreg $0xC0  }
0xab: {  	_ =	task [dreg:s7], $0x5FFFF  }
0xac: {  	[dreg:$0x1] =	wrdreg $0xFFFFFFFF  }
0xad: {  	[dreg:$0x0] =	wrdreg $0x60  }
0xae: {  	[dreg:$0x2] =	wrdreg s2  }
0xaf: {  	[dreg:$0x3] =	wrdreg s24  }
0xb0: {  	[dreg:$0x4] =	wrdreg $0xB8000  }
0xb1: {  	[dreg:$0x5] =	wrdreg $0x9  }
0xb2: {  	_ =	task.clear_ibuf [dreg:s7], $0x6FFFF;
	_ =	strace $0x9000004C  }
0xb3: {  	s29 =	simm.s32 $0x9;
	_ =	strace $0x8000004E  }
0xb4: {  	_ =	swait.ge [sflag:s29], $0x1  }
0xb5: {  	[sflag:s29] =	ssyncadd.s32 $0xFFFFFFFF  }
0xb6: {  	_ =	strace $0x9000004E  }
0xb7: {  	_ =	sfence  }
0xb8: {  	s30 =	sld [smem:$0x0];
	_ =	sdelay $0x2  }
0xb9: {  	s31 =	sshll.u32 s1, $0xD;
	s1 =	sshrl.u32 s1, $0x2  }
0xba: {  	s3 =	sand.u32 $0x4000, s31;
	s1 =	sadd.s32 s1, s30  }
0xbb: {  	s0 =	sor.u32 s3, s0;
	s1 =	sshll.u32 s1, $0x11  }
0xbc: {  	s0 =	sor.u32 s1, s0  }
0xbd: {  	s0 =	sadd.s32 $0x8F2B, s0  }
0xbe: {  	[sflag:s0] =	ssyncadd.remote.s32 $0x1  }
0xbf: {  	_ =	sfence.sel $0xFFFF  }
0xc0: {  	[dreg:$0x0] =	wrdreg $0xFFFFFFFF;
	(pc) =	sbr.abs _section_cstart, $3  }
0xc1: {  	[dreg:$0x1] =	wrdreg $0xFFFFFFFF  }
0xc2: {  	_ =	task.clear_ibuf [dreg:s7], $0x2FFFF;
	_ =	strace $0x9FFFFFFF  }
0xc3: {  	(tm) =	ssettm $0x7FFFFFFF  }
tec
execute0_lowered:
.L_overlay_start_1:
0x0: {  	(tag) =	ssettag $0x1  }
0x1: {  	s1 =	rddreg [dreg:$0x0]  }
0x2: {  	s0 =	rddreg [dreg:$0x1]  }
0x3: {  	s2 =	rddreg [dreg:$0x2];
	s4 =	simm.s32 $0x0  }
0x4: {  	s3 =	srdreg.scid;
	s21 =	stileid.u32;
	s28 =	simm.s32 $0x50  }
0x5: {  	s29 =	simm.s32 $0x6;
	s30 =	simm.s32 $0x4;
	s31 =	simm.s32 $0x5  }
0x6: {  	[smem:$0x7FF] =	sst s4;
	s3 =	sand.u32 $0x1, s3;
	s6 =	smul.u32 $0x5000, s21  }
0x7: {  	s5 =	sadd.s32 $0xF200, s0;
	s7 =	sadd.s32 $0x5200, s0;
	s13 =	smul.u32 $0x7D000, s21  }
0x8: {  	s8 =	sadd.s32 $0x23200, s0;
	s0 =	sadd.s32 $0x24000, s0;
	s14 =	smul.u32 $0x1F400, s21  }
0x9: {  	p0 =	sgt.u32 s21, $0x9;
	s9 =	smul.u32 $0x50000, s3;
	s10 =	ssub.s32 $0x2, s3  }
0xa: {  	_ =	strace $0x8000004D;
	s3 =	smul.u32 $0x138800, s3;
	s11 =	sshrl.u32 s10, $0x1  }
0xb: {  	s20 =	sshrl.u32 s6, $0x3;
	s13 =	sshrl.u32 s13, $0x2;
	s22 =	sadd.s32 $0x6400, s14  }
0xc: {  	s24 =	sadd.s32 $0xC800, s14;
	s9 =	sadd.s32 s6, s9;
	s12 =	ssub.s32 s10, s11  }
0xd: {  	s11 =	sadd.s32 s7, s20;
	s13 =	sadd.s32 s13, s2;
	s16 =	sadd.s32 s3, s14  }
0xe: {  	s17 =	sadd.s32 s3, s22;
	s25 =	sadd.s32 s3, s24;
	s19 =	sshrl.u32 s9, $0x3  }
0xf: {  	s12 =	smax.u32 s12, $0x1;
	s15 =	sadd.s32 $0x6400, s13;
	s20 =	sadd.s32 $0xC800, s13  }
0x10: {  	s16 =	sshrl.u32 s16, $0x3;
	s17 =	sshrl.u32 s17, $0x3;
	s10 =	sadd.s32 s5, s19  }
0x11: {  	[dreg:$0x4] =	wrdreg s12;
	s16 =	sadd.s32 s0, s16;
	s23 =	sadd.s32 s0, s17  }
0x12: {  	s19 =	sadd.s32 $0x12C00, s14;
	s14 =	sadd.s32 $0x19000, s14;
	s17 =	sshrl.u32 s25, $0x3  }
0x13: {  	s12 =	sadd.s32 s24, s2;
	s15 =	sshrl.u32 @!p0 s15, $0x3;
	[dreg:$0x5] =	wrdreg s16  }
0x14: {  	[dreg:$0x6] =	wrdreg s23;
	s18 =	sadd.s32 s3, s19;
	s3 =	sadd.s32 s3, s14  }
0x15: {  	s17 =	sadd.s32 s0, s17;
	s16 =	sadd.s32 s19, s2;
	s14 =	sadd.s32 s14, s2  }
0x16: {  	[dreg:$0xa] =	wrdreg s15;
	s15 =	sshrl.u32 @!p0 s20, $0x3;
	s20 =	smov.u32 s13  }
0x17: {  	s24 =	sshrl.u32 @!p0 s12, $0x3;
	[dreg:$0x7] =	wrdreg s17;
	s26 =	sshrl.u32 s18, $0x3  }
.Ltmp0:
0x18: {  	s3 =	sshrl.u32 s3, $0x3;
	[dreg:$0xb] =	wrdreg s15;
	(pc) =	sbr.rel .LBB2_1-.Ltmp0, $4  }
0x19: {  	s25 =	sshrl.u32 @!p0 s16, $0x3;
	s17 =	sadd.s32 s0, s26;
	s0 =	sadd.s32 s0, s3  }
0x1a: {  	s3 =	sadd.s32 s22, s2;
	[dreg:$0x9] =	wrdreg s0;
	s0 =	sadd.s32 $0x12C00, s13  }
0x1b: {  	s26 =	sshrl.u32 @!p0 s14, $0x3;
	s21 =	sshrl.u32 @!p0 s0, $0x3;
	s0 =	sadd.s32 $0x19000, s13  }
0x1c: {  	[dreg:$0x8] =	wrdreg s17;
	s23 =	sshrl.u32 @!p0 s3, $0x3;
	s22 =	sshrl.u32 @!p0 s0, $0x3  }
.LBB2_7:
0x1d: {  	_ =	swait.ge [sflag:s29], $0x2800  }
0x1e: {  	[sflag:s29] =	ssyncset.done $0x0  }
0x1f: {  	[sflag:s29] =	ssyncadd.s32 $0xFFFFD800  }
0x20: {  	_ =	swait.ge [sflag:s30], $0x2800  }
0x21: {  	[sflag:s30] =	ssyncset.done $0x0  }
0x22: {  	[sflag:s30] =	ssyncadd.s32 $0xFFFFD800  }
0x23: {  	_ =	swait.ge [sflag:s31], $0x2800  }
0x24: {  	[sflag:s31] =	ssyncset.done $0x0  }
0x25: {  	[sflag:s31] =	ssyncadd.s32 $0xFFFFD800  }
0x26: {  	[bflag:$0x0] =	sbarrier.arrive $0xFFFF  }
0x27: {  	s12 =	rddreg [dreg:$0x5]  }
0x28: {  	[hbm:s12], [sflag:s0] =	dma.local @!p0 [spmem:s3], $0xC80  }
0x29: {  	s3 =	rddreg [dreg:$0x6]  }
0x2a: {  	[hbm:s3], [sflag:s0] =	dma.local @!p0 [spmem:s23], $0xC80  }
0x2b: {  	s3 =	rddreg [dreg:$0x7]  }
0x2c: {  	[hbm:s3], [sflag:s0] =	dma.local @!p0 [spmem:s24], $0xC80  }
0x2d: {  	s3 =	rddreg [dreg:$0x8]  }
0x2e: {  	[hbm:s3], [sflag:s0] =	dma.local @!p0 [spmem:s25], $0xC80  }
0x2f: {  	s3 =	rddreg [dreg:$0x9]  }
0x30: {  	[hbm:s3], [sflag:s0] =	dma.local @!p0 [spmem:s26], $0xC80  }
0x31: {  	s0 =	simm.s32 @!p0 $0x9  }
0x32: {  	_ =	swait.ge @!p0 [sflag:s0], $0xC80  }
0x33: {  	[sflag:s0] =	ssyncset.done @!p0 $0x0  }
0x34: {  	[sflag:s0] =	ssyncadd.s32 @!p0 $0xFFFFF380  }
0x35: {  	_ =	swait.ge @!p0 [sflag:s0], $0xC80  }
0x36: {  	[sflag:s0] =	ssyncset.done @!p0 $0x0  }
0x37: {  	[sflag:s0] =	ssyncadd.s32 @!p0 $0xFFFFF380  }
0x38: {  	_ =	swait.ge @!p0 [sflag:s0], $0xC80  }
0x39: {  	[sflag:s0] =	ssyncset.done @!p0 $0x0  }
0x3a: {  	[sflag:s0] =	ssyncadd.s32 @!p0 $0xFFFFF380  }
0x3b: {  	_ =	swait.ge @!p0 [sflag:s0], $0xC80  }
0x3c: {  	[sflag:s0] =	ssyncset.done @!p0 $0x0  }
0x3d: {  	[sflag:s0] =	ssyncadd.s32 @!p0 $0xFFFFF380  }
0x3e: {  	_ =	swait.ge @!p0 [sflag:s0], $0xC80  }
0x3f: {  	s4 =	sadd.s32 $0x1, s4;
	s19 =	rddreg [dreg:$0x4]  }
0x40: {  	p1 =	sne.s32 s4, s19  }
.Ltmp1:
0x41: {  	_ = 	snop;
	(pc) =	sbr.rel @!p1 .LBB2_8-.Ltmp1, $3  }
0x42: {  	_ =	sdelay $0x1  }
0x43: {  	[sflag:s0] =	ssyncset.done @!p0 $0x0  }
0x44: {  	[sflag:s0] =	ssyncadd.s32 @!p0 $0xFFFFF380  }
.LBB2_1:
0x45: {  	s0 =	simm.s32 @p0 $0x0  }
0x46: {  	[tilespmem:s0], [sflag:$0x7] =	stream.linear.gather @p0 [hbm4b:s10+s0], $0xC80, $0x38;
	[tilespmem:$0x1F080] =	vst v63  }
0x47: {  	s3 =	simm.s32 @p0 $0x2000  }
0x48: {  	[tilespmem:s3], [sflag:$0x7] =	stream.linear.gather @p0 [hbm4b:s11+s0], $0xC80, $0x38;
	[tilespmem:$0x1F080] =	vst v63  }
0x49: {  	s0 =	stileid.u32  }
0x4a: {  	s0 =	sshll.u32 @!p0 s0, $0x6  }
0x4b: {  	s3 =	sshrl.u32 @!p0 s20, $0x3;
	s0 =	sor.u32 @!p0 $0x1C09, s0  }
0x4c: {  	[spmem:s3], [sflag:s0] =	dma.local @!p0 [hbm:s8], $0xC80  }
0x4d: {  	s12 =	rddreg [dreg:$0xa]  }
0x4e: {  	[spmem:s12], [sflag:s0] =	dma.local @!p0 [hbm:s8], $0xC80  }
0x4f: {  	s12 =	rddreg [dreg:$0xb]  }
0x50: {  	[spmem:s12], [sflag:s0] =	dma.local @!p0 [hbm:s8], $0xC80  }
0x51: {  	s12 =	simm.s32 @!p0 $0x0  }
0x52: {  	[spmem:s21], [sflag:s0] =	dma.local @!p0 [hbm:s8], $0xC80  }
0x53: {  	[spmem:s22], [sflag:s0] =	dma.local @!p0 [hbm:s8], $0xC80  }
0x54: {  	[tilespmem:s12], [sflag:$0x7] =	stream.linear.gather @!p0 [hbm4b:s10+s12], $0xC80, $0x38;
	[tilespmem:$0x1F080] =	vst v63  }
0x55: {  	s14 =	simm.s32 @!p0 $0x2000  }
0x56: {  	[tilespmem:s14], [sflag:$0x7] =	stream.linear.gather @!p0 [hbm4b:s11+s12], $0xC80, $0x38;
	[tilespmem:$0x1F080] =	vst v63  }
0x57: {  	s12 =	simm.s32 @!p0 $0x9  }
0x58: {  	_ =	swait.ge @!p0 [sflag:s12], $0xC80  }
0x59: {  	[sflag:s12] =	ssyncset.done @!p0 $0x0  }
0x5a: {  	[sflag:s12] =	ssyncadd.s32 @!p0 $0xFFFFF380  }
0x5b: {  	_ =	swait.ge @!p0 [sflag:s12], $0xC80  }
0x5c: {  	[sflag:s12] =	ssyncset.done @!p0 $0x0  }
0x5d: {  	[sflag:s12] =	ssyncadd.s32 @!p0 $0xFFFFF380  }
0x5e: {  	_ =	swait.ge @!p0 [sflag:s12], $0xC80  }
0x5f: {  	[sflag:s12] =	ssyncset.done @!p0 $0x0  }
0x60: {  	[sflag:s12] =	ssyncadd.s32 @!p0 $0xFFFFF380  }
0x61: {  	_ =	swait.ge @!p0 [sflag:s12], $0xC80  }
0x62: {  	[sflag:s12] =	ssyncset.done @!p0 $0x0  }
0x63: {  	[sflag:s12] =	ssyncadd.s32 @!p0 $0xFFFFF380  }
.Ltmp2:
0x64: {  	_ =	swait.ge @!p0 [sflag:s12], $0xC80;
	(pc) =	sbr.rel .LBB2_2-.Ltmp2, $4  }
0x65: {  	[sflag:s12] =	ssyncset.done @!p0 $0x0  }
0x66: {  	[sflag:s12] =	ssyncadd.s32 @!p0 $0xFFFFF380  }
0x67: {  	[bflag:$0x0] =	sbarrier.arrive $0xFFFF  }
0x68: {  	s12 =	simm.s32 $0x0  }
.LBB2_5:
0x69: {  	s13 =	smul.u32 $0xA000, s16  }
0x6a: {  	s17 =	sand.u32 $0xFF, s15;
	s18 =	sshll.u32 s14, $0xC;
	s19 =	sadd.s32 $0x1, s16  }
0x6b: {  	s18 =	sand.u32 $0x1000, s18;
	s17 =	sshll.u32 s17, $0x7;
	s13 =	sshra.s32 s13, $0x2  }
0x6c: {  	p1 =	sgt.u32 s12, $0x63;
	s17 =	sadd.s32 s17, s18;
	s13 =	sadd.s32 $0x4000, s13  }
0x6d: {  	[tilespmem:s13], [sflag:s19] =	stream.indirect.gather [hbm4b:s1+s28], $0x80, s17, s28, $0xb8;
	[tilespmem:$0x1F080] =	vst v63  }
0x6e: {  	s13 =	sand.u32 @!p1 $0xFF, s15  }
0x6f: {  	p2 =	sne.s32 @!p1 s13, $0x3  }
0x70: {  	p1 =	por p2, p1  }
0x71: {  	s13 =	sadd.s32 @!p1 $0x1, s14  }
0x72: {  	s14 =	sshll.u32 @!p1 s13, $0xC  }
0x73: {  	s17 =	simm.s32 @!p1 $0x0;
	s13 =	sand.u32 @!p1 $0x1, s13;
	s15 =	sadd.s32 @!p1 s9, s14  }
0x74: {  	s16 =	sadd.s32 @!p1 $0x7, s13;
	s14 =	sadd.s32 @!p1 s6, s14;
	s15 =	sshrl.u32 @!p1 s15, $0x3  }
0x75: {  	s13 =	sshll.u32 @!p1 s13, $0xC;
	s14 =	sshrl.u32 @!p1 s14, $0x3;
	s15 =	sadd.s32 @!p1 s5, s15  }
0x76: {  	[tilespmem:s13], [sflag:s16] =	stream.linear.gather @!p1 [hbm4b:s15+s17], $0xC80, $0x38;
	[tilespmem:$0x1F080] =	vst v63  }
0x77: {  	s14 =	sadd.s32 @!p1 s7, s14;
	s13 =	sor.u32 @!p1 $0x2000, s13  }
0x78: {  	[tilespmem:s13], [sflag:s16] =	stream.linear.gather @!p1 [hbm4b:s14+s17], $0xC80, $0x38;
	[tilespmem:$0x1F080] =	vst v63  }
.LBB2_6:
0x79: {  	s12 =	sadd.s32 $0x1, s12  }
0x7a: {  	p1 =	sne.s32 s12, $0x7F  }
.Ltmp3:
0x7b: {  	_ = 	snop;
	(pc) =	sbr.rel @!p1 .LBB2_7-.Ltmp3, $1  }
0x7c: {  	_ =	sdelay $0x3  }
.LBB2_2:
0x7d: {  	s14 =	smul.u32 $0x29, s12;
	_ =	sdelay $0x1  }
0x7e: {  	s14 =	sshrl.u32 s14, $0xA  }
0x7f: {  	s14 =	sand.u32 $0x3F, s14  }
0x80: {  	s15 =	smul.u32 $0x19, s14;
	_ =	sdelay $0x1  }
0x81: {  	p1 =	sgt.u32 s12, $0x7C;
	s15 =	ssub.s32 s12, s15  }
0x82: {  	s16 =	sand.u32 @!p1 $0xFF, s15  }
0x83: {  	p2 =	sne.s32 @!p1 s16, $0x0  }
0x84: {  	p2 =	por p2, p1  }
0x85: {  	s16 =	sand.u32 @!p2 $0x1, s14  }
0x86: {  	s16 =	sadd.s32 @!p2 $0x7, s16  }
0x87: {  	p3 =	slt.u32 s12, $0x2;
	_ =	swait.ge @!p2 [sflag:s16], $0xC80  }
.Ltmp4:
0x88: {  	[sflag:s16] =	ssyncset.done @!p2 $0x0;
	(pc) =	sbr.rel @p3 .LBB2_5-.Ltmp4, $4  }
0x89: {  	[sflag:s16] =	ssyncadd.s32 @!p2 $0xFFFFF380  }
0x8a: {  	_ =	swait.ge @!p2 [sflag:s16], $0xC80  }
0x8b: {  	[sflag:s16] =	ssyncset.done @!p2 $0x0  }
0x8c: {  	[sflag:s16] =	ssyncadd.s32 @!p2 $0xFFFFF380;
	s16 =	smov.u32 s12  }
0x8d: {  	s16 =	sadd.s32 $0xFFFFFFFE, s12  }
0x8e: {  	s17 =	sand.u32 $0xFF, s16  }
0x8f: {  	s18 =	smul.u32 $0xAB, s17  }
0x90: {  	s17 =	smul.u32 $0x29, s17  }
0x91: {  	s18 =	sshrl.u32 s18, $0x9  }
0x92: {  	s13 =	sshrl.u32 s17, $0xA;
	s18 =	smul.u32 $0x3, s18  }
0x93: {  	s13 =	smul.u32 $0x19, s13  }
0x94: {  	s18 =	ssub.s32 s16, s18  }
0x95: {  	s13 =	ssub.s32 s16, s13;
	s18 =	sand.u32 $0xFF, s18  }
0x96: {  	s17 =	sshll.u32 s17, $0x2;
	s13 =	sand.u32 $0xBF, s13;
	s19 =	smul.u32 $0xA000, s18  }
0x97: {  	s17 =	sand.u32 $0x1000, s17;
	s13 =	sshll.u32 s13, $0x7  }
.Ltmp5:
0x98: {  	s16 =	sshrl.u32 s19, $0x2;
	s19 =	sadd.s32 $0x1, s18;
	(pc) =	sbr.rel @p1 .LBB2_6-.Ltmp5, $4  }
0x99: {  	s13 =	sor.u32 s13, s17;
	_ =	swait.ge [sflag:s19], $0x2800  }
0x9a: {  	s13 =	sor.u32 $0x2000, s13;
	[sflag:s19] =	ssyncset.done $0x0  }
0x9b: {  	s16 =	sadd.s32 $0x4000, s16;
	[sflag:s19] =	ssyncadd.s32 $0xFFFFD800;
	s19 =	sor.u32 $0x4, s18  }
0x9c: {  	[spmem:s2] =	stream.indirect.scatter.add.f32 [tilespmem:s16], [sflag:s19], $0x80, s13, s28, $0xb8;
	[tilespmem:$0x1F080] =	vst v63  }
0x9d: {  	s13 =	smul.u32 $0xAB, s12;
	_ =	sdelay $0x1  }
0x9e: {  	s13 =	sshrl.u32 s13, $0x9  }
0x9f: {  	s13 =	sand.u32 $0x7F, s13  }
0xa0: {  	s13 =	smul.u32 $0x3, s13;
	_ =	sdelay $0x1  }
0xa1: {  	s13 =	ssub.s32 s12, s13  }
.Ltmp6:
0xa2: {  	p1 =	seq.s32 s12, $0x2;
	s16 =	sand.u32 $0xFF, s13;
	(pc) =	sbr.rel .LBB2_5-.Ltmp6, $4  }
0xa3: {  	s13 =	sadd.s32 @!p1 $0x4, s16  }
0xa4: {  	_ =	swait.ge @!p1 [sflag:s13], $0x2800  }
0xa5: {  	[sflag:s13] =	ssyncset.done @!p1 $0x0  }
0xa6: {  	[sflag:s13] =	ssyncadd.s32 @!p1 $0xFFFFD800  }
.LBB2_8:
0xa7: {  	_ =	sfence.sel $0x180000  }
0xa8: {  	[bflag:$0x0] =	sbarrier.arrive $0xFFFF  }
0xa9: {  	_ =	strace $0x9000004D  }
0xaa: {  	s0 =	stileid.u32;
	[bflag:$0x2] =	sbarrier.arrive $0xFFFF  }
0xab: {  	p0 =	sne.s32 s0, $0x0;
	s0 =	rddreg [dreg:$0x3]  }
0xac: {  	s0 =	sadd.s32 @!p0 $0x100000, s0  }
0xad: {  	[sflag:s0] =	ssyncadd.tile.s32 @!p0 $0x1;
	_ =	shalt  }
.Lfunc_end2:
_tile_overlayer_lowered:
.L_overlay_start_2:
0xae: {  	(tag) =	ssettag $0x2  }
0xaf: {  	s0 =	rddreg [dreg:$0x0];
	s2 =	stileid.u32  }
0xb0: {  	s1 =	rddreg [dreg:$0x1];
	p0 =	sne.s32 s2, $0x0  }
0xb1: {  	s3 =	rddreg [dreg:$0x2];
	[bflag:$0x3] =	sbarrier.arrive $0xFFFF;
	s2 =	simm.s32 @!p0 $0x1C0A  }
0xb2: {  	[timem:s3], [sflag:s2] =	dma.local @!p0 [hbm:s0], s1  }
0xb3: {  	s0 =	simm.s32 @!p0 $0xA  }
0xb4: {  	_ =	swait.ge @!p0 [sflag:s0], s1  }
0xb5: {  	s1 =	ssub.s32 @!p0 $0x0, s1;
	[sflag:s0] =	ssyncset.done @!p0 $0x0  }
0xb6: {  	[sflag:s0] =	ssyncadd.s32 @!p0 s1  }
0xb7: {  	[bflag:$0x3] =	sbarrier.arrive $0xFFFF  }
0xb8: {  	_ =	shalt  }

// kernel: kernel.8.cloned.1.call-start
scs
__scs_entry_jumppad:
0x0: {  	(pc) =	sbr.rel $0x88, $3  }
0x1: {  	(tag) =	ssettag $0x0;
	lr =	simm.s32 $0x1  }
0x2: {  	[smem:$0x3F8A] =	sst lr;
	_ =	strace $0xD0000000  }
0x3: {  	_ = 	snop  }
0x4: {  	_ = 	snop  }
0x5: {  	_ = 	snop  }
0x6: {  	_ = 	snop  }
0x7: {  	_ = 	snop  }
__scs_overlays_trampoline_lowered:
0x8: {  	[smem:$0x3F99] =	sst s0  }
0x9: {  	[smem:$0x3F9A] =	sst s1  }
0xa: {  	[smem:$0x3F9B] =	sst s2  }
0xb: {  	[smem:$0x3F9C] =	sst s3  }
0xc: {  	[smem:$0x3F9D] =	sst s4  }
0xd: {  	[smem:$0x3F9E] =	sst s5  }
0xe: {  	[smem:$0x3F9F] =	sst s6  }
0xf: {  	[smem:$0x3FA0] =	sst s7  }
0x10: {  	[smem:$0x3FA1] =	sst s8  }
0x11: {  	[smem:$0x3FA2] =	sst s9;
	s0 =	simm.s32 @!p0 $0x0  }
0x12: {  	s1 =	sld [smem:$0x3F88];
	s0 =	simm.s32 @p0 $0x1  }
0x13: {  	[smem:$0x3FA3] =	sst s0;
	s0 =	simm.s32 @!p1 $0x0  }
0x14: {  	s2 =	sld [smem:$0x3F87];
	s0 =	simm.s32 @p1 $0x1  }
0x15: {  	[smem:$0x3FA4] =	sst s0;
	s0 =	simm.s32 @!p2 $0x0  }
0x16: {  	s3 =	sld [smem:$0x3FDB];
	s0 =	simm.s32 @p2 $0x1  }
0x17: {  	s4 =	simm.s32 $0x1BF5;
	[smem:$0x3FA6] =	sst s0  }
0x18: {  	s0 =	sld [smem:$0x3F89];
	_ =	swait.ge [sflag:s4], $0x0  }
0x19: {  	s7 =	sld [smem:$0x3F8A]  }
0x1a: {  	s8 =	sadd.s32 $0xFFFFE003, lr  }
0x1b: {  	s9 =	sadd.s32 $0xFFFFFEF7, lr;
	s5 =	simm.s32 $0xFFFFFFFF;
	p2 =	slt.u32 s8, $0xFFFFF086  }
0x1c: {  	p1 =	slt.u32 s9, $0xF7A;
	s5 =	simm.s32 @!p2 $0x0  }
0x1d: {  	s5 =	simm.s32 @p1 $0x1;
	p0 =	seq.s32 s7, s2  }
0x1e: {  	s7 =	smul.u32 @!p0 $0xF7A, s2;
	p2 =	seq.s32 @!p0 s5, $0x0  }
0x1f: {  	s9 =	smul.u32 $0xF7A, s1;
	s8 =	simm.s32 @!p0 $0x1BF5;
	p2 =	por !p2, p0  }
0x20: {  	[sflag:s8] =	ssyncset.s32 @!p0 $0xFFFFF086;
	s6 =	sadd.s32 @!p0 s3, s7;
	s7 =	simm.s32 @!p0 $0x108  }
0x21: {  	s3 =	sadd.s32 s3, s9;
	s6 =	sadd.s32 @!p0 $0x88, s6;
	s7 =	simm.s32 @p2 $0x1082  }
0x22: {  	[simem:s7], [sflag:s8] =	dma.local @!p0 [hbm:s6], $0xF7A  }
0x23: {  	s9 =	sor.u32 $0xD0000000, s2;
	s6 =	simm.s32 $0x108;
	_ =	swait.ge @!p0 [sflag:s8], $0x0  }
0x24: {  	s3 =	sadd.s32 $0x88, s3;
	s6 =	simm.s32 @!p1 $0x1082;
	[sflag:s4] =	ssyncset.s32 $0xFFFFF086  }
0x25: {  	[simem:s6], [sflag:s4] =	dma.local [hbm:s3], $0xF7A  }
0x26: {  	[smem:$0x3F8A] =	sst s1;
	(tag) =	ssettag s2;
	_ =	strace s9  }
0x27: {  	s1 =	sld [smem:$0x3F9A]  }
0x28: {  	s2 =	sld [smem:$0x3F9B]  }
0x29: {  	s4 =	sld [smem:$0x3F9D]  }
0x2a: {  	p0 =	seq.s32 s5, $0x0;
	s5 =	sld [smem:$0x3F9E]  }
0x2b: {  	s6 =	sld [smem:$0x3F9F]  }
0x2c: {  	s7 =	sld [smem:$0x3FA0]  }
0x2d: {  	s3 =	simm.s32 $0x108;
	s8 =	sld [smem:$0x3FA1]  }
0x2e: {  	s3 =	simm.s32 @!p0 $0x1082;
	s9 =	sld [smem:$0x3FA2]  }
0x2f: {  	lr =	sadd.s32 s0, s3;
	s0 =	sld [smem:$0x3F99]  }
0x30: {  	s3 =	sld [smem:$0x3F9C]  }
0x31: {  	[smem:$0x3FA5] =	sst s10  }
0x32: {  	s10 =	sld [smem:$0x3FA3];
	_ =	sdelay $0x3  }
0x33: {  	p0 =	seq.s32 s10, $0x1;
	s10 =	sld [smem:$0x3FA5];
	_ =	sdelay $0x3  }
0x34: {  	[smem:$0x3FA5] =	sst s10  }
0x35: {  	s10 =	sld [smem:$0x3FA4];
	_ =	sdelay $0x3  }
0x36: {  	p1 =	seq.s32 s10, $0x1;
	s10 =	sld [smem:$0x3FA5];
	_ =	sdelay $0x3  }
0x37: {  	[smem:$0x3FA5] =	sst s10  }
0x38: {  	s10 =	sld [smem:$0x3FA6]  }
0x39: {  	_ = 	snop;
	(pc) =	sbr.ind lr, $3  }
0x3a: {  	_ = 	snop  }
0x3b: {  	_ = 	snop  }
0x3c: {  	p2 =	seq.s32 s10, $0x1;
	s10 =	sld [smem:$0x3FA5]  }
0x3d: {  	_ =	shalt  }
0x3e: {  	_ =	shalt  }
0x3f: {  	_ =	shalt  }
0x40: {  	_ =	shalt  }
0x41: {  	_ =	shalt  }
0x42: {  	_ =	shalt  }
0x43: {  	_ =	shalt  }
0x44: {  	_ =	shalt  }
0x45: {  	_ =	shalt  }
0x46: {  	_ =	shalt  }
0x47: {  	_ =	shalt  }
0x48: {  	_ =	shalt  }
0x49: {  	_ =	shalt  }
0x4a: {  	_ =	shalt  }
0x4b: {  	_ =	shalt  }
0x4c: {  	_ =	shalt  }
0x4d: {  	_ =	shalt  }
0x4e: {  	_ =	shalt  }
0x4f: {  	_ =	shalt  }
0x50: {  	_ =	shalt  }
0x51: {  	_ =	shalt  }
0x52: {  	_ =	shalt  }
0x53: {  	_ =	shalt  }
0x54: {  	_ =	shalt  }
0x55: {  	_ =	shalt  }
0x56: {  	_ =	shalt  }
0x57: {  	_ =	shalt  }
0x58: {  	_ =	shalt  }
0x59: {  	_ =	shalt  }
0x5a: {  	_ =	shalt  }
0x5b: {  	_ =	shalt  }
0x5c: {  	_ =	shalt  }
0x5d: {  	_ =	shalt  }
0x5e: {  	_ =	shalt  }
0x5f: {  	_ =	shalt  }
0x60: {  	_ =	shalt  }
0x61: {  	_ =	shalt  }
0x62: {  	_ =	shalt  }
0x63: {  	_ =	shalt  }
0x64: {  	_ =	shalt  }
0x65: {  	_ =	shalt  }
0x66: {  	_ =	shalt  }
0x67: {  	_ =	shalt  }
0x68: {  	_ =	shalt  }
0x69: {  	_ =	shalt  }
0x6a: {  	_ =	shalt  }
0x6b: {  	_ =	shalt  }
0x6c: {  	_ =	shalt  }
0x6d: {  	_ =	shalt  }
0x6e: {  	_ =	shalt  }
0x6f: {  	_ =	shalt  }
0x70: {  	_ =	shalt  }
0x71: {  	_ =	shalt  }
0x72: {  	_ =	shalt  }
0x73: {  	_ =	shalt  }
0x74: {  	_ =	shalt  }
0x75: {  	_ =	shalt  }
0x76: {  	_ =	shalt  }
0x77: {  	_ =	shalt  }
0x78: {  	_ =	shalt  }
0x79: {  	_ =	shalt  }
0x7a: {  	_ =	shalt  }
0x7b: {  	_ =	shalt  }
0x7c: {  	_ =	shalt  }
0x7d: {  	_ =	shalt  }
0x7e: {  	_ =	shalt  }
0x7f: {  	_ =	shalt  }
0x80: {  	_ =	shalt  }
0x81: {  	_ =	shalt  }
0x82: {  	_ =	shalt  }
0x83: {  	_ =	shalt  }
0x84: {  	_ =	shalt  }
0x85: {  	_ =	shalt  }
0x86: {  	_ =	shalt  }
0x87: {  	_ =	shalt  }
.Lfunc_end0:
.L_simem_size_0:
called_computation_lowered:
.L_overlay_start_0:
0x88: {  	s2 =	sld [smem:$0x3FD9]  }
0x89: {  	s3 =	sld [smem:$0x3FFE];
	_ =	sdelay $0x1  }
0x8a: {  	s1 =	srdreg.scid  }
0x8b: {  	s0 =	sand.u32 $0x1, s1  }
0x8c: {  	s17 =	sshll.u32 s0, $0xA;
	s2 =	sadd.s32 s3, s2  }
0x8d: {  	s2 =	sadd.s32 s2, s17  }
0x8e: {  	[smem:$0x3FB1] =	sst s2  }
0x8f: {  	_ = 	snop  }
0x90: {  	s2 =	sld [smem:$0x3FD0];
	(tm) =	ssettm $0x1  }
0x91: {  	s18 =	sld [smem:$0x3FFB];
	_ =	sdelay $0x3  }
0x92: {  	_ =	strace s18  }
0x93: {  	s3 =	sld [smem:$0x3FFC];
	_ =	sdelay $0x3  }
0x94: {  	_ =	strace s3  }
0x95: {  	s3 =	sld [smem:$0x3FFD];
	_ =	sdelay $0x3  }
0x96: {  	_ =	strace s3  }
0x97: {  	_ =	strace $0x8FFFFFFF  }
0x98: {  	s19 =	sld [smem:$0x3FDB];
	_ =	sdelay $0x1  }
0x99: {  	s4 =	simm.s32 $_scs_section_size  }
0x9a: {  	s5 =	simm.s32 $_size__tile_overlayer_lowered;
	s6 =	simm.s32 $_tile_overlayer_lowered  }
0x9b: {  	s22 =	simm.s32 $0x1BFF;
	s21 =	sshll.u32 s6, $0x1;
	s3 =	sadd.s32 s4, s19  }
0x9c: {  	s7 =	simm.s32 $0x0;
	s20 =	sshll.u32 s5, $0x1;
	s5 =	sadd.s32 s21, s3  }
0x9d: {  	[timem:s7], [sflag:s22] =	dma.local [hbm:s5], s20  }
0x9e: {  	_ =	swait.ge [sflag:s22], s20  }
0x9f: {  	s4 =	ssub.s32 $0x0, s20;
	[sflag:s22] =	ssyncset.done $0x0  }
0xa0: {  	[sflag:s22] =	ssyncadd.s32 s4;
	_ =	sdelay $0x1  }
0xa1: {  	s23 =	simm.s32 $0x1B8B  }
0xa2: {  	_ =	swait.ge [sflag:s23], $0x1  }
0xa3: {  	[sflag:s23] =	ssyncset.done $0x0  }
0xa4: {  	s25 =	simm.s32 $0x1B8E;
	s24 =	sld [smem:$0x3FFE];
	[sflag:s23] =	ssyncadd.s32 $0xFFFFFFFF  }
0xa5: {  	s26 =	simm.s32 $execute0_lowered;
	[smem:$0x3FD2] =	sst s25  }
0xa6: {  	s5 =	sshll.u32 s26, $0x1;
	_ =	strace $0x80000046;
	[dreg:$0x1] =	wrdreg $0xFFFFFFFF  }
0xa7: {  	s28 =	simm.s32 $_size_execute0_lowered;
	s3 =	sadd.s32 s3, s5;
	[dreg:$0x0] =	wrdreg $0x0  }
0xa8: {  	s5 =	sshll.u32 s28, $0x1;
	[dreg:$0x2] =	wrdreg s3  }
0xa9: {  	[dreg:$0x3] =	wrdreg s5  }
0xaa: {  	[dreg:$0x4] =	wrdreg $0xC0  }
0xab: {  	_ =	task [dreg:s7], $0x5FFFF  }
0xac: {  	[dreg:$0x1] =	wrdreg $0xFFFFFFFF  }
0xad: {  	[dreg:$0x0] =	wrdreg $0x60  }
0xae: {  	[dreg:$0x2] =	wrdreg s2  }
0xaf: {  	[dreg:$0x3] =	wrdreg s24  }
0xb0: {  	[dreg:$0x4] =	wrdreg $0xB8000  }
0xb1: {  	[dreg:$0x5] =	wrdreg $0x9  }
0xb2: {  	_ =	task.clear_ibuf [dreg:s7], $0x6FFFF;
	_ =	strace $0x90000046  }
0xb3: {  	s29 =	simm.s32 $0x9;
	_ =	strace $0x80000048  }
0xb4: {  	_ =	swait.ge [sflag:s29], $0x1  }
0xb5: {  	[sflag:s29] =	ssyncadd.s32 $0xFFFFFFFF  }
0xb6: {  	_ =	strace $0x90000048  }
0xb7: {  	_ =	sfence  }
0xb8: {  	s30 =	sld [smem:$0x0];
	_ =	sdelay $0x2  }
0xb9: {  	s31 =	sshll.u32 s1, $0xD;
	s1 =	sshrl.u32 s1, $0x2  }
0xba: {  	s3 =	sand.u32 $0x4000, s31;
	s1 =	sadd.s32 s1, s30  }
0xbb: {  	s0 =	sor.u32 s3, s0;
	s1 =	sshll.u32 s1, $0x11  }
0xbc: {  	s0 =	sor.u32 s1, s0  }
0xbd: {  	s0 =	sadd.s32 $0x8F2B, s0  }
0xbe: {  	[sflag:s0] =	ssyncadd.remote.s32 $0x1  }
0xbf: {  	_ =	sfence.sel $0xFFFF  }
0xc0: {  	[dreg:$0x0] =	wrdreg $0xFFFFFFFF;
	(pc) =	sbr.abs _section_cstart, $3  }
0xc1: {  	[dreg:$0x1] =	wrdreg $0xFFFFFFFF  }
0xc2: {  	_ =	task.clear_ibuf [dreg:s7], $0x2FFFF;
	_ =	strace $0x9FFFFFFF  }
0xc3: {  	(tm) =	ssettm $0x7FFFFFFF  }
tec
execute0_lowered:
.L_overlay_start_1:
0x0: {  	(tag) =	ssettag $0x1  }
0x1: {  	s1 =	rddreg [dreg:$0x0]  }
0x2: {  	s0 =	rddreg [dreg:$0x1]  }
0x3: {  	s2 =	rddreg [dreg:$0x2];
	s4 =	simm.s32 $0x0  }
0x4: {  	s3 =	srdreg.scid;
	s21 =	stileid.u32;
	s28 =	simm.s32 $0x50  }
0x5: {  	s29 =	simm.s32 $0x6;
	s30 =	simm.s32 $0x4;
	s31 =	simm.s32 $0x5  }
0x6: {  	[smem:$0x7FF] =	sst s4;
	s3 =	sand.u32 $0x1, s3;
	s6 =	smul.u32 $0x5000, s21  }
0x7: {  	s5 =	sadd.s32 $0xF200, s0;
	s7 =	sadd.s32 $0x5200, s0;
	s13 =	smul.u32 $0x7D000, s21  }
0x8: {  	s8 =	sadd.s32 $0x23200, s0;
	s0 =	sadd.s32 $0x24000, s0;
	s14 =	smul.u32 $0x1F400, s21  }
0x9: {  	p0 =	sgt.u32 s21, $0x9;
	s9 =	smul.u32 $0x50000, s3;
	s10 =	ssub.s32 $0x2, s3  }
0xa: {  	_ =	strace $0x80000047;
	s3 =	smul.u32 $0x138800, s3;
	s11 =	sshrl.u32 s10, $0x1  }
0xb: {  	s20 =	sshrl.u32 s6, $0x3;
	s13 =	sshrl.u32 s13, $0x2;
	s22 =	sadd.s32 $0x6400, s14  }
0xc: {  	s24 =	sadd.s32 $0xC800, s14;
	s9 =	sadd.s32 s6, s9;
	s12 =	ssub.s32 s10, s11  }
0xd: {  	s11 =	sadd.s32 s7, s20;
	s13 =	sadd.s32 s13, s2;
	s16 =	sadd.s32 s3, s14  }
0xe: {  	s17 =	sadd.s32 s3, s22;
	s25 =	sadd.s32 s3, s24;
	s19 =	sshrl.u32 s9, $0x3  }
0xf: {  	s12 =	smax.u32 s12, $0x1;
	s15 =	sadd.s32 $0x6400, s13;
	s20 =	sadd.s32 $0xC800, s13  }
0x10: {  	s16 =	sshrl.u32 s16, $0x3;
	s17 =	sshrl.u32 s17, $0x3;
	s10 =	sadd.s32 s5, s19  }
0x11: {  	[dreg:$0x4] =	wrdreg s12;
	s16 =	sadd.s32 s0, s16;
	s23 =	sadd.s32 s0, s17  }
0x12: {  	s19 =	sadd.s32 $0x12C00, s14;
	s14 =	sadd.s32 $0x19000, s14;
	s17 =	sshrl.u32 s25, $0x3  }
0x13: {  	s12 =	sadd.s32 s24, s2;
	s15 =	sshrl.u32 @!p0 s15, $0x3;
	[dreg:$0x5] =	wrdreg s16  }
0x14: {  	[dreg:$0x6] =	wrdreg s23;
	s18 =	sadd.s32 s3, s19;
	s3 =	sadd.s32 s3, s14  }
0x15: {  	s17 =	sadd.s32 s0, s17;
	s16 =	sadd.s32 s19, s2;
	s14 =	sadd.s32 s14, s2  }
0x16: {  	[dreg:$0xa] =	wrdreg s15;
	s15 =	sshrl.u32 @!p0 s20, $0x3;
	s20 =	smov.u32 s13  }
0x17: {  	s24 =	sshrl.u32 @!p0 s12, $0x3;
	[dreg:$0x7] =	wrdreg s17;
	s26 =	sshrl.u32 s18, $0x3  }
.Ltmp0:
0x18: {  	s3 =	sshrl.u32 s3, $0x3;
	[dreg:$0xb] =	wrdreg s15;
	(pc) =	sbr.rel .LBB2_1-.Ltmp0, $4  }
0x19: {  	s25 =	sshrl.u32 @!p0 s16, $0x3;
	s17 =	sadd.s32 s0, s26;
	s0 =	sadd.s32 s0, s3  }
0x1a: {  	s3 =	sadd.s32 s22, s2;
	[dreg:$0x9] =	wrdreg s0;
	s0 =	sadd.s32 $0x12C00, s13  }
0x1b: {  	s26 =	sshrl.u32 @!p0 s14, $0x3;
	s21 =	sshrl.u32 @!p0 s0, $0x3;
	s0 =	sadd.s32 $0x19000, s13  }
0x1c: {  	[dreg:$0x8] =	wrdreg s17;
	s23 =	sshrl.u32 @!p0 s3, $0x3;
	s22 =	sshrl.u32 @!p0 s0, $0x3  }
.LBB2_7:
0x1d: {  	_ =	swait.ge [sflag:s29], $0x2800  }
0x1e: {  	[sflag:s29] =	ssyncset.done $0x0  }
0x1f: {  	[sflag:s29] =	ssyncadd.s32 $0xFFFFD800  }
0x20: {  	_ =	swait.ge [sflag:s30], $0x2800  }
0x21: {  	[sflag:s30] =	ssyncset.done $0x0  }
0x22: {  	[sflag:s30] =	ssyncadd.s32 $0xFFFFD800  }
0x23: {  	_ =	swait.ge [sflag:s31], $0x2800  }
0x24: {  	[sflag:s31] =	ssyncset.done $0x0  }
0x25: {  	[sflag:s31] =	ssyncadd.s32 $0xFFFFD800  }
0x26: {  	[bflag:$0x0] =	sbarrier.arrive $0xFFFF  }
0x27: {  	s12 =	rddreg [dreg:$0x5]  }
0x28: {  	[hbm:s12], [sflag:s0] =	dma.local @!p0 [spmem:s3], $0xC80  }
0x29: {  	s3 =	rddreg [dreg:$0x6]  }
0x2a: {  	[hbm:s3], [sflag:s0] =	dma.local @!p0 [spmem:s23], $0xC80  }
0x2b: {  	s3 =	rddreg [dreg:$0x7]  }
0x2c: {  	[hbm:s3], [sflag:s0] =	dma.local @!p0 [spmem:s24], $0xC80  }
0x2d: {  	s3 =	rddreg [dreg:$0x8]  }
0x2e: {  	[hbm:s3], [sflag:s0] =	dma.local @!p0 [spmem:s25], $0xC80  }
0x2f: {  	s3 =	rddreg [dreg:$0x9]  }
0x30: {  	[hbm:s3], [sflag:s0] =	dma.local @!p0 [spmem:s26], $0xC80  }
0x31: {  	s0 =	simm.s32 @!p0 $0x9  }
0x32: {  	_ =	swait.ge @!p0 [sflag:s0], $0xC80  }
0x33: {  	[sflag:s0] =	ssyncset.done @!p0 $0x0  }
0x34: {  	[sflag:s0] =	ssyncadd.s32 @!p0 $0xFFFFF380  }
0x35: {  	_ =	swait.ge @!p0 [sflag:s0], $0xC80  }
0x36: {  	[sflag:s0] =	ssyncset.done @!p0 $0x0  }
0x37: {  	[sflag:s0] =	ssyncadd.s32 @!p0 $0xFFFFF380  }
0x38: {  	_ =	swait.ge @!p0 [sflag:s0], $0xC80  }
0x39: {  	[sflag:s0] =	ssyncset.done @!p0 $0x0  }
0x3a: {  	[sflag:s0] =	ssyncadd.s32 @!p0 $0xFFFFF380  }
0x3b: {  	_ =	swait.ge @!p0 [sflag:s0], $0xC80  }
0x3c: {  	[sflag:s0] =	ssyncset.done @!p0 $0x0  }
0x3d: {  	[sflag:s0] =	ssyncadd.s32 @!p0 $0xFFFFF380  }
0x3e: {  	_ =	swait.ge @!p0 [sflag:s0], $0xC80  }
0x3f: {  	s4 =	sadd.s32 $0x1, s4;
	s19 =	rddreg [dreg:$0x4]  }
0x40: {  	p1 =	sne.s32 s4, s19  }
.Ltmp1:
0x41: {  	_ = 	snop;
	(pc) =	sbr.rel @!p1 .LBB2_8-.Ltmp1, $3  }
0x42: {  	_ =	sdelay $0x1  }
0x43: {  	[sflag:s0] =	ssyncset.done @!p0 $0x0  }
0x44: {  	[sflag:s0] =	ssyncadd.s32 @!p0 $0xFFFFF380  }
.LBB2_1:
0x45: {  	s0 =	simm.s32 @p0 $0x0  }
0x46: {  	[tilespmem:s0], [sflag:$0x7] =	stream.linear.gather @p0 [hbm4b:s10+s0], $0xC80, $0x38;
	[tilespmem:$0x1F080] =	vst v63  }
0x47: {  	s3 =	simm.s32 @p0 $0x2000  }
0x48: {  	[tilespmem:s3], [sflag:$0x7] =	stream.linear.gather @p0 [hbm4b:s11+s0], $0xC80, $0x38;
	[tilespmem:$0x1F080] =	vst v63  }
0x49: {  	s0 =	stileid.u32  }
0x4a: {  	s0 =	sshll.u32 @!p0 s0, $0x6  }
0x4b: {  	s3 =	sshrl.u32 @!p0 s20, $0x3;
	s0 =	sor.u32 @!p0 $0x1C09, s0  }
0x4c: {  	[spmem:s3], [sflag:s0] =	dma.local @!p0 [hbm:s8], $0xC80  }
0x4d: {  	s12 =	rddreg [dreg:$0xa]  }
0x4e: {  	[spmem:s12], [sflag:s0] =	dma.local @!p0 [hbm:s8], $0xC80  }
0x4f: {  	s12 =	rddreg [dreg:$0xb]  }
0x50: {  	[spmem:s12], [sflag:s0] =	dma.local @!p0 [hbm:s8], $0xC80  }
0x51: {  	s12 =	simm.s32 @!p0 $0x0  }
0x52: {  	[spmem:s21], [sflag:s0] =	dma.local @!p0 [hbm:s8], $0xC80  }
0x53: {  	[spmem:s22], [sflag:s0] =	dma.local @!p0 [hbm:s8], $0xC80  }
0x54: {  	[tilespmem:s12], [sflag:$0x7] =	stream.linear.gather @!p0 [hbm4b:s10+s12], $0xC80, $0x38;
	[tilespmem:$0x1F080] =	vst v63  }
0x55: {  	s14 =	simm.s32 @!p0 $0x2000  }
0x56: {  	[tilespmem:s14], [sflag:$0x7] =	stream.linear.gather @!p0 [hbm4b:s11+s12], $0xC80, $0x38;
	[tilespmem:$0x1F080] =	vst v63  }
0x57: {  	s12 =	simm.s32 @!p0 $0x9  }
0x58: {  	_ =	swait.ge @!p0 [sflag:s12], $0xC80  }
0x59: {  	[sflag:s12] =	ssyncset.done @!p0 $0x0  }
0x5a: {  	[sflag:s12] =	ssyncadd.s32 @!p0 $0xFFFFF380  }
0x5b: {  	_ =	swait.ge @!p0 [sflag:s12], $0xC80  }
0x5c: {  	[sflag:s12] =	ssyncset.done @!p0 $0x0  }
0x5d: {  	[sflag:s12] =	ssyncadd.s32 @!p0 $0xFFFFF380  }
0x5e: {  	_ =	swait.ge @!p0 [sflag:s12], $0xC80  }
0x5f: {  	[sflag:s12] =	ssyncset.done @!p0 $0x0  }
0x60: {  	[sflag:s12] =	ssyncadd.s32 @!p0 $0xFFFFF380  }
0x61: {  	_ =	swait.ge @!p0 [sflag:s12], $0xC80  }
0x62: {  	[sflag:s12] =	ssyncset.done @!p0 $0x0  }
0x63: {  	[sflag:s12] =	ssyncadd.s32 @!p0 $0xFFFFF380  }
.Ltmp2:
0x64: {  	_ =	swait.ge @!p0 [sflag:s12], $0xC80;
	(pc) =	sbr.rel .LBB2_2-.Ltmp2, $4  }
0x65: {  	[sflag:s12] =	ssyncset.done @!p0 $0x0  }
0x66: {  	[sflag:s12] =	ssyncadd.s32 @!p0 $0xFFFFF380  }
0x67: {  	[bflag:$0x0] =	sbarrier.arrive $0xFFFF  }
0x68: {  	s12 =	simm.s32 $0x0  }
.LBB2_5:
0x69: {  	s13 =	smul.u32 $0xA000, s16  }
0x6a: {  	s17 =	sand.u32 $0xFF, s15;
	s18 =	sshll.u32 s14, $0xC;
	s19 =	sadd.s32 $0x1, s16  }
0x6b: {  	s18 =	sand.u32 $0x1000, s18;
	s17 =	sshll.u32 s17, $0x7;
	s13 =	sshra.s32 s13, $0x2  }
0x6c: {  	p1 =	sgt.u32 s12, $0x63;
	s17 =	sadd.s32 s17, s18;
	s13 =	sadd.s32 $0x4000, s13  }
0x6d: {  	[tilespmem:s13], [sflag:s19] =	stream.indirect.gather [hbm4b:s1+s28], $0x80, s17, s28, $0xb8;
	[tilespmem:$0x1F080] =	vst v63  }
0x6e: {  	s13 =	sand.u32 @!p1 $0xFF, s15  }
0x6f: {  	p2 =	sne.s32 @!p1 s13, $0x3  }
0x70: {  	p1 =	por p2, p1  }
0x71: {  	s13 =	sadd.s32 @!p1 $0x1, s14  }
0x72: {  	s14 =	sshll.u32 @!p1 s13, $0xC  }
0x73: {  	s17 =	simm.s32 @!p1 $0x0;
	s13 =	sand.u32 @!p1 $0x1, s13;
	s15 =	sadd.s32 @!p1 s9, s14  }
0x74: {  	s16 =	sadd.s32 @!p1 $0x7, s13;
	s14 =	sadd.s32 @!p1 s6, s14;
	s15 =	sshrl.u32 @!p1 s15, $0x3  }
0x75: {  	s13 =	sshll.u32 @!p1 s13, $0xC;
	s14 =	sshrl.u32 @!p1 s14, $0x3;
	s15 =	sadd.s32 @!p1 s5, s15  }
0x76: {  	[tilespmem:s13], [sflag:s16] =	stream.linear.gather @!p1 [hbm4b:s15+s17], $0xC80, $0x38;
	[tilespmem:$0x1F080] =	vst v63  }
0x77: {  	s14 =	sadd.s32 @!p1 s7, s14;
	s13 =	sor.u32 @!p1 $0x2000, s13  }
0x78: {  	[tilespmem:s13], [sflag:s16] =	stream.linear.gather @!p1 [hbm4b:s14+s17], $0xC80, $0x38;
	[tilespmem:$0x1F080] =	vst v63  }
.LBB2_6:
0x79: {  	s12 =	sadd.s32 $0x1, s12  }
0x7a: {  	p1 =	sne.s32 s12, $0x7F  }
.Ltmp3:
0x7b: {  	_ = 	snop;
	(pc) =	sbr.rel @!p1 .LBB2_7-.Ltmp3, $1  }
0x7c: {  	_ =	sdelay $0x3  }
.LBB2_2:
0x7d: {  	s14 =	smul.u32 $0x29, s12;
	_ =	sdelay $0x1  }
0x7e: {  	s14 =	sshrl.u32 s14, $0xA  }
0x7f: {  	s14 =	sand.u32 $0x3F, s14  }
0x80: {  	s15 =	smul.u32 $0x19, s14;
	_ =	sdelay $0x1  }
0x81: {  	p1 =	sgt.u32 s12, $0x7C;
	s15 =	ssub.s32 s12, s15  }
0x82: {  	s16 =	sand.u32 @!p1 $0xFF, s15  }
0x83: {  	p2 =	sne.s32 @!p1 s16, $0x0  }
0x84: {  	p2 =	por p2, p1  }
0x85: {  	s16 =	sand.u32 @!p2 $0x1, s14  }
0x86: {  	s16 =	sadd.s32 @!p2 $0x7, s16  }
0x87: {  	p3 =	slt.u32 s12, $0x2;
	_ =	swait.ge @!p2 [sflag:s16], $0xC80  }
.Ltmp4:
0x88: {  	[sflag:s16] =	ssyncset.done @!p2 $0x0;
	(pc) =	sbr.rel @p3 .LBB2_5-.Ltmp4, $4  }
0x89: {  	[sflag:s16] =	ssyncadd.s32 @!p2 $0xFFFFF380  }
0x8a: {  	_ =	swait.ge @!p2 [sflag:s16], $0xC80  }
0x8b: {  	[sflag:s16] =	ssyncset.done @!p2 $0x0  }
0x8c: {  	[sflag:s16] =	ssyncadd.s32 @!p2 $0xFFFFF380;
	s16 =	smov.u32 s12  }
0x8d: {  	s16 =	sadd.s32 $0xFFFFFFFE, s12  }
0x8e: {  	s17 =	sand.u32 $0xFF, s16  }
0x8f: {  	s18 =	smul.u32 $0xAB, s17  }
0x90: {  	s17 =	smul.u32 $0x29, s17  }
0x91: {  	s18 =	sshrl.u32 s18, $0x9  }
0x92: {  	s13 =	sshrl.u32 s17, $0xA;
	s18 =	smul.u32 $0x3, s18  }
0x93: {  	s13 =	smul.u32 $0x19, s13  }
0x94: {  	s18 =	ssub.s32 s16, s18  }
0x95: {  	s13 =	ssub.s32 s16, s13;
	s18 =	sand.u32 $0xFF, s18  }
0x96: {  	s17 =	sshll.u32 s17, $0x2;
	s13 =	sand.u32 $0xBF, s13;
	s19 =	smul.u32 $0xA000, s18  }
0x97: {  	s17 =	sand.u32 $0x1000, s17;
	s13 =	sshll.u32 s13, $0x7  }
.Ltmp5:
0x98: {  	s16 =	sshrl.u32 s19, $0x2;
	s19 =	sadd.s32 $0x1, s18;
	(pc) =	sbr.rel @p1 .LBB2_6-.Ltmp5, $4  }
0x99: {  	s13 =	sor.u32 s13, s17;
	_ =	swait.ge [sflag:s19], $0x2800  }
0x9a: {  	s13 =	sor.u32 $0x2000, s13;
	[sflag:s19] =	ssyncset.done $0x0  }
0x9b: {  	s16 =	sadd.s32 $0x4000, s16;
	[sflag:s19] =	ssyncadd.s32 $0xFFFFD800;
	s19 =	sor.u32 $0x4, s18  }
0x9c: {  	[spmem:s2] =	stream.indirect.scatter.add.f32 [tilespmem:s16], [sflag:s19], $0x80, s13, s28, $0xb8;
	[tilespmem:$0x1F080] =	vst v63  }
0x9d: {  	s13 =	smul.u32 $0xAB, s12;
	_ =	sdelay $0x1  }
0x9e: {  	s13 =	sshrl.u32 s13, $0x9  }
0x9f: {  	s13 =	sand.u32 $0x7F, s13  }
0xa0: {  	s13 =	smul.u32 $0x3, s13;
	_ =	sdelay $0x1  }
0xa1: {  	s13 =	ssub.s32 s12, s13  }
.Ltmp6:
0xa2: {  	p1 =	seq.s32 s12, $0x2;
	s16 =	sand.u32 $0xFF, s13;
	(pc) =	sbr.rel .LBB2_5-.Ltmp6, $4  }
0xa3: {  	s13 =	sadd.s32 @!p1 $0x4, s16  }
0xa4: {  	_ =	swait.ge @!p1 [sflag:s13], $0x2800  }
0xa5: {  	[sflag:s13] =	ssyncset.done @!p1 $0x0  }
0xa6: {  	[sflag:s13] =	ssyncadd.s32 @!p1 $0xFFFFD800  }
.LBB2_8:
0xa7: {  	_ =	sfence.sel $0x180000  }
0xa8: {  	[bflag:$0x0] =	sbarrier.arrive $0xFFFF  }
0xa9: {  	_ =	strace $0x90000047  }
0xaa: {  	s0 =	stileid.u32;
	[bflag:$0x2] =	sbarrier.arrive $0xFFFF  }
0xab: {  	p0 =	sne.s32 s0, $0x0;
	s0 =	rddreg [dreg:$0x3]  }
0xac: {  	s0 =	sadd.s32 @!p0 $0x100000, s0  }
0xad: {  	[sflag:s0] =	ssyncadd.tile.s32 @!p0 $0x1;
	_ =	shalt  }
.Lfunc_end2:
_tile_overlayer_lowered:
.L_overlay_start_2:
0xae: {  	(tag) =	ssettag $0x2  }
0xaf: {  	s0 =	rddreg [dreg:$0x0];
	s2 =	stileid.u32  }
0xb0: {  	s1 =	rddreg [dreg:$0x1];
	p0 =	sne.s32 s2, $0x0  }
0xb1: {  	s3 =	rddreg [dreg:$0x2];
	[bflag:$0x3] =	sbarrier.arrive $0xFFFF;
	s2 =	simm.s32 @!p0 $0x1C0A  }
0xb2: {  	[timem:s3], [sflag:s2] =	dma.local @!p0 [hbm:s0], s1  }
0xb3: {  	s0 =	simm.s32 @!p0 $0xA  }
0xb4: {  	_ =	swait.ge @!p0 [sflag:s0], s1  }
0xb5: {  	s1 =	ssub.s32 @!p0 $0x0, s1;
	[sflag:s0] =	ssyncset.done @!p0 $0x0  }
0xb6: {  	[sflag:s0] =	ssyncadd.s32 @!p0 s1  }
0xb7: {  	[bflag:$0x3] =	sbarrier.arrive $0xFFFF  }
0xb8: {  	_ =	shalt  }

</sc_bundles>
